<compile_context>
chip_gen: v7x
topology: tpu7x:2x2x1
jax: 0.10.2.dev20260603
libtpu: 0.0.44.dev20260713+nightly
codegen_flags: <defaults>
</compile_context>

<pallas_src>
import functools

import jax
import jax.numpy as jnp
from jax import lax
from jax.experimental import pallas as pl
from jax.experimental.pallas import tpu as pltpu
from jax.experimental.pallas import tpu_sc as plsc

N = 10000
E = 320000
F = 128
LAT = 128
NC = 8
RS = 16
K1 = 5000
K2 = 2500

N_PAD = 10240
BR = 512
GRID = N_PAD // BR
C = 128
NW = 32
NCH = 79
E_PAD = NW * NCH * C


def _make_agg(f, with_deg):
    rpt = N_PAD // 16
    CH = 512
    mesh = plsc.VectorSubcoreMesh(core_axis_name="c", subcore_axis_name="s")

    out_type = [jax.ShapeDtypeStruct((2, N_PAD, f), jnp.float32)]
    scratch = [
        pltpu.VMEM((NCH, C), jnp.int32),
        pltpu.VMEM((NCH, C), jnp.int32),
        pltpu.VMEM((C, f), jnp.float32),
        pltpu.VMEM_SHARED((N_PAD, f), jnp.float32),
        pltpu.SemaphoreType.DMA,
    ]
    if with_deg:
        out_type.append(jax.ShapeDtypeStruct((2, N_PAD), jnp.float32))
        scratch += [
            pltpu.VMEM((C,), jnp.float32),
            pltpu.VMEM_SHARED((N_PAD,), jnp.float32),
            pltpu.SemaphoreType.DMA,
        ]

    @functools.partial(
        pl.kernel,
        out_type=tuple(out_type),
        mesh=mesh,
        scratch_types=scratch,
        compiler_params=pltpu.CompilerParams(use_tc_tiling_on_sc=False),
    )
    def agg(table, wtab, srcm, dstm, ztab, zcol, *rest):
        if with_deg:
            (acc_out, deg_out, srcv, dstv, gbuf, accs, gsem,
             wbuf, degs, wsem) = rest
        else:
            acc_out, srcv, dstv, gbuf, accs, gsem = rest
        c = lax.axis_index("c")
        s = lax.axis_index("s")
        wid = s * 2 + c
        r0 = s * rpt
        pltpu.sync_copy(ztab.at[pl.ds(r0, rpt)], accs.at[pl.ds(r0, rpt)])
        pltpu.sync_copy(srcm.at[wid], srcv)
        pltpu.sync_copy(dstm.at[wid], dstv)
        if with_deg:
            pltpu.sync_copy(zcol.at[pl.ds(r0, rpt)], degs.at[pl.ds(r0, rpt)])
        plsc.subcore_barrier()

        def body(j, carry):
            pltpu.async_copy(table.at[srcv.at[j]], gbuf, gsem).wait()
            if with_deg:
                pltpu.async_copy(wtab.at[srcv.at[j]], wbuf, wsem).wait()
            pltpu.sync_copy(gbuf, accs.at[dstv.at[j]], add=True)
            if with_deg:
                pltpu.sync_copy(wbuf, degs.at[dstv.at[j]], add=True)
            return carry

        lax.fori_loop(0, NCH, body, 0)
        plsc.subcore_barrier()
        pltpu.sync_copy(accs.at[pl.ds(r0, rpt)], acc_out.at[c, pl.ds(r0, rpt)])
        if with_deg:
            pltpu.sync_copy(degs.at[pl.ds(r0, rpt)],
                            deg_out.at[c, pl.ds(r0, rpt)])

    return agg


_agg_f_deg = _make_agg(F, True)
_agg_nc = _make_agg(NC, True)


def _mm_body(x_ref, w_ref, o_ref):
    o_ref[...] = jnp.dot(x_ref[...], w_ref[...],
                         preferred_element_type=jnp.float32)


def _conv_finish_body(y_ref, acc_ref, deg_ref, b_ref, p_ref, h_ref, s_ref):
    acc = acc_ref[0] + acc_ref[1]
    deg = deg_ref[0, :, 0] + deg_ref[1, :, 0]
    h = jax.nn.relu(y_ref[...] + acc / jnp.maximum(deg, 1.0)[:, None]
                    + b_ref[...])
    h_ref[...] = h
    p = p_ref[...]
    s_ref[...] = jnp.sum(h * p[None, :], axis=1) / jnp.sqrt(jnp.sum(p * p))


def _pool_table_body(h_ref, s_ref, kept_ref, w_ref, o_ref):
    t = jnp.tanh(s_ref[...])
    o_ref[...] = (jnp.dot(h_ref[...] * t[:, None], w_ref[...],
                          preferred_element_type=jnp.float32)
                  * kept_ref[...][:, None])


def _bottleneck_body(g1_ref, s1_ref, k1_ref, k0_ref, wb1_ref, bb1_ref,
                     wb2_ref, bb2_ref, wu0_ref, re_ref, baf_ref, dbl_ref,
                     o_ref):
    g1 = g1_ref[...]
    g = g1 * jnp.tanh(s1_ref[...])[:, None]
    w = wb1_ref[...]
    crow = (re_ref[0] * jnp.sum(w[LAT:LAT + RS], axis=0)
            + baf_ref[0] * jnp.sum(w[LAT + RS:LAT + 2 * RS], axis=0)
            + dbl_ref[0] * jnp.sum(w[LAT + 2 * RS:], axis=0)) + bb1_ref[...]
    hh = jax.nn.relu(jnp.dot(g, w[:LAT],
                             preferred_element_type=jnp.float32) + crow)
    h2 = jax.nn.relu(jnp.dot(hh, wb2_ref[...],
                             preferred_element_type=jnp.float32) + bb2_ref[...])
    wu = wu0_ref[...]
    o_ref[...] = ((jnp.dot(k1_ref[...][:, None] * h2, wu[:LAT],
                           preferred_element_type=jnp.float32)
                   + jnp.dot(g1, wu[LAT:],
                             preferred_element_type=jnp.float32))
                  * k0_ref[...][:, None])


def _up0_finish_body(y2_ref, acc_ref, deg_ref, b_ref, k0_ref, h1_ref,
                     wu1_ref, o_ref):
    acc = acc_ref[0] + acc_ref[1]
    deg = deg_ref[0, :, 0] + deg_ref[1, :, 0]
    g2 = jax.nn.relu(y2_ref[...] + acc / jnp.maximum(deg, 1.0)[:, None]
                     + b_ref[...])
    wu = wu1_ref[...]
    o_ref[...] = (jnp.dot(k0_ref[...][:, None] * g2, wu[:LAT],
                          preferred_element_type=jnp.float32)
                  + jnp.dot(h1_ref[...], wu[LAT:],
                            preferred_element_type=jnp.float32))


def _final_body(y3_ref, acc_ref, deg_ref, b_ref, o_ref):
    acc = acc_ref[0] + acc_ref[1]
    deg = deg_ref[0, :, 0] + deg_ref[1, :, 0]
    r = jax.nn.relu(y3_ref[...] + acc / jnp.maximum(deg, 1.0)[:, None]
                    + b_ref[...])
    m = jnp.max(r, axis=1, keepdims=True)
    lse = jnp.log(jnp.sum(jnp.exp(r - m), axis=1, keepdims=True)) + m
    o_ref[...] = r - lse


def _topk_body(k, s_ref, valid_ref, o_ref, b_ref):
    rows = N_PAD // 32
    s = s_ref[...]
    ub = lax.bitcast_convert_type(s, jnp.uint32)
    sign = ub >> jnp.uint32(31)
    ukey = jnp.where(sign == jnp.uint32(1), ~ub,
                     ub | jnp.uint32(0x80000000))
    ukey = jnp.where(valid_ref[...] > 0.0, ukey, jnp.uint32(0))

    def tbit(i, t):
        cand = t | (jnp.uint32(1) << (jnp.uint32(31) - i.astype(jnp.uint32)))
        cnt = jnp.sum(jnp.where(ukey >= cand, 1, 0).astype(jnp.int32))
        return jnp.where(cnt >= k, cand, t)

    thr = lax.fori_loop(0, 32, tbit, jnp.uint32(0))
    above = ukey > thr
    need = k - jnp.sum(jnp.where(above, 1, 0).astype(jnp.int32))
    tie = ukey == thr
    idx = (lax.broadcasted_iota(jnp.int32, (rows, 32), 0) * 32
           + lax.broadcasted_iota(jnp.int32, (rows, 32), 1))

    def mbit(i, t):
        cand = t | (1 << (13 - i))
        cnt = jnp.sum(jnp.where(tie & (idx < cand), 1, 0).astype(jnp.int32))
        return jnp.where(cnt < need, cand, t)

    mhat = lax.fori_loop(0, 14, mbit, jnp.int32(0))
    mstar = jnp.where(need > 0, mhat + 1, 0)
    kept = above | (tie & (idx < mstar))
    o_ref[...] = kept.astype(jnp.float32)
    sh = lax.broadcasted_iota(jnp.int32, (rows, 32), 1)
    b_ref[...] = jnp.sum(kept.astype(jnp.int32) << sh, axis=1)


def _row_spec(f):
    return pl.BlockSpec((BR, f), lambda i: (i, 0))


def _full_spec(shape):
    nd = len(shape)
    return pl.BlockSpec(shape, lambda i: (0,) * nd)


_VEC = pl.BlockSpec((BR,), lambda i: (i,))
_ACC = pl.BlockSpec((2, BR, F), lambda i: (0, i, 0))
_ACC8 = pl.BlockSpec((2, BR, NC), lambda i: (0, i, 0))
_DEG = pl.BlockSpec((2, BR, 1), lambda i: (0, i, 0))
_SMEM = pl.BlockSpec(memory_space=pltpu.SMEM)


def _call(body, in_specs, out_specs, out_shape, args, grid=(GRID,)):
    return pl.pallas_call(
        body, grid=grid, in_specs=in_specs, out_specs=out_specs,
        out_shape=out_shape)(*args)


def kernel(x, edge_index, batch, Re, bafflesze, dbl,
           W_down0, b_down0, W_down1, b_down1, p_pool0, p_pool1,
           W_bot1, b_bot1, W_bot2, b_bot2, W_up0, b_up0, W_up1, b_up1):
    src = edge_index[0].astype(jnp.int32)
    dst = edge_index[1].astype(jnp.int32)
    padn = jnp.full((E_PAD - E,), N, jnp.int32)
    srcm = jnp.concatenate([src, padn]).reshape(NW, NCH, C)
    dstm = jnp.concatenate([dst, padn]).reshape(NW, NCH, C)
    x_pad = jnp.pad(x, ((0, N_PAD - N), (0, 0)))
    row_valid = (jnp.arange(N_PAD) < N).astype(jnp.float32)
    zcol = jnp.zeros((N_PAD,), jnp.float32)
    ztab = jnp.zeros((N_PAD, F), jnp.float32)
    ztab8 = jnp.zeros((N_PAD, NC), jnp.float32)

    f32 = jnp.float32
    sds = jax.ShapeDtypeStruct

    y0 = _call(_mm_body, [_row_spec(F), _full_spec((F, F))], _row_spec(F),
               sds((N_PAD, F), f32), (x_pad, W_down0))
    acc0, deg0 = _agg_f_deg(y0, row_valid, srcm, dstm, ztab, zcol)
    h1, s0 = _call(
        _conv_finish_body,
        [_row_spec(F), _ACC, _DEG, _full_spec((F,)), _full_spec((F,))],
        (_row_spec(F), _VEC),
        (sds((N_PAD, F), f32), sds((N_PAD,), f32)),
        (y0, acc0, deg0.reshape(2, N_PAD, 1), b_down0, p_pool0))

    kept02, kbits0 = _call(
        functools.partial(_topk_body, K1),
        [_full_spec((N_PAD // 32, 32)), _full_spec((N_PAD // 32, 32))],
        (_full_spec((N_PAD // 32, 32)), _full_spec((N_PAD // 32,))),
        (sds((N_PAD // 32, 32), f32), sds((N_PAD // 32,), jnp.int32)),
        (s0.reshape(N_PAD // 32, 32), row_valid.reshape(N_PAD // 32, 32)),
        grid=(1,))
    kept0 = kept02.reshape(N_PAD)

    y1k = _call(_pool_table_body,
                [_row_spec(F), _VEC, _VEC, _full_spec((F, F))], _row_spec(F),
                sds((N_PAD, F), f32), (h1, s0, kept0, W_down1))
    acc1, deg1 = _agg_f_deg(y1k, kept0, srcm, dstm, ztab, zcol)
    g1, s1 = _call(
        _conv_finish_body,
        [_row_spec(F), _ACC, _DEG, _full_spec((F,)), _full_spec((F,))],
        (_row_spec(F), _VEC),
        (sds((N_PAD, F), f32), sds((N_PAD,), f32)),
        (y1k, acc1, deg1.reshape(2, N_PAD, 1), b_down1, p_pool1))

    kept12, _kbits1 = _call(
        functools.partial(_topk_body, K2),
        [_full_spec((N_PAD // 32, 32)), _full_spec((N_PAD // 32, 32))],
        (_full_spec((N_PAD // 32, 32)), _full_spec((N_PAD // 32,))),
        (sds((N_PAD // 32, 32), f32), sds((N_PAD // 32,), jnp.int32)),
        (s1.reshape(N_PAD // 32, 32), kept02), grid=(1,))
    kept1 = kept12.reshape(N_PAD)

    y2k = _call(
        _bottleneck_body,
        [_row_spec(F), _VEC, _VEC, _VEC, _full_spec((LAT + 3 * RS, 88)),
         _full_spec((88,)), _full_spec((88, LAT)), _full_spec((LAT,)),
         _full_spec((2 * LAT, F)), _SMEM, _SMEM, _SMEM],
        _row_spec(F), sds((N_PAD, F), f32),
        (g1, s1, kept1, kept0, W_bot1, b_bot1, W_bot2, b_bot2, W_up0,
         Re, bafflesze, dbl))
    acc2, deg2 = _agg_f_deg(y2k, kept0, srcm, dstm, ztab, zcol)
    y3 = _call(
        _up0_finish_body,
        [_row_spec(F), _ACC, _DEG, _full_spec((F,)), _VEC, _row_spec(F),
         _full_spec((2 * LAT, NC))],
        _row_spec(NC), sds((N_PAD, NC), f32),
        (y2k, acc2, deg2.reshape(2, N_PAD, 1), b_up0, kept0, h1, W_up1))

    acc3, deg3 = _agg_nc(y3, row_valid, srcm, dstm, ztab8, zcol)
    out = _call(
        _final_body,
        [_row_spec(NC), _ACC8, _DEG, _full_spec((NC,))],
        _row_spec(NC), sds((N_PAD, NC), f32),
        (y3, acc3, deg3.reshape(2, N_PAD, 1), b_up1))
    return out[:N]

# --- scband reference (transcript-rebuilt; emitter-appended) ---
"""Pipeline reference for scband-age-net-69664369541314 (READ-ONLY COPY).

The authoritative reference and input builder live on the scoring server;
editing this copy changes nothing except your own understanding.
"""

import jax, jax.numpy as jnp
import numpy as np

N = 10000; E = 320000; F = 128; LAT = 128; NC = 8; RS = 16
K1 = 5000; K2 = 2500
BOT_IN = LAT + 3 * RS
BOT_MID = BOT_IN // 2


def gconv(x, src, dst, valid, W, b, n):
    # mean-aggregation graph conv with validity-masked edges (static shapes)
    msg = x[src] * valid[:, None]
    agg = jax.ops.segment_sum(msg, dst, num_segments=n)
    deg = jax.ops.segment_sum(valid, dst, num_segments=n)
    agg = agg / jnp.maximum(deg, 1.0)[:, None]
    return jax.nn.relu((x + agg) @ W + b)


def topk_pool(x, p, k):
    s = (x @ p) / jnp.linalg.norm(p)
    _, perm = jax.lax.top_k(s, k)
    xk = x[perm] * jnp.tanh(s[perm])[:, None]
    return xk, perm


def pool_map(src, dst, valid, perm, n_prev, k):
    kept = jnp.zeros((n_prev,), bool).at[perm].set(True)
    mapping = jnp.zeros((n_prev,), jnp.int32).at[perm].set(jnp.arange(k, dtype=jnp.int32))
    v = valid * kept[src].astype(valid.dtype) * kept[dst].astype(valid.dtype)
    new_src = jnp.where(kept[src], mapping[src], 0)
    new_dst = jnp.where(kept[dst], mapping[dst], 0)
    return new_src, new_dst, v


def setup_inputs(seed: int = 0):
    key = jax.random.key(seed)
    ks = jax.random.split(key, 24)
    inp = {}
    inp["x"] = jax.random.normal(ks[0], (N, F), jnp.float32)
    inp["edge_index"] = jax.random.randint(ks[1], (2, E), 0, N)
    inp["batch"] = jnp.zeros((N,), jnp.int32)
    inp["Re"] = jax.random.uniform(ks[2], (1,), jnp.float32)
    inp["bafflesze"] = jax.random.uniform(ks[3], (1,), jnp.float32)
    inp["dbl"] = jax.random.uniform(ks[4], (1,), jnp.float32)

    def w(k, shape):
        return jax.random.normal(k, shape, jnp.float32) * 0.05

    inp["W_down0"] = w(ks[5], (F, F)); inp["b_down0"] = jnp.zeros((F,), jnp.float32)
    inp["W_down1"] = w(ks[6], (F, F)); inp["b_down1"] = jnp.zeros((F,), jnp.float32)
    inp["p_pool0"] = w(ks[7], (F,)) + 0.01
    inp["p_pool1"] = w(ks[8], (F,)) + 0.01
    inp["W_bot1"] = w(ks[9], (BOT_IN, BOT_MID)); inp["b_bot1"] = jnp.zeros((BOT_MID,), jnp.float32)
    inp["W_bot2"] = w(ks[10], (BOT_MID, LAT)); inp["b_bot2"] = jnp.zeros((LAT,), jnp.float32)
    inp["W_up0"] = w(ks[11], (2 * LAT, 128)); inp["b_up0"] = jnp.zeros((128,), jnp.float32)
    inp["W_up1"] = w(ks[12], (256, NC)); inp["b_up1"] = jnp.zeros((NC,), jnp.float32)
    return inp


def reference(x, edge_index, batch, Re, bafflesze, dbl,
              W_down0, b_down0, W_down1, b_down1, p_pool0, p_pool1,
              W_bot1, b_bot1, W_bot2, b_bot2, W_up0, b_up0, W_up1, b_up1):
    src0 = edge_index[0]; dst0 = edge_index[1]
    v0 = jnp.ones((E,), jnp.float32)
    # down path
    h = gconv(x, src0, dst0, v0, W_down0, b_down0, N)
    skip0 = h
    h, perm0 = topk_pool(h, p_pool0, K1)
    src1, dst1, v1 = pool_map(src0, dst0, v0, perm0, N, K1)
    h = gconv(h, src1, dst1, v1, W_down1, b_down1, K1)
    skip1 = h
    h, perm1 = topk_pool(h, p_pool1, K2)
    # bottom: global conditioning features tiled over remaining nodes
    Re_mat = jnp.broadcast_to(Re[0], (K2, RS)).astype(h.dtype)
    baf_mat = jnp.broadcast_to(bafflesze[0], (K2, RS)).astype(h.dtype)
    dbl_mat = jnp.broadcast_to(dbl[0], (K2, RS)).astype(h.dtype)
    h = jnp.concatenate([h, Re_mat, baf_mat, dbl_mat], axis=1)
    h = jax.nn.relu(h @ W_bot1 + b_bot1)
    h = jax.nn.relu(h @ W_bot2 + b_bot2)
    # up path: unpool (scatter into zeros), concat skip, conv
    u = jnp.zeros((K1, LAT), h.dtype).at[perm1].set(h)
    u = jnp.concatenate([u, skip1], axis=-1)
    h = gconv(u, src1, dst1, v1, W_up0, b_up0, K1)
    u = jnp.zeros((N, 128), h.dtype).at[perm0].set(h)
    u = jnp.concatenate([u, skip0], axis=-1)
    h = gconv(u, src0, dst0, v0, W_up1, b_up1, N)
    return jax.nn.log_softmax(h, axis=1)

if __name__ == "__main__":
    import jax
    _d = setup_inputs()
    print(jax.jit(kernel)(*tuple(_d.values())))

</pallas_src>

<mosaic_0001>
#map = affine_map<(d0, d1) -> (0, 0)>
#map1 = affine_map<(d0, d1) -> (0)>
#map2 = affine_map<(d0, d1) -> (0, 0, 0)>
module attributes {stable_mosaic.version = 14 : i64} {
  func.func @agg(%arg0: i32, %arg1: i32, %arg2: memref<10240x128xf32, #tpu.memory_space<hbm>>, %arg3: memref<10240xf32, #tpu.memory_space<hbm>>, %arg4: memref<32x79x128xi32, #tpu.memory_space<hbm>>, %arg5: memref<32x79x128xi32, #tpu.memory_space<hbm>>, %arg6: memref<10240x128xf32, #tpu.memory_space<hbm>>, %arg7: memref<10240xf32, #tpu.memory_space<hbm>>, %arg8: memref<2x10240x128xf32, #tpu.memory_space<hbm>>, %arg9: memref<2x10240xf32, #tpu.memory_space<hbm>>, %arg10: memref<79x128xi32, #tpu.memory_space<vmem>>, %arg11: memref<79x128xi32, #tpu.memory_space<vmem>>, %arg12: memref<128x128xf32, #tpu.memory_space<vmem>>, %arg13: memref<10240x128xf32, #tpu.memory_space<vmem_shared>>, %arg14: memref<!tpu.dma_semaphore, #tpu.memory_space<semaphore_mem>>, %arg15: memref<128xf32, #tpu.memory_space<vmem>>, %arg16: memref<10240xf32, #tpu.memory_space<vmem_shared>>, %arg17: memref<!tpu.dma_semaphore, #tpu.memory_space<semaphore_mem>>) attributes {dimension_semantics = [#tpu.dimension_semantics<core_parallel>, #tpu.dimension_semantics<subcore_parallel>], iteration_bounds = array<i64: 2, 16>, scalar_prefetch = 0 : i64, scratch_operands = 8 : i64, tpu.core_type = #tpu.core_type<sc_vector_subcore>, window_params = [{transform_indices = #map}, {transform_indices = #map1}, {transform_indices = #map2}, {transform_indices = #map2}, {transform_indices = #map}, {transform_indices = #map1}, {transform_indices = #map2}, {transform_indices = #map}]} {
    %mul3A = arith.constant 2 : i32
    %mul3A_0 = arith.muli %arg1, %mul3A : i32
    %add3A = arith.addi %mul3A_0, %arg0 : i32
    %mul3A_1 = arith.constant 640 : i32
    %mul3A_2 = arith.muli %arg1, %mul3A_1 : i32
    "tpu.region"() ({
      %run_scoped3A = tpu.sem_alloc : memref<!tpu.dma_semaphore, #tpu.memory_space<semaphore_mem>>
      %dma_start3A = arith.constant 0 : i32
      %dma_start3A_9 = tpu.memref_slice %arg13[%mul3A_2, %dma_start3A] : memref<10240x128xf32, #tpu.memory_space<vmem_shared>> -> memref<640x128xf32, #tpu.memory_space<vmem_shared>>
      %dma_start3A_10 = arith.constant 0 : i32
      %dma_start3A_11 = tpu.memref_slice %arg6[%mul3A_2, %dma_start3A_10] : memref<10240x128xf32, #tpu.memory_space<hbm>> -> memref<640x128xf32, #tpu.memory_space<hbm>>
      tpu.enqueue_dma source(%dma_start3A_11 : memref<640x128xf32, #tpu.memory_space<hbm>>) target(%dma_start3A_9 : memref<640x128xf32, #tpu.memory_space<vmem_shared>>) target_semaphore(%run_scoped3A : memref<!tpu.dma_semaphore, #tpu.memory_space<semaphore_mem>>)
      %dma_wait3A = arith.constant 0 : i32
      %dma_wait3A_12 = tpu.memref_slice %arg13[%mul3A_2, %dma_wait3A] : memref<10240x128xf32, #tpu.memory_space<vmem_shared>> -> memref<640x128xf32, #tpu.memory_space<vmem_shared>>
      %dma_wait3A_13 = arith.constant 0 : i32
      %dma_wait3A_14 = tpu.memref_slice %arg6[%mul3A_2, %dma_wait3A_13] : memref<10240x128xf32, #tpu.memory_space<hbm>> -> memref<640x128xf32, #tpu.memory_space<hbm>>
      tpu.wait_dma2 semaphore(%run_scoped3A : memref<!tpu.dma_semaphore, #tpu.memory_space<semaphore_mem>>) src(%dma_wait3A_14 : memref<640x128xf32, #tpu.memory_space<hbm>>) dst(%dma_wait3A_12 : memref<640x128xf32, #tpu.memory_space<vmem_shared>>)
      tpu.yield
    }) : () -> ()
    "tpu.region"() ({
      %run_scoped3A = tpu.sem_alloc : memref<!tpu.dma_semaphore, #tpu.memory_space<semaphore_mem>>
      %dma_start3A = arith.constant 0 : i32
      %dma_start3A_9 = arith.constant 0 : i32
      %dma_start3A_10 = tpu.memref_slice %arg4[%add3A, %dma_start3A, %dma_start3A_9] : memref<32x79x128xi32, #tpu.memory_space<hbm>> -> memref<1x79x128xi32, #tpu.memory_space<hbm>>
      %dma_start3A_11 = tpu.memref_squeeze %dma_start3A_10 : memref<1x79x128xi32, #tpu.memory_space<hbm>> -> memref<79x128xi32, #tpu.memory_space<hbm>>
      %dma_start3A_12 = arith.constant 0 : i32
      %dma_start3A_13 = arith.constant 0 : i32
      %dma_start3A_14 = tpu.memref_slice %arg4[%add3A, %dma_start3A_12, %dma_start3A_13] : memref<32x79x128xi32, #tpu.memory_space<hbm>> -> memref<1x79x128xi32, #tpu.memory_space<hbm>>
      %dma_start3A_15 = tpu.memref_squeeze %dma_start3A_14 : memref<1x79x128xi32, #tpu.memory_space<hbm>> -> memref<79x128xi32, #tpu.memory_space<hbm>>
      tpu.enqueue_dma source(%dma_start3A_15 : memref<79x128xi32, #tpu.memory_space<hbm>>) target(%arg10 : memref<79x128xi32, #tpu.memory_space<vmem>>) target_semaphore(%run_scoped3A : memref<!tpu.dma_semaphore, #tpu.memory_space<semaphore_mem>>)
      %dma_wait3A = arith.constant 0 : i32
      %dma_wait3A_16 = arith.constant 0 : i32
      %dma_wait3A_17 = tpu.memref_slice %arg4[%add3A, %dma_wait3A, %dma_wait3A_16] : memref<32x79x128xi32, #tpu.memory_space<hbm>> -> memref<1x79x128xi32, #tpu.memory_space<hbm>>
      %dma_wait3A_18 = tpu.memref_squeeze %dma_wait3A_17 : memref<1x79x128xi32, #tpu.memory_space<hbm>> -> memref<79x128xi32, #tpu.memory_space<hbm>>
      %dma_wait3A_19 = arith.constant 0 : i32
      %dma_wait3A_20 = arith.constant 0 : i32
      %dma_wait3A_21 = tpu.memref_slice %arg4[%add3A, %dma_wait3A_19, %dma_wait3A_20] : memref<32x79x128xi32, #tpu.memory_space<hbm>> -> memref<1x79x128xi32, #tpu.memory_space<hbm>>
      %dma_wait3A_22 = tpu.memref_squeeze %dma_wait3A_21 : memref<1x79x128xi32, #tpu.memory_space<hbm>> -> memref<79x128xi32, #tpu.memory_space<hbm>>
      tpu.wait_dma2 semaphore(%run_scoped3A : memref<!tpu.dma_semaphore, #tpu.memory_space<semaphore_mem>>) src(%dma_wait3A_22 : memref<79x128xi32, #tpu.memory_space<hbm>>) dst(%arg10 : memref<79x128xi32, #tpu.memory_space<vmem>>)
      tpu.yield
    }) : () -> ()
    "tpu.region"() ({
      %run_scoped3A = tpu.sem_alloc : memref<!tpu.dma_semaphore, #tpu.memory_space<semaphore_mem>>
      %dma_start3A = arith.constant 0 : i32
      %dma_start3A_9 = arith.constant 0 : i32
      %dma_start3A_10 = tpu.memref_slice %arg5[%add3A, %dma_start3A, %dma_start3A_9] : memref<32x79x128xi32, #tpu.memory_space<hbm>> -> memref<1x79x128xi32, #tpu.memory_space<hbm>>
      %dma_start3A_11 = tpu.memref_squeeze %dma_start3A_10 : memref<1x79x128xi32, #tpu.memory_space<hbm>> -> memref<79x128xi32, #tpu.memory_space<hbm>>
      %dma_start3A_12 = arith.constant 0 : i32
      %dma_start3A_13 = arith.constant 0 : i32
      %dma_start3A_14 = tpu.memref_slice %arg5[%add3A, %dma_start3A_12, %dma_start3A_13] : memref<32x79x128xi32, #tpu.memory_space<hbm>> -> memref<1x79x128xi32, #tpu.memory_space<hbm>>
      %dma_start3A_15 = tpu.memref_squeeze %dma_start3A_14 : memref<1x79x128xi32, #tpu.memory_space<hbm>> -> memref<79x128xi32, #tpu.memory_space<hbm>>
      tpu.enqueue_dma source(%dma_start3A_15 : memref<79x128xi32, #tpu.memory_space<hbm>>) target(%arg11 : memref<79x128xi32, #tpu.memory_space<vmem>>) target_semaphore(%run_scoped3A : memref<!tpu.dma_semaphore, #tpu.memory_space<semaphore_mem>>)
      %dma_wait3A = arith.constant 0 : i32
      %dma_wait3A_16 = arith.constant 0 : i32
      %dma_wait3A_17 = tpu.memref_slice %arg5[%add3A, %dma_wait3A, %dma_wait3A_16] : memref<32x79x128xi32, #tpu.memory_space<hbm>> -> memref<1x79x128xi32, #tpu.memory_space<hbm>>
      %dma_wait3A_18 = tpu.memref_squeeze %dma_wait3A_17 : memref<1x79x128xi32, #tpu.memory_space<hbm>> -> memref<79x128xi32, #tpu.memory_space<hbm>>
      %dma_wait3A_19 = arith.constant 0 : i32
      %dma_wait3A_20 = arith.constant 0 : i32
      %dma_wait3A_21 = tpu.memref_slice %arg5[%add3A, %dma_wait3A_19, %dma_wait3A_20] : memref<32x79x128xi32, #tpu.memory_space<hbm>> -> memref<1x79x128xi32, #tpu.memory_space<hbm>>
      %dma_wait3A_22 = tpu.memref_squeeze %dma_wait3A_21 : memref<1x79x128xi32, #tpu.memory_space<hbm>> -> memref<79x128xi32, #tpu.memory_space<hbm>>
      tpu.wait_dma2 semaphore(%run_scoped3A : memref<!tpu.dma_semaphore, #tpu.memory_space<semaphore_mem>>) src(%dma_wait3A_22 : memref<79x128xi32, #tpu.memory_space<hbm>>) dst(%arg11 : memref<79x128xi32, #tpu.memory_space<vmem>>)
      tpu.yield
    }) : () -> ()
    "tpu.region"() ({
      %run_scoped3A = tpu.sem_alloc : memref<!tpu.dma_semaphore, #tpu.memory_space<semaphore_mem>>
      %dma_start3A = tpu.memref_slice %arg16[%mul3A_2] : memref<10240xf32, #tpu.memory_space<vmem_shared>> -> memref<640xf32, #tpu.memory_space<vmem_shared>>
      %dma_start3A_9 = tpu.memref_slice %arg7[%mul3A_2] : memref<10240xf32, #tpu.memory_space<hbm>> -> memref<640xf32, #tpu.memory_space<hbm>>
      tpu.enqueue_dma source(%dma_start3A_9 : memref<640xf32, #tpu.memory_space<hbm>>) target(%dma_start3A : memref<640xf32, #tpu.memory_space<vmem_shared>>) target_semaphore(%run_scoped3A : memref<!tpu.dma_semaphore, #tpu.memory_space<semaphore_mem>>)
      %dma_wait3A = tpu.memref_slice %arg16[%mul3A_2] : memref<10240xf32, #tpu.memory_space<vmem_shared>> -> memref<640xf32, #tpu.memory_space<vmem_shared>>
      %dma_wait3A_10 = tpu.memref_slice %arg7[%mul3A_2] : memref<10240xf32, #tpu.memory_space<hbm>> -> memref<640xf32, #tpu.memory_space<hbm>>
      tpu.wait_dma2 semaphore(%run_scoped3A : memref<!tpu.dma_semaphore, #tpu.memory_space<semaphore_mem>>) src(%dma_wait3A_10 : memref<640xf32, #tpu.memory_space<hbm>>) dst(%dma_wait3A : memref<640xf32, #tpu.memory_space<vmem_shared>>)
      tpu.yield
    }) : () -> ()
    %barrier3A = arith.constant 0 : index
    tpu.barrier barrier_id(%barrier3A)
    %scan3A = arith.constant 0 : i32
    %scan3A_3 = arith.constant 0 : i32
    %scan3A_4 = arith.constant 79 : i32
    %scan3A_5 = arith.addi %scan3A_3, %scan3A_4 : i32
    %scan3A_6 = arith.constant 1 : i32
    scf.for %scan3A_9 = %scan3A_3 to %scan3A_5 step %scan3A_6  : i32 {
      %dma_start3A = arith.constant 0 : i32
      %dma_start3A_10 = tpu.memref_slice %arg10[%scan3A_9, %dma_start3A] : memref<79x128xi32, #tpu.memory_space<vmem>> -> memref<1x128xi32, #tpu.memory_space<vmem>>
      %dma_start3A_11 = tpu.memref_squeeze %dma_start3A_10 : memref<1x128xi32, #tpu.memory_space<vmem>> -> memref<128xi32, #tpu.memory_space<vmem>>
      %dma_start3A_12 = arith.constant 0 : i32
      %dma_start3A_13 = arith.constant 0 : i32
      %dma_start3A_14 = tpu.memref_slice %arg2[%dma_start3A_12, %dma_start3A_13] : memref<10240x128xf32, #tpu.memory_space<hbm>> -> memref<10240x128xf32, #tpu.memory_space<hbm>>
      tpu.enqueue_indirect_dma source(%dma_start3A_14 : memref<10240x128xf32, #tpu.memory_space<hbm>>) target(%arg12 : memref<128x128xf32, #tpu.memory_space<vmem>>) offsets(%dma_start3A_11 : memref<128xi32, #tpu.memory_space<vmem>>) semaphore(%arg14 : memref<!tpu.dma_semaphore, #tpu.memory_space<semaphore_mem>>)
      %dma_wait3A = arith.constant 0 : i32
      %dma_wait3A_15 = tpu.memref_slice %arg10[%scan3A_9, %dma_wait3A] : memref<79x128xi32, #tpu.memory_space<vmem>> -> memref<1x128xi32, #tpu.memory_space<vmem>>
      %dma_wait3A_16 = tpu.memref_squeeze %dma_wait3A_15 : memref<1x128xi32, #tpu.memory_space<vmem>> -> memref<128xi32, #tpu.memory_space<vmem>>
      %dma_wait3A_17 = arith.constant 0 : i32
      %dma_wait3A_18 = arith.constant 0 : i32
      %dma_wait3A_19 = tpu.memref_slice %arg2[%dma_wait3A_17, %dma_wait3A_18] : memref<10240x128xf32, #tpu.memory_space<hbm>> -> memref<10240x128xf32, #tpu.memory_space<hbm>>
      tpu.wait_indirect_dma semaphore(%arg14 : memref<!tpu.dma_semaphore, #tpu.memory_space<semaphore_mem>>) src(%dma_wait3A_19 : memref<10240x128xf32, #tpu.memory_space<hbm>>) dst(%arg12 : memref<128x128xf32, #tpu.memory_space<vmem>>)
      %dma_start3A_20 = arith.constant 0 : i32
      %dma_start3A_21 = tpu.memref_slice %arg10[%scan3A_9, %dma_start3A_20] : memref<79x128xi32, #tpu.memory_space<vmem>> -> memref<1x128xi32, #tpu.memory_space<vmem>>
      %dma_start3A_22 = tpu.memref_squeeze %dma_start3A_21 : memref<1x128xi32, #tpu.memory_space<vmem>> -> memref<128xi32, #tpu.memory_space<vmem>>
      %dma_start3A_23 = arith.constant 0 : i32
      %dma_start3A_24 = tpu.memref_slice %arg3[%dma_start3A_23] : memref<10240xf32, #tpu.memory_space<hbm>> -> memref<10240xf32, #tpu.memory_space<hbm>>
      tpu.enqueue_indirect_dma source(%dma_start3A_24 : memref<10240xf32, #tpu.memory_space<hbm>>) target(%arg15 : memref<128xf32, #tpu.memory_space<vmem>>) offsets(%dma_start3A_22 : memref<128xi32, #tpu.memory_space<vmem>>) semaphore(%arg17 : memref<!tpu.dma_semaphore, #tpu.memory_space<semaphore_mem>>)
      %dma_wait3A_25 = arith.constant 0 : i32
      %dma_wait3A_26 = tpu.memref_slice %arg10[%scan3A_9, %dma_wait3A_25] : memref<79x128xi32, #tpu.memory_space<vmem>> -> memref<1x128xi32, #tpu.memory_space<vmem>>
      %dma_wait3A_27 = tpu.memref_squeeze %dma_wait3A_26 : memref<1x128xi32, #tpu.memory_space<vmem>> -> memref<128xi32, #tpu.memory_space<vmem>>
      %dma_wait3A_28 = arith.constant 0 : i32
      %dma_wait3A_29 = tpu.memref_slice %arg3[%dma_wait3A_28] : memref<10240xf32, #tpu.memory_space<hbm>> -> memref<10240xf32, #tpu.memory_space<hbm>>
      tpu.wait_indirect_dma semaphore(%arg17 : memref<!tpu.dma_semaphore, #tpu.memory_space<semaphore_mem>>) src(%dma_wait3A_29 : memref<10240xf32, #tpu.memory_space<hbm>>) dst(%arg15 : memref<128xf32, #tpu.memory_space<vmem>>)
      "tpu.region"() ({
        %run_scoped3A = tpu.sem_alloc : memref<!tpu.dma_semaphore, #tpu.memory_space<semaphore_mem>>
        %dma_start3A_30 = arith.constant 0 : i32
        %dma_start3A_31 = tpu.memref_slice %arg11[%scan3A_9, %dma_start3A_30] : memref<79x128xi32, #tpu.memory_space<vmem>> -> memref<1x128xi32, #tpu.memory_space<vmem>>
        %dma_start3A_32 = tpu.memref_squeeze %dma_start3A_31 : memref<1x128xi32, #tpu.memory_space<vmem>> -> memref<128xi32, #tpu.memory_space<vmem>>
        %dma_start3A_33 = arith.constant 0 : i32
        %dma_start3A_34 = arith.constant 0 : i32
        %dma_start3A_35 = tpu.memref_slice %arg13[%dma_start3A_33, %dma_start3A_34] : memref<10240x128xf32, #tpu.memory_space<vmem_shared>> -> memref<10240x128xf32, #tpu.memory_space<vmem_shared>>
        tpu.enqueue_indirect_dma source(%arg12 : memref<128x128xf32, #tpu.memory_space<vmem>>) target(%dma_start3A_35 : memref<10240x128xf32, #tpu.memory_space<vmem_shared>>) offsets(%dma_start3A_32 : memref<128xi32, #tpu.memory_space<vmem>>) semaphore(%run_scoped3A : memref<!tpu.dma_semaphore, #tpu.memory_space<semaphore_mem>>) {add = true}
        %dma_wait3A_36 = arith.constant 0 : i32
        %dma_wait3A_37 = tpu.memref_slice %arg11[%scan3A_9, %dma_wait3A_36] : memref<79x128xi32, #tpu.memory_space<vmem>> -> memref<1x128xi32, #tpu.memory_space<vmem>>
        %dma_wait3A_38 = tpu.memref_squeeze %dma_wait3A_37 : memref<1x128xi32, #tpu.memory_space<vmem>> -> memref<128xi32, #tpu.memory_space<vmem>>
        %dma_wait3A_39 = arith.constant 0 : i32
        %dma_wait3A_40 = arith.constant 0 : i32
        %dma_wait3A_41 = tpu.memref_slice %arg13[%dma_wait3A_39, %dma_wait3A_40] : memref<10240x128xf32, #tpu.memory_space<vmem_shared>> -> memref<10240x128xf32, #tpu.memory_space<vmem_shared>>
        tpu.wait_indirect_dma semaphore(%run_scoped3A : memref<!tpu.dma_semaphore, #tpu.memory_space<semaphore_mem>>) src(%arg12 : memref<128x128xf32, #tpu.memory_space<vmem>>) dst(%dma_wait3A_41 : memref<10240x128xf32, #tpu.memory_space<vmem_shared>>)
        tpu.yield
      }) : () -> ()
      "tpu.region"() ({
        %run_scoped3A = tpu.sem_alloc : memref<!tpu.dma_semaphore, #tpu.memory_space<semaphore_mem>>
        %dma_start3A_30 = arith.constant 0 : i32
        %dma_start3A_31 = tpu.memref_slice %arg11[%scan3A_9, %dma_start3A_30] : memref<79x128xi32, #tpu.memory_space<vmem>> -> memref<1x128xi32, #tpu.memory_space<vmem>>
        %dma_start3A_32 = tpu.memref_squeeze %dma_start3A_31 : memref<1x128xi32, #tpu.memory_space<vmem>> -> memref<128xi32, #tpu.memory_space<vmem>>
        %dma_start3A_33 = arith.constant 0 : i32
        %dma_start3A_34 = tpu.memref_slice %arg16[%dma_start3A_33] : memref<10240xf32, #tpu.memory_space<vmem_shared>> -> memref<10240xf32, #tpu.memory_space<vmem_shared>>
        tpu.enqueue_indirect_dma source(%arg15 : memref<128xf32, #tpu.memory_space<vmem>>) target(%dma_start3A_34 : memref<10240xf32, #tpu.memory_space<vmem_shared>>) offsets(%dma_start3A_32 : memref<128xi32, #tpu.memory_space<vmem>>) semaphore(%run_scoped3A : memref<!tpu.dma_semaphore, #tpu.memory_space<semaphore_mem>>) {add = true}
        %dma_wait3A_35 = arith.constant 0 : i32
        %dma_wait3A_36 = tpu.memref_slice %arg11[%scan3A_9, %dma_wait3A_35] : memref<79x128xi32, #tpu.memory_space<vmem>> -> memref<1x128xi32, #tpu.memory_space<vmem>>
        %dma_wait3A_37 = tpu.memref_squeeze %dma_wait3A_36 : memref<1x128xi32, #tpu.memory_space<vmem>> -> memref<128xi32, #tpu.memory_space<vmem>>
        %dma_wait3A_38 = arith.constant 0 : i32
        %dma_wait3A_39 = tpu.memref_slice %arg16[%dma_wait3A_38] : memref<10240xf32, #tpu.memory_space<vmem_shared>> -> memref<10240xf32, #tpu.memory_space<vmem_shared>>
        tpu.wait_indirect_dma semaphore(%run_scoped3A : memref<!tpu.dma_semaphore, #tpu.memory_space<semaphore_mem>>) src(%arg15 : memref<128xf32, #tpu.memory_space<vmem>>) dst(%dma_wait3A_39 : memref<10240xf32, #tpu.memory_space<vmem_shared>>)
        tpu.yield
      }) : () -> ()
    }
    %scan3A_7 = arith.constant 79 : i32
    %barrier3A_8 = arith.constant 0 : index
    tpu.barrier barrier_id(%barrier3A_8)
    "tpu.region"() ({
      %run_scoped3A = tpu.sem_alloc : memref<!tpu.dma_semaphore, #tpu.memory_space<semaphore_mem>>
      %dma_start3A = arith.constant 0 : i32
      %dma_start3A_9 = tpu.memref_slice %arg8[%arg0, %mul3A_2, %dma_start3A] : memref<2x10240x128xf32, #tpu.memory_space<hbm>> -> memref<1x640x128xf32, #tpu.memory_space<hbm>>
      %dma_start3A_10 = tpu.memref_squeeze %dma_start3A_9 : memref<1x640x128xf32, #tpu.memory_space<hbm>> -> memref<640x128xf32, #tpu.memory_space<hbm>>
      %dma_start3A_11 = arith.constant 0 : i32
      %dma_start3A_12 = tpu.memref_slice %arg13[%mul3A_2, %dma_start3A_11] : memref<10240x128xf32, #tpu.memory_space<vmem_shared>> -> memref<640x128xf32, #tpu.memory_space<vmem_shared>>
      tpu.enqueue_dma source(%dma_start3A_12 : memref<640x128xf32, #tpu.memory_space<vmem_shared>>) target(%dma_start3A_10 : memref<640x128xf32, #tpu.memory_space<hbm>>) target_semaphore(%run_scoped3A : memref<!tpu.dma_semaphore, #tpu.memory_space<semaphore_mem>>)
      %dma_wait3A = arith.constant 0 : i32
      %dma_wait3A_13 = tpu.memref_slice %arg8[%arg0, %mul3A_2, %dma_wait3A] : memref<2x10240x128xf32, #tpu.memory_space<hbm>> -> memref<1x640x128xf32, #tpu.memory_space<hbm>>
      %dma_wait3A_14 = tpu.memref_squeeze %dma_wait3A_13 : memref<1x640x128xf32, #tpu.memory_space<hbm>> -> memref<640x128xf32, #tpu.memory_space<hbm>>
      %dma_wait3A_15 = arith.constant 0 : i32
      %dma_wait3A_16 = tpu.memref_slice %arg13[%mul3A_2, %dma_wait3A_15] : memref<10240x128xf32, #tpu.memory_space<vmem_shared>> -> memref<640x128xf32, #tpu.memory_space<vmem_shared>>
      tpu.wait_dma2 semaphore(%run_scoped3A : memref<!tpu.dma_semaphore, #tpu.memory_space<semaphore_mem>>) src(%dma_wait3A_16 : memref<640x128xf32, #tpu.memory_space<vmem_shared>>) dst(%dma_wait3A_14 : memref<640x128xf32, #tpu.memory_space<hbm>>)
      tpu.yield
    }) : () -> ()
    "tpu.region"() ({
      %run_scoped3A = tpu.sem_alloc : memref<!tpu.dma_semaphore, #tpu.memory_space<semaphore_mem>>
      %dma_start3A = tpu.memref_slice %arg9[%arg0, %mul3A_2] : memref<2x10240xf32, #tpu.memory_space<hbm>> -> memref<1x640xf32, #tpu.memory_space<hbm>>
      %dma_start3A_9 = tpu.memref_squeeze %dma_start3A : memref<1x640xf32, #tpu.memory_space<hbm>> -> memref<640xf32, #tpu.memory_space<hbm>>
      %dma_start3A_10 = tpu.memref_slice %arg16[%mul3A_2] : memref<10240xf32, #tpu.memory_space<vmem_shared>> -> memref<640xf32, #tpu.memory_space<vmem_shared>>
      tpu.enqueue_dma source(%dma_start3A_10 : memref<640xf32, #tpu.memory_space<vmem_shared>>) target(%dma_start3A_9 : memref<640xf32, #tpu.memory_space<hbm>>) target_semaphore(%run_scoped3A : memref<!tpu.dma_semaphore, #tpu.memory_space<semaphore_mem>>)
      %dma_wait3A = tpu.memref_slice %arg9[%arg0, %mul3A_2] : memref<2x10240xf32, #tpu.memory_space<hbm>> -> memref<1x640xf32, #tpu.memory_space<hbm>>
      %dma_wait3A_11 = tpu.memref_squeeze %dma_wait3A : memref<1x640xf32, #tpu.memory_space<hbm>> -> memref<640xf32, #tpu.memory_space<hbm>>
      %dma_wait3A_12 = tpu.memref_slice %arg16[%mul3A_2] : memref<10240xf32, #tpu.memory_space<vmem_shared>> -> memref<640xf32, #tpu.memory_space<vmem_shared>>
      tpu.wait_dma2 semaphore(%run_scoped3A : memref<!tpu.dma_semaphore, #tpu.memory_space<semaphore_mem>>) src(%dma_wait3A_12 : memref<640xf32, #tpu.memory_space<vmem_shared>>) dst(%dma_wait3A_11 : memref<640xf32, #tpu.memory_space<hbm>>)
      tpu.yield
    }) : () -> ()
    return
  }
}

#map = affine_map<(d0, d1) -> (0, 0)>
#map1 = affine_map<(d0, d1) -> (0)>
#map2 = affine_map<(d0, d1) -> (0, 0, 0)>
module attributes {stable_mosaic.version = 14 : i64} {
  func.func @agg(%arg0: i32, %arg1: i32, %arg2: memref<10240x8xf32, #tpu.memory_space<hbm>>, %arg3: memref<10240xf32, #tpu.memory_space<hbm>>, %arg4: memref<32x79x128xi32, #tpu.memory_space<hbm>>, %arg5: memref<32x79x128xi32, #tpu.memory_space<hbm>>, %arg6: memref<10240x8xf32, #tpu.memory_space<hbm>>, %arg7: memref<10240xf32, #tpu.memory_space<hbm>>, %arg8: memref<2x10240x8xf32, #tpu.memory_space<hbm>>, %arg9: memref<2x10240xf32, #tpu.memory_space<hbm>>, %arg10: memref<79x128xi32, #tpu.memory_space<vmem>>, %arg11: memref<79x128xi32, #tpu.memory_space<vmem>>, %arg12: memref<128x8xf32, #tpu.memory_space<vmem>>, %arg13: memref<10240x8xf32, #tpu.memory_space<vmem_shared>>, %arg14: memref<!tpu.dma_semaphore, #tpu.memory_space<semaphore_mem>>, %arg15: memref<128xf32, #tpu.memory_space<vmem>>, %arg16: memref<10240xf32, #tpu.memory_space<vmem_shared>>, %arg17: memref<!tpu.dma_semaphore, #tpu.memory_space<semaphore_mem>>) attributes {dimension_semantics = [#tpu.dimension_semantics<core_parallel>, #tpu.dimension_semantics<subcore_parallel>], iteration_bounds = array<i64: 2, 16>, scalar_prefetch = 0 : i64, scratch_operands = 8 : i64, tpu.core_type = #tpu.core_type<sc_vector_subcore>, window_params = [{transform_indices = #map}, {transform_indices = #map1}, {transform_indices = #map2}, {transform_indices = #map2}, {transform_indices = #map}, {transform_indices = #map1}, {transform_indices = #map2}, {transform_indices = #map}]} {
    %mul3A = arith.constant 2 : i32
    %mul3A_0 = arith.muli %arg1, %mul3A : i32
    %add3A = arith.addi %mul3A_0, %arg0 : i32
    %mul3A_1 = arith.constant 640 : i32
    %mul3A_2 = arith.muli %arg1, %mul3A_1 : i32
    "tpu.region"() ({
      %run_scoped3A = tpu.sem_alloc : memref<!tpu.dma_semaphore, #tpu.memory_space<semaphore_mem>>
      %dma_start3A = arith.constant 0 : i32
      %dma_start3A_9 = tpu.memref_slice %arg13[%mul3A_2, %dma_start3A] : memref<10240x8xf32, #tpu.memory_space<vmem_shared>> -> memref<640x8xf32, #tpu.memory_space<vmem_shared>>
      %dma_start3A_10 = arith.constant 0 : i32
      %dma_start3A_11 = tpu.memref_slice %arg6[%mul3A_2, %dma_start3A_10] : memref<10240x8xf32, #tpu.memory_space<hbm>> -> memref<640x8xf32, #tpu.memory_space<hbm>>
      tpu.enqueue_dma source(%dma_start3A_11 : memref<640x8xf32, #tpu.memory_space<hbm>>) target(%dma_start3A_9 : memref<640x8xf32, #tpu.memory_space<vmem_shared>>) target_semaphore(%run_scoped3A : memref<!tpu.dma_semaphore, #tpu.memory_space<semaphore_mem>>)
      %dma_wait3A = arith.constant 0 : i32
      %dma_wait3A_12 = tpu.memref_slice %arg13[%mul3A_2, %dma_wait3A] : memref<10240x8xf32, #tpu.memory_space<vmem_shared>> -> memref<640x8xf32, #tpu.memory_space<vmem_shared>>
      %dma_wait3A_13 = arith.constant 0 : i32
      %dma_wait3A_14 = tpu.memref_slice %arg6[%mul3A_2, %dma_wait3A_13] : memref<10240x8xf32, #tpu.memory_space<hbm>> -> memref<640x8xf32, #tpu.memory_space<hbm>>
      tpu.wait_dma2 semaphore(%run_scoped3A : memref<!tpu.dma_semaphore, #tpu.memory_space<semaphore_mem>>) src(%dma_wait3A_14 : memref<640x8xf32, #tpu.memory_space<hbm>>) dst(%dma_wait3A_12 : memref<640x8xf32, #tpu.memory_space<vmem_shared>>)
      tpu.yield
    }) : () -> ()
    "tpu.region"() ({
      %run_scoped3A = tpu.sem_alloc : memref<!tpu.dma_semaphore, #tpu.memory_space<semaphore_mem>>
      %dma_start3A = arith.constant 0 : i32
      %dma_start3A_9 = arith.constant 0 : i32
      %dma_start3A_10 = tpu.memref_slice %arg4[%add3A, %dma_start3A, %dma_start3A_9] : memref<32x79x128xi32, #tpu.memory_space<hbm>> -> memref<1x79x128xi32, #tpu.memory_space<hbm>>
      %dma_start3A_11 = tpu.memref_squeeze %dma_start3A_10 : memref<1x79x128xi32, #tpu.memory_space<hbm>> -> memref<79x128xi32, #tpu.memory_space<hbm>>
      %dma_start3A_12 = arith.constant 0 : i32
      %dma_start3A_13 = arith.constant 0 : i32
      %dma_start3A_14 = tpu.memref_slice %arg4[%add3A, %dma_start3A_12, %dma_start3A_13] : memref<32x79x128xi32, #tpu.memory_space<hbm>> -> memref<1x79x128xi32, #tpu.memory_space<hbm>>
      %dma_start3A_15 = tpu.memref_squeeze %dma_start3A_14 : memref<1x79x128xi32, #tpu.memory_space<hbm>> -> memref<79x128xi32, #tpu.memory_space<hbm>>
      tpu.enqueue_dma source(%dma_start3A_15 : memref<79x128xi32, #tpu.memory_space<hbm>>) target(%arg10 : memref<79x128xi32, #tpu.memory_space<vmem>>) target_semaphore(%run_scoped3A : memref<!tpu.dma_semaphore, #tpu.memory_space<semaphore_mem>>)
      %dma_wait3A = arith.constant 0 : i32
      %dma_wait3A_16 = arith.constant 0 : i32
      %dma_wait3A_17 = tpu.memref_slice %arg4[%add3A, %dma_wait3A, %dma_wait3A_16] : memref<32x79x128xi32, #tpu.memory_space<hbm>> -> memref<1x79x128xi32, #tpu.memory_space<hbm>>
      %dma_wait3A_18 = tpu.memref_squeeze %dma_wait3A_17 : memref<1x79x128xi32, #tpu.memory_space<hbm>> -> memref<79x128xi32, #tpu.memory_space<hbm>>
      %dma_wait3A_19 = arith.constant 0 : i32
      %dma_wait3A_20 = arith.constant 0 : i32
      %dma_wait3A_21 = tpu.memref_slice %arg4[%add3A, %dma_wait3A_19, %dma_wait3A_20] : memref<32x79x128xi32, #tpu.memory_space<hbm>> -> memref<1x79x128xi32, #tpu.memory_space<hbm>>
      %dma_wait3A_22 = tpu.memref_squeeze %dma_wait3A_21 : memref<1x79x128xi32, #tpu.memory_space<hbm>> -> memref<79x128xi32, #tpu.memory_space<hbm>>
      tpu.wait_dma2 semaphore(%run_scoped3A : memref<!tpu.dma_semaphore, #tpu.memory_space<semaphore_mem>>) src(%dma_wait3A_22 : memref<79x128xi32, #tpu.memory_space<hbm>>) dst(%arg10 : memref<79x128xi32, #tpu.memory_space<vmem>>)
      tpu.yield
    }) : () -> ()
    "tpu.region"() ({
      %run_scoped3A = tpu.sem_alloc : memref<!tpu.dma_semaphore, #tpu.memory_space<semaphore_mem>>
      %dma_start3A = arith.constant 0 : i32
      %dma_start3A_9 = arith.constant 0 : i32
      %dma_start3A_10 = tpu.memref_slice %arg5[%add3A, %dma_start3A, %dma_start3A_9] : memref<32x79x128xi32, #tpu.memory_space<hbm>> -> memref<1x79x128xi32, #tpu.memory_space<hbm>>
      %dma_start3A_11 = tpu.memref_squeeze %dma_start3A_10 : memref<1x79x128xi32, #tpu.memory_space<hbm>> -> memref<79x128xi32, #tpu.memory_space<hbm>>
      %dma_start3A_12 = arith.constant 0 : i32
      %dma_start3A_13 = arith.constant 0 : i32
      %dma_start3A_14 = tpu.memref_slice %arg5[%add3A, %dma_start3A_12, %dma_start3A_13] : memref<32x79x128xi32, #tpu.memory_space<hbm>> -> memref<1x79x128xi32, #tpu.memory_space<hbm>>
      %dma_start3A_15 = tpu.memref_squeeze %dma_start3A_14 : memref<1x79x128xi32, #tpu.memory_space<hbm>> -> memref<79x128xi32, #tpu.memory_space<hbm>>
      tpu.enqueue_dma source(%dma_start3A_15 : memref<79x128xi32, #tpu.memory_space<hbm>>) target(%arg11 : memref<79x128xi32, #tpu.memory_space<vmem>>) target_semaphore(%run_scoped3A : memref<!tpu.dma_semaphore, #tpu.memory_space<semaphore_mem>>)
      %dma_wait3A = arith.constant 0 : i32
      %dma_wait3A_16 = arith.constant 0 : i32
      %dma_wait3A_17 = tpu.memref_slice %arg5[%add3A, %dma_wait3A, %dma_wait3A_16] : memref<32x79x128xi32, #tpu.memory_space<hbm>> -> memref<1x79x128xi32, #tpu.memory_space<hbm>>
      %dma_wait3A_18 = tpu.memref_squeeze %dma_wait3A_17 : memref<1x79x128xi32, #tpu.memory_space<hbm>> -> memref<79x128xi32, #tpu.memory_space<hbm>>
      %dma_wait3A_19 = arith.constant 0 : i32
      %dma_wait3A_20 = arith.constant 0 : i32
      %dma_wait3A_21 = tpu.memref_slice %arg5[%add3A, %dma_wait3A_19, %dma_wait3A_20] : memref<32x79x128xi32, #tpu.memory_space<hbm>> -> memref<1x79x128xi32, #tpu.memory_space<hbm>>
      %dma_wait3A_22 = tpu.memref_squeeze %dma_wait3A_21 : memref<1x79x128xi32, #tpu.memory_space<hbm>> -> memref<79x128xi32, #tpu.memory_space<hbm>>
      tpu.wait_dma2 semaphore(%run_scoped3A : memref<!tpu.dma_semaphore, #tpu.memory_space<semaphore_mem>>) src(%dma_wait3A_22 : memref<79x128xi32, #tpu.memory_space<hbm>>) dst(%arg11 : memref<79x128xi32, #tpu.memory_space<vmem>>)
      tpu.yield
    }) : () -> ()
    "tpu.region"() ({
      %run_scoped3A = tpu.sem_alloc : memref<!tpu.dma_semaphore, #tpu.memory_space<semaphore_mem>>
      %dma_start3A = tpu.memref_slice %arg16[%mul3A_2] : memref<10240xf32, #tpu.memory_space<vmem_shared>> -> memref<640xf32, #tpu.memory_space<vmem_shared>>
      %dma_start3A_9 = tpu.memref_slice %arg7[%mul3A_2] : memref<10240xf32, #tpu.memory_space<hbm>> -> memref<640xf32, #tpu.memory_space<hbm>>
      tpu.enqueue_dma source(%dma_start3A_9 : memref<640xf32, #tpu.memory_space<hbm>>) target(%dma_start3A : memref<640xf32, #tpu.memory_space<vmem_shared>>) target_semaphore(%run_scoped3A : memref<!tpu.dma_semaphore, #tpu.memory_space<semaphore_mem>>)
      %dma_wait3A = tpu.memref_slice %arg16[%mul3A_2] : memref<10240xf32, #tpu.memory_space<vmem_shared>> -> memref<640xf32, #tpu.memory_space<vmem_shared>>
      %dma_wait3A_10 = tpu.memref_slice %arg7[%mul3A_2] : memref<10240xf32, #tpu.memory_space<hbm>> -> memref<640xf32, #tpu.memory_space<hbm>>
      tpu.wait_dma2 semaphore(%run_scoped3A : memref<!tpu.dma_semaphore, #tpu.memory_space<semaphore_mem>>) src(%dma_wait3A_10 : memref<640xf32, #tpu.memory_space<hbm>>) dst(%dma_wait3A : memref<640xf32, #tpu.memory_space<vmem_shared>>)
      tpu.yield
    }) : () -> ()
    %barrier3A = arith.constant 0 : index
    tpu.barrier barrier_id(%barrier3A)
    %scan3A = arith.constant 0 : i32
    %scan3A_3 = arith.constant 0 : i32
    %scan3A_4 = arith.constant 79 : i32
    %scan3A_5 = arith.addi %scan3A_3, %scan3A_4 : i32
    %scan3A_6 = arith.constant 1 : i32
    scf.for %scan3A_9 = %scan3A_3 to %scan3A_5 step %scan3A_6  : i32 {
      %dma_start3A = arith.constant 0 : i32
      %dma_start3A_10 = tpu.memref_slice %arg10[%scan3A_9, %dma_start3A] : memref<79x128xi32, #tpu.memory_space<vmem>> -> memref<1x128xi32, #tpu.memory_space<vmem>>
      %dma_start3A_11 = tpu.memref_squeeze %dma_start3A_10 : memref<1x128xi32, #tpu.memory_space<vmem>> -> memref<128xi32, #tpu.memory_space<vmem>>
      %dma_start3A_12 = arith.constant 0 : i32
      %dma_start3A_13 = arith.constant 0 : i32
      %dma_start3A_14 = tpu.memref_slice %arg2[%dma_start3A_12, %dma_start3A_13] : memref<10240x8xf32, #tpu.memory_space<hbm>> -> memref<10240x8xf32, #tpu.memory_space<hbm>>
      tpu.enqueue_indirect_dma source(%dma_start3A_14 : memref<10240x8xf32, #tpu.memory_space<hbm>>) target(%arg12 : memref<128x8xf32, #tpu.memory_space<vmem>>) offsets(%dma_start3A_11 : memref<128xi32, #tpu.memory_space<vmem>>) semaphore(%arg14 : memref<!tpu.dma_semaphore, #tpu.memory_space<semaphore_mem>>)
      %dma_wait3A = arith.constant 0 : i32
      %dma_wait3A_15 = tpu.memref_slice %arg10[%scan3A_9, %dma_wait3A] : memref<79x128xi32, #tpu.memory_space<vmem>> -> memref<1x128xi32, #tpu.memory_space<vmem>>
      %dma_wait3A_16 = tpu.memref_squeeze %dma_wait3A_15 : memref<1x128xi32, #tpu.memory_space<vmem>> -> memref<128xi32, #tpu.memory_space<vmem>>
      %dma_wait3A_17 = arith.constant 0 : i32
      %dma_wait3A_18 = arith.constant 0 : i32
      %dma_wait3A_19 = tpu.memref_slice %arg2[%dma_wait3A_17, %dma_wait3A_18] : memref<10240x8xf32, #tpu.memory_space<hbm>> -> memref<10240x8xf32, #tpu.memory_space<hbm>>
      tpu.wait_indirect_dma semaphore(%arg14 : memref<!tpu.dma_semaphore, #tpu.memory_space<semaphore_mem>>) src(%dma_wait3A_19 : memref<10240x8xf32, #tpu.memory_space<hbm>>) dst(%arg12 : memref<128x8xf32, #tpu.memory_space<vmem>>)
      %dma_start3A_20 = arith.constant 0 : i32
      %dma_start3A_21 = tpu.memref_slice %arg10[%scan3A_9, %dma_start3A_20] : memref<79x128xi32, #tpu.memory_space<vmem>> -> memref<1x128xi32, #tpu.memory_space<vmem>>
      %dma_start3A_22 = tpu.memref_squeeze %dma_start3A_21 : memref<1x128xi32, #tpu.memory_space<vmem>> -> memref<128xi32, #tpu.memory_space<vmem>>
      %dma_start3A_23 = arith.constant 0 : i32
      %dma_start3A_24 = tpu.memref_slice %arg3[%dma_start3A_23] : memref<10240xf32, #tpu.memory_space<hbm>> -> memref<10240xf32, #tpu.memory_space<hbm>>
      tpu.enqueue_indirect_dma source(%dma_start3A_24 : memref<10240xf32, #tpu.memory_space<hbm>>) target(%arg15 : memref<128xf32, #tpu.memory_space<vmem>>) offsets(%dma_start3A_22 : memref<128xi32, #tpu.memory_space<vmem>>) semaphore(%arg17 : memref<!tpu.dma_semaphore, #tpu.memory_space<semaphore_mem>>)
      %dma_wait3A_25 = arith.constant 0 : i32
      %dma_wait3A_26 = tpu.memref_slice %arg10[%scan3A_9, %dma_wait3A_25] : memref<79x128xi32, #tpu.memory_space<vmem>> -> memref<1x128xi32, #tpu.memory_space<vmem>>
      %dma_wait3A_27 = tpu.memref_squeeze %dma_wait3A_26 : memref<1x128xi32, #tpu.memory_space<vmem>> -> memref<128xi32, #tpu.memory_space<vmem>>
      %dma_wait3A_28 = arith.constant 0 : i32
      %dma_wait3A_29 = tpu.memref_slice %arg3[%dma_wait3A_28] : memref<10240xf32, #tpu.memory_space<hbm>> -> memref<10240xf32, #tpu.memory_space<hbm>>
      tpu.wait_indirect_dma semaphore(%arg17 : memref<!tpu.dma_semaphore, #tpu.memory_space<semaphore_mem>>) src(%dma_wait3A_29 : memref<10240xf32, #tpu.memory_space<hbm>>) dst(%arg15 : memref<128xf32, #tpu.memory_space<vmem>>)
      "tpu.region"() ({
        %run_scoped3A = tpu.sem_alloc : memref<!tpu.dma_semaphore, #tpu.memory_space<semaphore_mem>>
        %dma_start3A_30 = arith.constant 0 : i32
        %dma_start3A_31 = tpu.memref_slice %arg11[%scan3A_9, %dma_start3A_30] : memref<79x128xi32, #tpu.memory_space<vmem>> -> memref<1x128xi32, #tpu.memory_space<vmem>>
        %dma_start3A_32 = tpu.memref_squeeze %dma_start3A_31 : memref<1x128xi32, #tpu.memory_space<vmem>> -> memref<128xi32, #tpu.memory_space<vmem>>
        %dma_start3A_33 = arith.constant 0 : i32
        %dma_start3A_34 = arith.constant 0 : i32
        %dma_start3A_35 = tpu.memref_slice %arg13[%dma_start3A_33, %dma_start3A_34] : memref<10240x8xf32, #tpu.memory_space<vmem_shared>> -> memref<10240x8xf32, #tpu.memory_space<vmem_shared>>
        tpu.enqueue_indirect_dma source(%arg12 : memref<128x8xf32, #tpu.memory_space<vmem>>) target(%dma_start3A_35 : memref<10240x8xf32, #tpu.memory_space<vmem_shared>>) offsets(%dma_start3A_32 : memref<128xi32, #tpu.memory_space<vmem>>) semaphore(%run_scoped3A : memref<!tpu.dma_semaphore, #tpu.memory_space<semaphore_mem>>) {add = true}
        %dma_wait3A_36 = arith.constant 0 : i32
        %dma_wait3A_37 = tpu.memref_slice %arg11[%scan3A_9, %dma_wait3A_36] : memref<79x128xi32, #tpu.memory_space<vmem>> -> memref<1x128xi32, #tpu.memory_space<vmem>>
        %dma_wait3A_38 = tpu.memref_squeeze %dma_wait3A_37 : memref<1x128xi32, #tpu.memory_space<vmem>> -> memref<128xi32, #tpu.memory_space<vmem>>
        %dma_wait3A_39 = arith.constant 0 : i32
        %dma_wait3A_40 = arith.constant 0 : i32
        %dma_wait3A_41 = tpu.memref_slice %arg13[%dma_wait3A_39, %dma_wait3A_40] : memref<10240x8xf32, #tpu.memory_space<vmem_shared>> -> memref<10240x8xf32, #tpu.memory_space<vmem_shared>>
        tpu.wait_indirect_dma semaphore(%run_scoped3A : memref<!tpu.dma_semaphore, #tpu.memory_space<semaphore_mem>>) src(%arg12 : memref<128x8xf32, #tpu.memory_space<vmem>>) dst(%dma_wait3A_41 : memref<10240x8xf32, #tpu.memory_space<vmem_shared>>)
        tpu.yield
      }) : () -> ()
      "tpu.region"() ({
        %run_scoped3A = tpu.sem_alloc : memref<!tpu.dma_semaphore, #tpu.memory_space<semaphore_mem>>
        %dma_start3A_30 = arith.constant 0 : i32
        %dma_start3A_31 = tpu.memref_slice %arg11[%scan3A_9, %dma_start3A_30] : memref<79x128xi32, #tpu.memory_space<vmem>> -> memref<1x128xi32, #tpu.memory_space<vmem>>
        %dma_start3A_32 = tpu.memref_squeeze %dma_start3A_31 : memref<1x128xi32, #tpu.memory_space<vmem>> -> memref<128xi32, #tpu.memory_space<vmem>>
        %dma_start3A_33 = arith.constant 0 : i32
        %dma_start3A_34 = tpu.memref_slice %arg16[%dma_start3A_33] : memref<10240xf32, #tpu.memory_space<vmem_shared>> -> memref<10240xf32, #tpu.memory_space<vmem_shared>>
        tpu.enqueue_indirect_dma source(%arg15 : memref<128xf32, #tpu.memory_space<vmem>>) target(%dma_start3A_34 : memref<10240xf32, #tpu.memory_space<vmem_shared>>) offsets(%dma_start3A_32 : memref<128xi32, #tpu.memory_space<vmem>>) semaphore(%run_scoped3A : memref<!tpu.dma_semaphore, #tpu.memory_space<semaphore_mem>>) {add = true}
        %dma_wait3A_35 = arith.constant 0 : i32
        %dma_wait3A_36 = tpu.memref_slice %arg11[%scan3A_9, %dma_wait3A_35] : memref<79x128xi32, #tpu.memory_space<vmem>> -> memref<1x128xi32, #tpu.memory_space<vmem>>
        %dma_wait3A_37 = tpu.memref_squeeze %dma_wait3A_36 : memref<1x128xi32, #tpu.memory_space<vmem>> -> memref<128xi32, #tpu.memory_space<vmem>>
        %dma_wait3A_38 = arith.constant 0 : i32
        %dma_wait3A_39 = tpu.memref_slice %arg16[%dma_wait3A_38] : memref<10240xf32, #tpu.memory_space<vmem_shared>> -> memref<10240xf32, #tpu.memory_space<vmem_shared>>
        tpu.wait_indirect_dma semaphore(%run_scoped3A : memref<!tpu.dma_semaphore, #tpu.memory_space<semaphore_mem>>) src(%arg15 : memref<128xf32, #tpu.memory_space<vmem>>) dst(%dma_wait3A_39 : memref<10240xf32, #tpu.memory_space<vmem_shared>>)
        tpu.yield
      }) : () -> ()
    }
    %scan3A_7 = arith.constant 79 : i32
    %barrier3A_8 = arith.constant 0 : index
    tpu.barrier barrier_id(%barrier3A_8)
    "tpu.region"() ({
      %run_scoped3A = tpu.sem_alloc : memref<!tpu.dma_semaphore, #tpu.memory_space<semaphore_mem>>
      %dma_start3A = arith.constant 0 : i32
      %dma_start3A_9 = tpu.memref_slice %arg8[%arg0, %mul3A_2, %dma_start3A] : memref<2x10240x8xf32, #tpu.memory_space<hbm>> -> memref<1x640x8xf32, #tpu.memory_space<hbm>>
      %dma_start3A_10 = tpu.memref_squeeze %dma_start3A_9 : memref<1x640x8xf32, #tpu.memory_space<hbm>> -> memref<640x8xf32, #tpu.memory_space<hbm>>
      %dma_start3A_11 = arith.constant 0 : i32
      %dma_start3A_12 = tpu.memref_slice %arg13[%mul3A_2, %dma_start3A_11] : memref<10240x8xf32, #tpu.memory_space<vmem_shared>> -> memref<640x8xf32, #tpu.memory_space<vmem_shared>>
      tpu.enqueue_dma source(%dma_start3A_12 : memref<640x8xf32, #tpu.memory_space<vmem_shared>>) target(%dma_start3A_10 : memref<640x8xf32, #tpu.memory_space<hbm>>) target_semaphore(%run_scoped3A : memref<!tpu.dma_semaphore, #tpu.memory_space<semaphore_mem>>)
      %dma_wait3A = arith.constant 0 : i32
      %dma_wait3A_13 = tpu.memref_slice %arg8[%arg0, %mul3A_2, %dma_wait3A] : memref<2x10240x8xf32, #tpu.memory_space<hbm>> -> memref<1x640x8xf32, #tpu.memory_space<hbm>>
      %dma_wait3A_14 = tpu.memref_squeeze %dma_wait3A_13 : memref<1x640x8xf32, #tpu.memory_space<hbm>> -> memref<640x8xf32, #tpu.memory_space<hbm>>
      %dma_wait3A_15 = arith.constant 0 : i32
      %dma_wait3A_16 = tpu.memref_slice %arg13[%mul3A_2, %dma_wait3A_15] : memref<10240x8xf32, #tpu.memory_space<vmem_shared>> -> memref<640x8xf32, #tpu.memory_space<vmem_shared>>
      tpu.wait_dma2 semaphore(%run_scoped3A : memref<!tpu.dma_semaphore, #tpu.memory_space<semaphore_mem>>) src(%dma_wait3A_16 : memref<640x8xf32, #tpu.memory_space<vmem_shared>>) dst(%dma_wait3A_14 : memref<640x8xf32, #tpu.memory_space<hbm>>)
      tpu.yield
    }) : () -> ()
    "tpu.region"() ({
      %run_scoped3A = tpu.sem_alloc : memref<!tpu.dma_semaphore, #tpu.memory_space<semaphore_mem>>
      %dma_start3A = tpu.memref_slice %arg9[%arg0, %mul3A_2] : memref<2x10240xf32, #tpu.memory_space<hbm>> -> memref<1x640xf32, #tpu.memory_space<hbm>>
      %dma_start3A_9 = tpu.memref_squeeze %dma_start3A : memref<1x640xf32, #tpu.memory_space<hbm>> -> memref<640xf32, #tpu.memory_space<hbm>>
      %dma_start3A_10 = tpu.memref_slice %arg16[%mul3A_2] : memref<10240xf32, #tpu.memory_space<vmem_shared>> -> memref<640xf32, #tpu.memory_space<vmem_shared>>
      tpu.enqueue_dma source(%dma_start3A_10 : memref<640xf32, #tpu.memory_space<vmem_shared>>) target(%dma_start3A_9 : memref<640xf32, #tpu.memory_space<hbm>>) target_semaphore(%run_scoped3A : memref<!tpu.dma_semaphore, #tpu.memory_space<semaphore_mem>>)
      %dma_wait3A = tpu.memref_slice %arg9[%arg0, %mul3A_2] : memref<2x10240xf32, #tpu.memory_space<hbm>> -> memref<1x640xf32, #tpu.memory_space<hbm>>
      %dma_wait3A_11 = tpu.memref_squeeze %dma_wait3A : memref<1x640xf32, #tpu.memory_space<hbm>> -> memref<640xf32, #tpu.memory_space<hbm>>
      %dma_wait3A_12 = tpu.memref_slice %arg16[%mul3A_2] : memref<10240xf32, #tpu.memory_space<vmem_shared>> -> memref<640xf32, #tpu.memory_space<vmem_shared>>
      tpu.wait_dma2 semaphore(%run_scoped3A : memref<!tpu.dma_semaphore, #tpu.memory_space<semaphore_mem>>) src(%dma_wait3A_12 : memref<640xf32, #tpu.memory_space<vmem_shared>>) dst(%dma_wait3A_11 : memref<640xf32, #tpu.memory_space<hbm>>)
      tpu.yield
    }) : () -> ()
    return
  }
}

#map = affine_map<(d0, d1) -> (0, 0)>
#map1 = affine_map<(d0, d1) -> (0)>
#map2 = affine_map<(d0, d1) -> (0, 0, 0)>
module attributes {stable_mosaic.version = 14 : i64} {
  func.func @agg(%arg0: i32, %arg1: i32, %arg2: memref<10240x128xf32, #tpu.memory_space<hbm>>, %arg3: memref<10240xf32, #tpu.memory_space<hbm>>, %arg4: memref<32x79x128xi32, #tpu.memory_space<hbm>>, %arg5: memref<32x79x128xi32, #tpu.memory_space<hbm>>, %arg6: memref<10240x128xf32, #tpu.memory_space<hbm>>, %arg7: memref<10240xf32, #tpu.memory_space<hbm>>, %arg8: memref<2x10240x128xf32, #tpu.memory_space<hbm>>, %arg9: memref<2x10240xf32, #tpu.memory_space<hbm>>, %arg10: memref<79x128xi32, #tpu.memory_space<vmem>>, %arg11: memref<79x128xi32, #tpu.memory_space<vmem>>, %arg12: memref<128x128xf32, #tpu.memory_space<vmem>>, %arg13: memref<10240x128xf32, #tpu.memory_space<vmem_shared>>, %arg14: memref<!tpu.dma_semaphore, #tpu.memory_space<semaphore_mem>>, %arg15: memref<128xf32, #tpu.memory_space<vmem>>, %arg16: memref<10240xf32, #tpu.memory_space<vmem_shared>>, %arg17: memref<!tpu.dma_semaphore, #tpu.memory_space<semaphore_mem>>) attributes {dimension_semantics = [#tpu.dimension_semantics<core_parallel>, #tpu.dimension_semantics<subcore_parallel>], iteration_bounds = array<i64: 2, 16>, scalar_prefetch = 0 : i64, scratch_operands = 8 : i64, tpu.core_type = #tpu.core_type<sc_vector_subcore>, window_params = [{transform_indices = #map}, {transform_indices = #map1}, {transform_indices = #map2}, {transform_indices = #map2}, {transform_indices = #map}, {transform_indices = #map1}, {transform_indices = #map2}, {transform_indices = #map}]} {
    %mul3A = arith.constant 2 : i32
    %mul3A_0 = arith.muli %arg1, %mul3A : i32
    %add3A = arith.addi %mul3A_0, %arg0 : i32
    %mul3A_1 = arith.constant 640 : i32
    %mul3A_2 = arith.muli %arg1, %mul3A_1 : i32
    "tpu.region"() ({
      %run_scoped3A = tpu.sem_alloc : memref<!tpu.dma_semaphore, #tpu.memory_space<semaphore_mem>>
      %dma_start3A = arith.constant 0 : i32
      %dma_start3A_9 = tpu.memref_slice %arg13[%mul3A_2, %dma_start3A] : memref<10240x128xf32, #tpu.memory_space<vmem_shared>> -> memref<640x128xf32, #tpu.memory_space<vmem_shared>>
      %dma_start3A_10 = arith.constant 0 : i32
      %dma_start3A_11 = tpu.memref_slice %arg6[%mul3A_2, %dma_start3A_10] : memref<10240x128xf32, #tpu.memory_space<hbm>> -> memref<640x128xf32, #tpu.memory_space<hbm>>
      tpu.enqueue_dma source(%dma_start3A_11 : memref<640x128xf32, #tpu.memory_space<hbm>>) target(%dma_start3A_9 : memref<640x128xf32, #tpu.memory_space<vmem_shared>>) target_semaphore(%run_scoped3A : memref<!tpu.dma_semaphore, #tpu.memory_space<semaphore_mem>>)
      %dma_wait3A = arith.constant 0 : i32
      %dma_wait3A_12 = tpu.memref_slice %arg13[%mul3A_2, %dma_wait3A] : memref<10240x128xf32, #tpu.memory_space<vmem_shared>> -> memref<640x128xf32, #tpu.memory_space<vmem_shared>>
      %dma_wait3A_13 = arith.constant 0 : i32
      %dma_wait3A_14 = tpu.memref_slice %arg6[%mul3A_2, %dma_wait3A_13] : memref<10240x128xf32, #tpu.memory_space<hbm>> -> memref<640x128xf32, #tpu.memory_space<hbm>>
      tpu.wait_dma2 semaphore(%run_scoped3A : memref<!tpu.dma_semaphore, #tpu.memory_space<semaphore_mem>>) src(%dma_wait3A_14 : memref<640x128xf32, #tpu.memory_space<hbm>>) dst(%dma_wait3A_12 : memref<640x128xf32, #tpu.memory_space<vmem_shared>>)
      tpu.yield
    }) : () -> ()
    "tpu.region"() ({
      %run_scoped3A = tpu.sem_alloc : memref<!tpu.dma_semaphore, #tpu.memory_space<semaphore_mem>>
      %dma_start3A = arith.constant 0 : i32
      %dma_start3A_9 = arith.constant 0 : i32
      %dma_start3A_10 = tpu.memref_slice %arg4[%add3A, %dma_start3A, %dma_start3A_9] : memref<32x79x128xi32, #tpu.memory_space<hbm>> -> memref<1x79x128xi32, #tpu.memory_space<hbm>>
      %dma_start3A_11 = tpu.memref_squeeze %dma_start3A_10 : memref<1x79x128xi32, #tpu.memory_space<hbm>> -> memref<79x128xi32, #tpu.memory_space<hbm>>
      %dma_start3A_12 = arith.constant 0 : i32
      %dma_start3A_13 = arith.constant 0 : i32
      %dma_start3A_14 = tpu.memref_slice %arg4[%add3A, %dma_start3A_12, %dma_start3A_13] : memref<32x79x128xi32, #tpu.memory_space<hbm>> -> memref<1x79x128xi32, #tpu.memory_space<hbm>>
      %dma_start3A_15 = tpu.memref_squeeze %dma_start3A_14 : memref<1x79x128xi32, #tpu.memory_space<hbm>> -> memref<79x128xi32, #tpu.memory_space<hbm>>
      tpu.enqueue_dma source(%dma_start3A_15 : memref<79x128xi32, #tpu.memory_space<hbm>>) target(%arg10 : memref<79x128xi32, #tpu.memory_space<vmem>>) target_semaphore(%run_scoped3A : memref<!tpu.dma_semaphore, #tpu.memory_space<semaphore_mem>>)
      %dma_wait3A = arith.constant 0 : i32
      %dma_wait3A_16 = arith.constant 0 : i32
      %dma_wait3A_17 = tpu.memref_slice %arg4[%add3A, %dma_wait3A, %dma_wait3A_16] : memref<32x79x128xi32, #tpu.memory_space<hbm>> -> memref<1x79x128xi32, #tpu.memory_space<hbm>>
      %dma_wait3A_18 = tpu.memref_squeeze %dma_wait3A_17 : memref<1x79x128xi32, #tpu.memory_space<hbm>> -> memref<79x128xi32, #tpu.memory_space<hbm>>
      %dma_wait3A_19 = arith.constant 0 : i32
      %dma_wait3A_20 = arith.constant 0 : i32
      %dma_wait3A_21 = tpu.memref_slice %arg4[%add3A, %dma_wait3A_19, %dma_wait3A_20] : memref<32x79x128xi32, #tpu.memory_space<hbm>> -> memref<1x79x128xi32, #tpu.memory_space<hbm>>
      %dma_wait3A_22 = tpu.memref_squeeze %dma_wait3A_21 : memref<1x79x128xi32, #tpu.memory_space<hbm>> -> memref<79x128xi32, #tpu.memory_space<hbm>>
      tpu.wait_dma2 semaphore(%run_scoped3A : memref<!tpu.dma_semaphore, #tpu.memory_space<semaphore_mem>>) src(%dma_wait3A_22 : memref<79x128xi32, #tpu.memory_space<hbm>>) dst(%arg10 : memref<79x128xi32, #tpu.memory_space<vmem>>)
      tpu.yield
    }) : () -> ()
    "tpu.region"() ({
      %run_scoped3A = tpu.sem_alloc : memref<!tpu.dma_semaphore, #tpu.memory_space<semaphore_mem>>
      %dma_start3A = arith.constant 0 : i32
      %dma_start3A_9 = arith.constant 0 : i32
      %dma_start3A_10 = tpu.memref_slice %arg5[%add3A, %dma_start3A, %dma_start3A_9] : memref<32x79x128xi32, #tpu.memory_space<hbm>> -> memref<1x79x128xi32, #tpu.memory_space<hbm>>
      %dma_start3A_11 = tpu.memref_squeeze %dma_start3A_10 : memref<1x79x128xi32, #tpu.memory_space<hbm>> -> memref<79x128xi32, #tpu.memory_space<hbm>>
      %dma_start3A_12 = arith.constant 0 : i32
      %dma_start3A_13 = arith.constant 0 : i32
      %dma_start3A_14 = tpu.memref_slice %arg5[%add3A, %dma_start3A_12, %dma_start3A_13] : memref<32x79x128xi32, #tpu.memory_space<hbm>> -> memref<1x79x128xi32, #tpu.memory_space<hbm>>
      %dma_start3A_15 = tpu.memref_squeeze %dma_start3A_14 : memref<1x79x128xi32, #tpu.memory_space<hbm>> -> memref<79x128xi32, #tpu.memory_space<hbm>>
      tpu.enqueue_dma source(%dma_start3A_15 : memref<79x128xi32, #tpu.memory_space<hbm>>) target(%arg11 : memref<79x128xi32, #tpu.memory_space<vmem>>) target_semaphore(%run_scoped3A : memref<!tpu.dma_semaphore, #tpu.memory_space<semaphore_mem>>)
      %dma_wait3A = arith.constant 0 : i32
      %dma_wait3A_16 = arith.constant 0 : i32
      %dma_wait3A_17 = tpu.memref_slice %arg5[%add3A, %dma_wait3A, %dma_wait3A_16] : memref<32x79x128xi32, #tpu.memory_space<hbm>> -> memref<1x79x128xi32, #tpu.memory_space<hbm>>
      %dma_wait3A_18 = tpu.memref_squeeze %dma_wait3A_17 : memref<1x79x128xi32, #tpu.memory_space<hbm>> -> memref<79x128xi32, #tpu.memory_space<hbm>>
      %dma_wait3A_19 = arith.constant 0 : i32
      %dma_wait3A_20 = arith.constant 0 : i32
      %dma_wait3A_21 = tpu.memref_slice %arg5[%add3A, %dma_wait3A_19, %dma_wait3A_20] : memref<32x79x128xi32, #tpu.memory_space<hbm>> -> memref<1x79x128xi32, #tpu.memory_space<hbm>>
      %dma_wait3A_22 = tpu.memref_squeeze %dma_wait3A_21 : memref<1x79x128xi32, #tpu.memory_space<hbm>> -> memref<79x128xi32, #tpu.memory_space<hbm>>
      tpu.wait_dma2 semaphore(%run_scoped3A : memref<!tpu.dma_semaphore, #tpu.memory_space<semaphore_mem>>) src(%dma_wait3A_22 : memref<79x128xi32, #tpu.memory_space<hbm>>) dst(%arg11 : memref<79x128xi32, #tpu.memory_space<vmem>>)
      tpu.yield
    }) : () -> ()
    "tpu.region"() ({
      %run_scoped3A = tpu.sem_alloc : memref<!tpu.dma_semaphore, #tpu.memory_space<semaphore_mem>>
      %dma_start3A = tpu.memref_slice %arg16[%mul3A_2] : memref<10240xf32, #tpu.memory_space<vmem_shared>> -> memref<640xf32, #tpu.memory_space<vmem_shared>>
      %dma_start3A_9 = tpu.memref_slice %arg7[%mul3A_2] : memref<10240xf32, #tpu.memory_space<hbm>> -> memref<640xf32, #tpu.memory_space<hbm>>
      tpu.enqueue_dma source(%dma_start3A_9 : memref<640xf32, #tpu.memory_space<hbm>>) target(%dma_start3A : memref<640xf32, #tpu.memory_space<vmem_shared>>) target_semaphore(%run_scoped3A : memref<!tpu.dma_semaphore, #tpu.memory_space<semaphore_mem>>)
      %dma_wait3A = tpu.memref_slice %arg16[%mul3A_2] : memref<10240xf32, #tpu.memory_space<vmem_shared>> -> memref<640xf32, #tpu.memory_space<vmem_shared>>
      %dma_wait3A_10 = tpu.memref_slice %arg7[%mul3A_2] : memref<10240xf32, #tpu.memory_space<hbm>> -> memref<640xf32, #tpu.memory_space<hbm>>
      tpu.wait_dma2 semaphore(%run_scoped3A : memref<!tpu.dma_semaphore, #tpu.memory_space<semaphore_mem>>) src(%dma_wait3A_10 : memref<640xf32, #tpu.memory_space<hbm>>) dst(%dma_wait3A : memref<640xf32, #tpu.memory_space<vmem_shared>>)
      tpu.yield
    }) : () -> ()
    %barrier3A = arith.constant 0 : index
    tpu.barrier barrier_id(%barrier3A)
    %scan3A = arith.constant 0 : i32
    %scan3A_3 = arith.constant 0 : i32
    %scan3A_4 = arith.constant 79 : i32
    %scan3A_5 = arith.addi %scan3A_3, %scan3A_4 : i32
    %scan3A_6 = arith.constant 1 : i32
    scf.for %scan3A_9 = %scan3A_3 to %scan3A_5 step %scan3A_6  : i32 {
      %dma_start3A = arith.constant 0 : i32
      %dma_start3A_10 = tpu.memref_slice %arg10[%scan3A_9, %dma_start3A] : memref<79x128xi32, #tpu.memory_space<vmem>> -> memref<1x128xi32, #tpu.memory_space<vmem>>
      %dma_start3A_11 = tpu.memref_squeeze %dma_start3A_10 : memref<1x128xi32, #tpu.memory_space<vmem>> -> memref<128xi32, #tpu.memory_space<vmem>>
      %dma_start3A_12 = arith.constant 0 : i32
      %dma_start3A_13 = arith.constant 0 : i32
      %dma_start3A_14 = tpu.memref_slice %arg2[%dma_start3A_12, %dma_start3A_13] : memref<10240x128xf32, #tpu.memory_space<hbm>> -> memref<10240x128xf32, #tpu.memory_space<hbm>>
      tpu.enqueue_indirect_dma source(%dma_start3A_14 : memref<10240x128xf32, #tpu.memory_space<hbm>>) target(%arg12 : memref<128x128xf32, #tpu.memory_space<vmem>>) offsets(%dma_start3A_11 : memref<128xi32, #tpu.memory_space<vmem>>) semaphore(%arg14 : memref<!tpu.dma_semaphore, #tpu.memory_space<semaphore_mem>>)
      %dma_wait3A = arith.constant 0 : i32
      %dma_wait3A_15 = tpu.memref_slice %arg10[%scan3A_9, %dma_wait3A] : memref<79x128xi32, #tpu.memory_space<vmem>> -> memref<1x128xi32, #tpu.memory_space<vmem>>
      %dma_wait3A_16 = tpu.memref_squeeze %dma_wait3A_15 : memref<1x128xi32, #tpu.memory_space<vmem>> -> memref<128xi32, #tpu.memory_space<vmem>>
      %dma_wait3A_17 = arith.constant 0 : i32
      %dma_wait3A_18 = arith.constant 0 : i32
      %dma_wait3A_19 = tpu.memref_slice %arg2[%dma_wait3A_17, %dma_wait3A_18] : memref<10240x128xf32, #tpu.memory_space<hbm>> -> memref<10240x128xf32, #tpu.memory_space<hbm>>
      tpu.wait_indirect_dma semaphore(%arg14 : memref<!tpu.dma_semaphore, #tpu.memory_space<semaphore_mem>>) src(%dma_wait3A_19 : memref<10240x128xf32, #tpu.memory_space<hbm>>) dst(%arg12 : memref<128x128xf32, #tpu.memory_space<vmem>>)
      %dma_start3A_20 = arith.constant 0 : i32
      %dma_start3A_21 = tpu.memref_slice %arg10[%scan3A_9, %dma_start3A_20] : memref<79x128xi32, #tpu.memory_space<vmem>> -> memref<1x128xi32, #tpu.memory_space<vmem>>
      %dma_start3A_22 = tpu.memref_squeeze %dma_start3A_21 : memref<1x128xi32, #tpu.memory_space<vmem>> -> memref<128xi32, #tpu.memory_space<vmem>>
      %dma_start3A_23 = arith.constant 0 : i32
      %dma_start3A_24 = tpu.memref_slice %arg3[%dma_start3A_23] : memref<10240xf32, #tpu.memory_space<hbm>> -> memref<10240xf32, #tpu.memory_space<hbm>>
      tpu.enqueue_indirect_dma source(%dma_start3A_24 : memref<10240xf32, #tpu.memory_space<hbm>>) target(%arg15 : memref<128xf32, #tpu.memory_space<vmem>>) offsets(%dma_start3A_22 : memref<128xi32, #tpu.memory_space<vmem>>) semaphore(%arg17 : memref<!tpu.dma_semaphore, #tpu.memory_space<semaphore_mem>>)
      %dma_wait3A_25 = arith.constant 0 : i32
      %dma_wait3A_26 = tpu.memref_slice %arg10[%scan3A_9, %dma_wait3A_25] : memref<79x128xi32, #tpu.memory_space<vmem>> -> memref<1x128xi32, #tpu.memory_space<vmem>>
      %dma_wait3A_27 = tpu.memref_squeeze %dma_wait3A_26 : memref<1x128xi32, #tpu.memory_space<vmem>> -> memref<128xi32, #tpu.memory_space<vmem>>
      %dma_wait3A_28 = arith.constant 0 : i32
      %dma_wait3A_29 = tpu.memref_slice %arg3[%dma_wait3A_28] : memref<10240xf32, #tpu.memory_space<hbm>> -> memref<10240xf32, #tpu.memory_space<hbm>>
      tpu.wait_indirect_dma semaphore(%arg17 : memref<!tpu.dma_semaphore, #tpu.memory_space<semaphore_mem>>) src(%dma_wait3A_29 : memref<10240xf32, #tpu.memory_space<hbm>>) dst(%arg15 : memref<128xf32, #tpu.memory_space<vmem>>)
      "tpu.region"() ({
        %run_scoped3A = tpu.sem_alloc : memref<!tpu.dma_semaphore, #tpu.memory_space<semaphore_mem>>
        %dma_start3A_30 = arith.constant 0 : i32
        %dma_start3A_31 = tpu.memref_slice %arg11[%scan3A_9, %dma_start3A_30] : memref<79x128xi32, #tpu.memory_space<vmem>> -> memref<1x128xi32, #tpu.memory_space<vmem>>
        %dma_start3A_32 = tpu.memref_squeeze %dma_start3A_31 : memref<1x128xi32, #tpu.memory_space<vmem>> -> memref<128xi32, #tpu.memory_space<vmem>>
        %dma_start3A_33 = arith.constant 0 : i32
        %dma_start3A_34 = arith.constant 0 : i32
        %dma_start3A_35 = tpu.memref_slice %arg13[%dma_start3A_33, %dma_start3A_34] : memref<10240x128xf32, #tpu.memory_space<vmem_shared>> -> memref<10240x128xf32, #tpu.memory_space<vmem_shared>>
        tpu.enqueue_indirect_dma source(%arg12 : memref<128x128xf32, #tpu.memory_space<vmem>>) target(%dma_start3A_35 : memref<10240x128xf32, #tpu.memory_space<vmem_shared>>) offsets(%dma_start3A_32 : memref<128xi32, #tpu.memory_space<vmem>>) semaphore(%run_scoped3A : memref<!tpu.dma_semaphore, #tpu.memory_space<semaphore_mem>>) {add = true}
        %dma_wait3A_36 = arith.constant 0 : i32
        %dma_wait3A_37 = tpu.memref_slice %arg11[%scan3A_9, %dma_wait3A_36] : memref<79x128xi32, #tpu.memory_space<vmem>> -> memref<1x128xi32, #tpu.memory_space<vmem>>
        %dma_wait3A_38 = tpu.memref_squeeze %dma_wait3A_37 : memref<1x128xi32, #tpu.memory_space<vmem>> -> memref<128xi32, #tpu.memory_space<vmem>>
        %dma_wait3A_39 = arith.constant 0 : i32
        %dma_wait3A_40 = arith.constant 0 : i32
        %dma_wait3A_41 = tpu.memref_slice %arg13[%dma_wait3A_39, %dma_wait3A_40] : memref<10240x128xf32, #tpu.memory_space<vmem_shared>> -> memref<10240x128xf32, #tpu.memory_space<vmem_shared>>
        tpu.wait_indirect_dma semaphore(%run_scoped3A : memref<!tpu.dma_semaphore, #tpu.memory_space<semaphore_mem>>) src(%arg12 : memref<128x128xf32, #tpu.memory_space<vmem>>) dst(%dma_wait3A_41 : memref<10240x128xf32, #tpu.memory_space<vmem_shared>>)
        tpu.yield
      }) : () -> ()
      "tpu.region"() ({
        %run_scoped3A = tpu.sem_alloc : memref<!tpu.dma_semaphore, #tpu.memory_space<semaphore_mem>>
        %dma_start3A_30 = arith.constant 0 : i32
        %dma_start3A_31 = tpu.memref_slice %arg11[%scan3A_9, %dma_start3A_30] : memref<79x128xi32, #tpu.memory_space<vmem>> -> memref<1x128xi32, #tpu.memory_space<vmem>>
        %dma_start3A_32 = tpu.memref_squeeze %dma_start3A_31 : memref<1x128xi32, #tpu.memory_space<vmem>> -> memref<128xi32, #tpu.memory_space<vmem>>
        %dma_start3A_33 = arith.constant 0 : i32
        %dma_start3A_34 = tpu.memref_slice %arg16[%dma_start3A_33] : memref<10240xf32, #tpu.memory_space<vmem_shared>> -> memref<10240xf32, #tpu.memory_space<vmem_shared>>
        tpu.enqueue_indirect_dma source(%arg15 : memref<128xf32, #tpu.memory_space<vmem>>) target(%dma_start3A_34 : memref<10240xf32, #tpu.memory_space<vmem_shared>>) offsets(%dma_start3A_32 : memref<128xi32, #tpu.memory_space<vmem>>) semaphore(%run_scoped3A : memref<!tpu.dma_semaphore, #tpu.memory_space<semaphore_mem>>) {add = true}
        %dma_wait3A_35 = arith.constant 0 : i32
        %dma_wait3A_36 = tpu.memref_slice %arg11[%scan3A_9, %dma_wait3A_35] : memref<79x128xi32, #tpu.memory_space<vmem>> -> memref<1x128xi32, #tpu.memory_space<vmem>>
        %dma_wait3A_37 = tpu.memref_squeeze %dma_wait3A_36 : memref<1x128xi32, #tpu.memory_space<vmem>> -> memref<128xi32, #tpu.memory_space<vmem>>
        %dma_wait3A_38 = arith.constant 0 : i32
        %dma_wait3A_39 = tpu.memref_slice %arg16[%dma_wait3A_38] : memref<10240xf32, #tpu.memory_space<vmem_shared>> -> memref<10240xf32, #tpu.memory_space<vmem_shared>>
        tpu.wait_indirect_dma semaphore(%run_scoped3A : memref<!tpu.dma_semaphore, #tpu.memory_space<semaphore_mem>>) src(%arg15 : memref<128xf32, #tpu.memory_space<vmem>>) dst(%dma_wait3A_39 : memref<10240xf32, #tpu.memory_space<vmem_shared>>)
        tpu.yield
      }) : () -> ()
    }
    %scan3A_7 = arith.constant 79 : i32
    %barrier3A_8 = arith.constant 0 : index
    tpu.barrier barrier_id(%barrier3A_8)
    "tpu.region"() ({
      %run_scoped3A = tpu.sem_alloc : memref<!tpu.dma_semaphore, #tpu.memory_space<semaphore_mem>>
      %dma_start3A = arith.constant 0 : i32
      %dma_start3A_9 = tpu.memref_slice %arg8[%arg0, %mul3A_2, %dma_start3A] : memref<2x10240x128xf32, #tpu.memory_space<hbm>> -> memref<1x640x128xf32, #tpu.memory_space<hbm>>
      %dma_start3A_10 = tpu.memref_squeeze %dma_start3A_9 : memref<1x640x128xf32, #tpu.memory_space<hbm>> -> memref<640x128xf32, #tpu.memory_space<hbm>>
      %dma_start3A_11 = arith.constant 0 : i32
      %dma_start3A_12 = tpu.memref_slice %arg13[%mul3A_2, %dma_start3A_11] : memref<10240x128xf32, #tpu.memory_space<vmem_shared>> -> memref<640x128xf32, #tpu.memory_space<vmem_shared>>
      tpu.enqueue_dma source(%dma_start3A_12 : memref<640x128xf32, #tpu.memory_space<vmem_shared>>) target(%dma_start3A_10 : memref<640x128xf32, #tpu.memory_space<hbm>>) target_semaphore(%run_scoped3A : memref<!tpu.dma_semaphore, #tpu.memory_space<semaphore_mem>>)
      %dma_wait3A = arith.constant 0 : i32
      %dma_wait3A_13 = tpu.memref_slice %arg8[%arg0, %mul3A_2, %dma_wait3A] : memref<2x10240x128xf32, #tpu.memory_space<hbm>> -> memref<1x640x128xf32, #tpu.memory_space<hbm>>
      %dma_wait3A_14 = tpu.memref_squeeze %dma_wait3A_13 : memref<1x640x128xf32, #tpu.memory_space<hbm>> -> memref<640x128xf32, #tpu.memory_space<hbm>>
      %dma_wait3A_15 = arith.constant 0 : i32
      %dma_wait3A_16 = tpu.memref_slice %arg13[%mul3A_2, %dma_wait3A_15] : memref<10240x128xf32, #tpu.memory_space<vmem_shared>> -> memref<640x128xf32, #tpu.memory_space<vmem_shared>>
      tpu.wait_dma2 semaphore(%run_scoped3A : memref<!tpu.dma_semaphore, #tpu.memory_space<semaphore_mem>>) src(%dma_wait3A_16 : memref<640x128xf32, #tpu.memory_space<vmem_shared>>) dst(%dma_wait3A_14 : memref<640x128xf32, #tpu.memory_space<hbm>>)
      tpu.yield
    }) : () -> ()
    "tpu.region"() ({
      %run_scoped3A = tpu.sem_alloc : memref<!tpu.dma_semaphore, #tpu.memory_space<semaphore_mem>>
      %dma_start3A = tpu.memref_slice %arg9[%arg0, %mul3A_2] : memref<2x10240xf32, #tpu.memory_space<hbm>> -> memref<1x640xf32, #tpu.memory_space<hbm>>
      %dma_start3A_9 = tpu.memref_squeeze %dma_start3A : memref<1x640xf32, #tpu.memory_space<hbm>> -> memref<640xf32, #tpu.memory_space<hbm>>
      %dma_start3A_10 = tpu.memref_slice %arg16[%mul3A_2] : memref<10240xf32, #tpu.memory_space<vmem_shared>> -> memref<640xf32, #tpu.memory_space<vmem_shared>>
      tpu.enqueue_dma source(%dma_start3A_10 : memref<640xf32, #tpu.memory_space<vmem_shared>>) target(%dma_start3A_9 : memref<640xf32, #tpu.memory_space<hbm>>) target_semaphore(%run_scoped3A : memref<!tpu.dma_semaphore, #tpu.memory_space<semaphore_mem>>)
      %dma_wait3A = tpu.memref_slice %arg9[%arg0, %mul3A_2] : memref<2x10240xf32, #tpu.memory_space<hbm>> -> memref<1x640xf32, #tpu.memory_space<hbm>>
      %dma_wait3A_11 = tpu.memref_squeeze %dma_wait3A : memref<1x640xf32, #tpu.memory_space<hbm>> -> memref<640xf32, #tpu.memory_space<hbm>>
      %dma_wait3A_12 = tpu.memref_slice %arg16[%mul3A_2] : memref<10240xf32, #tpu.memory_space<vmem_shared>> -> memref<640xf32, #tpu.memory_space<vmem_shared>>
      tpu.wait_dma2 semaphore(%run_scoped3A : memref<!tpu.dma_semaphore, #tpu.memory_space<semaphore_mem>>) src(%dma_wait3A_12 : memref<640xf32, #tpu.memory_space<vmem_shared>>) dst(%dma_wait3A_11 : memref<640xf32, #tpu.memory_space<hbm>>)
      tpu.yield
    }) : () -> ()
    return
  }
}

#map = affine_map<(d0, d1) -> (0, 0)>
#map1 = affine_map<(d0, d1) -> (0)>
#map2 = affine_map<(d0, d1) -> (0, 0, 0)>
module attributes {stable_mosaic.version = 14 : i64} {
  func.func @agg(%arg0: i32, %arg1: i32, %arg2: memref<10240x128xf32, #tpu.memory_space<hbm>>, %arg3: memref<10240xf32, #tpu.memory_space<hbm>>, %arg4: memref<32x79x128xi32, #tpu.memory_space<hbm>>, %arg5: memref<32x79x128xi32, #tpu.memory_space<hbm>>, %arg6: memref<10240x128xf32, #tpu.memory_space<hbm>>, %arg7: memref<10240xf32, #tpu.memory_space<hbm>>, %arg8: memref<2x10240x128xf32, #tpu.memory_space<hbm>>, %arg9: memref<2x10240xf32, #tpu.memory_space<hbm>>, %arg10: memref<79x128xi32, #tpu.memory_space<vmem>>, %arg11: memref<79x128xi32, #tpu.memory_space<vmem>>, %arg12: memref<128x128xf32, #tpu.memory_space<vmem>>, %arg13: memref<10240x128xf32, #tpu.memory_space<vmem_shared>>, %arg14: memref<!tpu.dma_semaphore, #tpu.memory_space<semaphore_mem>>, %arg15: memref<128xf32, #tpu.memory_space<vmem>>, %arg16: memref<10240xf32, #tpu.memory_space<vmem_shared>>, %arg17: memref<!tpu.dma_semaphore, #tpu.memory_space<semaphore_mem>>) attributes {dimension_semantics = [#tpu.dimension_semantics<core_parallel>, #tpu.dimension_semantics<subcore_parallel>], iteration_bounds = array<i64: 2, 16>, scalar_prefetch = 0 : i64, scratch_operands = 8 : i64, tpu.core_type = #tpu.core_type<sc_vector_subcore>, window_params = [{transform_indices = #map}, {transform_indices = #map1}, {transform_indices = #map2}, {transform_indices = #map2}, {transform_indices = #map}, {transform_indices = #map1}, {transform_indices = #map2}, {transform_indices = #map}]} {
    %mul3A = arith.constant 2 : i32
    %mul3A_0 = arith.muli %arg1, %mul3A : i32
    %add3A = arith.addi %mul3A_0, %arg0 : i32
    %mul3A_1 = arith.constant 640 : i32
    %mul3A_2 = arith.muli %arg1, %mul3A_1 : i32
    "tpu.region"() ({
      %run_scoped3A = tpu.sem_alloc : memref<!tpu.dma_semaphore, #tpu.memory_space<semaphore_mem>>
      %dma_start3A = arith.constant 0 : i32
      %dma_start3A_9 = tpu.memref_slice %arg13[%mul3A_2, %dma_start3A] : memref<10240x128xf32, #tpu.memory_space<vmem_shared>> -> memref<640x128xf32, #tpu.memory_space<vmem_shared>>
      %dma_start3A_10 = arith.constant 0 : i32
      %dma_start3A_11 = tpu.memref_slice %arg6[%mul3A_2, %dma_start3A_10] : memref<10240x128xf32, #tpu.memory_space<hbm>> -> memref<640x128xf32, #tpu.memory_space<hbm>>
      tpu.enqueue_dma source(%dma_start3A_11 : memref<640x128xf32, #tpu.memory_space<hbm>>) target(%dma_start3A_9 : memref<640x128xf32, #tpu.memory_space<vmem_shared>>) target_semaphore(%run_scoped3A : memref<!tpu.dma_semaphore, #tpu.memory_space<semaphore_mem>>)
      %dma_wait3A = arith.constant 0 : i32
      %dma_wait3A_12 = tpu.memref_slice %arg13[%mul3A_2, %dma_wait3A] : memref<10240x128xf32, #tpu.memory_space<vmem_shared>> -> memref<640x128xf32, #tpu.memory_space<vmem_shared>>
      %dma_wait3A_13 = arith.constant 0 : i32
      %dma_wait3A_14 = tpu.memref_slice %arg6[%mul3A_2, %dma_wait3A_13] : memref<10240x128xf32, #tpu.memory_space<hbm>> -> memref<640x128xf32, #tpu.memory_space<hbm>>
      tpu.wait_dma2 semaphore(%run_scoped3A : memref<!tpu.dma_semaphore, #tpu.memory_space<semaphore_mem>>) src(%dma_wait3A_14 : memref<640x128xf32, #tpu.memory_space<hbm>>) dst(%dma_wait3A_12 : memref<640x128xf32, #tpu.memory_space<vmem_shared>>)
      tpu.yield
    }) : () -> ()
    "tpu.region"() ({
      %run_scoped3A = tpu.sem_alloc : memref<!tpu.dma_semaphore, #tpu.memory_space<semaphore_mem>>
      %dma_start3A = arith.constant 0 : i32
      %dma_start3A_9 = arith.constant 0 : i32
      %dma_start3A_10 = tpu.memref_slice %arg4[%add3A, %dma_start3A, %dma_start3A_9] : memref<32x79x128xi32, #tpu.memory_space<hbm>> -> memref<1x79x128xi32, #tpu.memory_space<hbm>>
      %dma_start3A_11 = tpu.memref_squeeze %dma_start3A_10 : memref<1x79x128xi32, #tpu.memory_space<hbm>> -> memref<79x128xi32, #tpu.memory_space<hbm>>
      %dma_start3A_12 = arith.constant 0 : i32
      %dma_start3A_13 = arith.constant 0 : i32
      %dma_start3A_14 = tpu.memref_slice %arg4[%add3A, %dma_start3A_12, %dma_start3A_13] : memref<32x79x128xi32, #tpu.memory_space<hbm>> -> memref<1x79x128xi32, #tpu.memory_space<hbm>>
      %dma_start3A_15 = tpu.memref_squeeze %dma_start3A_14 : memref<1x79x128xi32, #tpu.memory_space<hbm>> -> memref<79x128xi32, #tpu.memory_space<hbm>>
      tpu.enqueue_dma source(%dma_start3A_15 : memref<79x128xi32, #tpu.memory_space<hbm>>) target(%arg10 : memref<79x128xi32, #tpu.memory_space<vmem>>) target_semaphore(%run_scoped3A : memref<!tpu.dma_semaphore, #tpu.memory_space<semaphore_mem>>)
      %dma_wait3A = arith.constant 0 : i32
      %dma_wait3A_16 = arith.constant 0 : i32
      %dma_wait3A_17 = tpu.memref_slice %arg4[%add3A, %dma_wait3A, %dma_wait3A_16] : memref<32x79x128xi32, #tpu.memory_space<hbm>> -> memref<1x79x128xi32, #tpu.memory_space<hbm>>
      %dma_wait3A_18 = tpu.memref_squeeze %dma_wait3A_17 : memref<1x79x128xi32, #tpu.memory_space<hbm>> -> memref<79x128xi32, #tpu.memory_space<hbm>>
      %dma_wait3A_19 = arith.constant 0 : i32
      %dma_wait3A_20 = arith.constant 0 : i32
      %dma_wait3A_21 = tpu.memref_slice %arg4[%add3A, %dma_wait3A_19, %dma_wait3A_20] : memref<32x79x128xi32, #tpu.memory_space<hbm>> -> memref<1x79x128xi32, #tpu.memory_space<hbm>>
      %dma_wait3A_22 = tpu.memref_squeeze %dma_wait3A_21 : memref<1x79x128xi32, #tpu.memory_space<hbm>> -> memref<79x128xi32, #tpu.memory_space<hbm>>
      tpu.wait_dma2 semaphore(%run_scoped3A : memref<!tpu.dma_semaphore, #tpu.memory_space<semaphore_mem>>) src(%dma_wait3A_22 : memref<79x128xi32, #tpu.memory_space<hbm>>) dst(%arg10 : memref<79x128xi32, #tpu.memory_space<vmem>>)
      tpu.yield
    }) : () -> ()
    "tpu.region"() ({
      %run_scoped3A = tpu.sem_alloc : memref<!tpu.dma_semaphore, #tpu.memory_space<semaphore_mem>>
      %dma_start3A = arith.constant 0 : i32
      %dma_start3A_9 = arith.constant 0 : i32
      %dma_start3A_10 = tpu.memref_slice %arg5[%add3A, %dma_start3A, %dma_start3A_9] : memref<32x79x128xi32, #tpu.memory_space<hbm>> -> memref<1x79x128xi32, #tpu.memory_space<hbm>>
      %dma_start3A_11 = tpu.memref_squeeze %dma_start3A_10 : memref<1x79x128xi32, #tpu.memory_space<hbm>> -> memref<79x128xi32, #tpu.memory_space<hbm>>
      %dma_start3A_12 = arith.constant 0 : i32
      %dma_start3A_13 = arith.constant 0 : i32
      %dma_start3A_14 = tpu.memref_slice %arg5[%add3A, %dma_start3A_12, %dma_start3A_13] : memref<32x79x128xi32, #tpu.memory_space<hbm>> -> memref<1x79x128xi32, #tpu.memory_space<hbm>>
      %dma_start3A_15 = tpu.memref_squeeze %dma_start3A_14 : memref<1x79x128xi32, #tpu.memory_space<hbm>> -> memref<79x128xi32, #tpu.memory_space<hbm>>
      tpu.enqueue_dma source(%dma_start3A_15 : memref<79x128xi32, #tpu.memory_space<hbm>>) target(%arg11 : memref<79x128xi32, #tpu.memory_space<vmem>>) target_semaphore(%run_scoped3A : memref<!tpu.dma_semaphore, #tpu.memory_space<semaphore_mem>>)
      %dma_wait3A = arith.constant 0 : i32
      %dma_wait3A_16 = arith.constant 0 : i32
      %dma_wait3A_17 = tpu.memref_slice %arg5[%add3A, %dma_wait3A, %dma_wait3A_16] : memref<32x79x128xi32, #tpu.memory_space<hbm>> -> memref<1x79x128xi32, #tpu.memory_space<hbm>>
      %dma_wait3A_18 = tpu.memref_squeeze %dma_wait3A_17 : memref<1x79x128xi32, #tpu.memory_space<hbm>> -> memref<79x128xi32, #tpu.memory_space<hbm>>
      %dma_wait3A_19 = arith.constant 0 : i32
      %dma_wait3A_20 = arith.constant 0 : i32
      %dma_wait3A_21 = tpu.memref_slice %arg5[%add3A, %dma_wait3A_19, %dma_wait3A_20] : memref<32x79x128xi32, #tpu.memory_space<hbm>> -> memref<1x79x128xi32, #tpu.memory_space<hbm>>
      %dma_wait3A_22 = tpu.memref_squeeze %dma_wait3A_21 : memref<1x79x128xi32, #tpu.memory_space<hbm>> -> memref<79x128xi32, #tpu.memory_space<hbm>>
      tpu.wait_dma2 semaphore(%run_scoped3A : memref<!tpu.dma_semaphore, #tpu.memory_space<semaphore_mem>>) src(%dma_wait3A_22 : memref<79x128xi32, #tpu.memory_space<hbm>>) dst(%arg11 : memref<79x128xi32, #tpu.memory_space<vmem>>)
      tpu.yield
    }) : () -> ()
    "tpu.region"() ({
      %run_scoped3A = tpu.sem_alloc : memref<!tpu.dma_semaphore, #tpu.memory_space<semaphore_mem>>
      %dma_start3A = tpu.memref_slice %arg16[%mul3A_2] : memref<10240xf32, #tpu.memory_space<vmem_shared>> -> memref<640xf32, #tpu.memory_space<vmem_shared>>
      %dma_start3A_9 = tpu.memref_slice %arg7[%mul3A_2] : memref<10240xf32, #tpu.memory_space<hbm>> -> memref<640xf32, #tpu.memory_space<hbm>>
      tpu.enqueue_dma source(%dma_start3A_9 : memref<640xf32, #tpu.memory_space<hbm>>) target(%dma_start3A : memref<640xf32, #tpu.memory_space<vmem_shared>>) target_semaphore(%run_scoped3A : memref<!tpu.dma_semaphore, #tpu.memory_space<semaphore_mem>>)
      %dma_wait3A = tpu.memref_slice %arg16[%mul3A_2] : memref<10240xf32, #tpu.memory_space<vmem_shared>> -> memref<640xf32, #tpu.memory_space<vmem_shared>>
      %dma_wait3A_10 = tpu.memref_slice %arg7[%mul3A_2] : memref<10240xf32, #tpu.memory_space<hbm>> -> memref<640xf32, #tpu.memory_space<hbm>>
      tpu.wait_dma2 semaphore(%run_scoped3A : memref<!tpu.dma_semaphore, #tpu.memory_space<semaphore_mem>>) src(%dma_wait3A_10 : memref<640xf32, #tpu.memory_space<hbm>>) dst(%dma_wait3A : memref<640xf32, #tpu.memory_space<vmem_shared>>)
      tpu.yield
    }) : () -> ()
    %barrier3A = arith.constant 0 : index
    tpu.barrier barrier_id(%barrier3A)
    %scan3A = arith.constant 0 : i32
    %scan3A_3 = arith.constant 0 : i32
    %scan3A_4 = arith.constant 79 : i32
    %scan3A_5 = arith.addi %scan3A_3, %scan3A_4 : i32
    %scan3A_6 = arith.constant 1 : i32
    scf.for %scan3A_9 = %scan3A_3 to %scan3A_5 step %scan3A_6  : i32 {
      %dma_start3A = arith.constant 0 : i32
      %dma_start3A_10 = tpu.memref_slice %arg10[%scan3A_9, %dma_start3A] : memref<79x128xi32, #tpu.memory_space<vmem>> -> memref<1x128xi32, #tpu.memory_space<vmem>>
      %dma_start3A_11 = tpu.memref_squeeze %dma_start3A_10 : memref<1x128xi32, #tpu.memory_space<vmem>> -> memref<128xi32, #tpu.memory_space<vmem>>
      %dma_start3A_12 = arith.constant 0 : i32
      %dma_start3A_13 = arith.constant 0 : i32
      %dma_start3A_14 = tpu.memref_slice %arg2[%dma_start3A_12, %dma_start3A_13] : memref<10240x128xf32, #tpu.memory_space<hbm>> -> memref<10240x128xf32, #tpu.memory_space<hbm>>
      tpu.enqueue_indirect_dma source(%dma_start3A_14 : memref<10240x128xf32, #tpu.memory_space<hbm>>) target(%arg12 : memref<128x128xf32, #tpu.memory_space<vmem>>) offsets(%dma_start3A_11 : memref<128xi32, #tpu.memory_space<vmem>>) semaphore(%arg14 : memref<!tpu.dma_semaphore, #tpu.memory_space<semaphore_mem>>)
      %dma_wait3A = arith.constant 0 : i32
      %dma_wait3A_15 = tpu.memref_slice %arg10[%scan3A_9, %dma_wait3A] : memref<79x128xi32, #tpu.memory_space<vmem>> -> memref<1x128xi32, #tpu.memory_space<vmem>>
      %dma_wait3A_16 = tpu.memref_squeeze %dma_wait3A_15 : memref<1x128xi32, #tpu.memory_space<vmem>> -> memref<128xi32, #tpu.memory_space<vmem>>
      %dma_wait3A_17 = arith.constant 0 : i32
      %dma_wait3A_18 = arith.constant 0 : i32
      %dma_wait3A_19 = tpu.memref_slice %arg2[%dma_wait3A_17, %dma_wait3A_18] : memref<10240x128xf32, #tpu.memory_space<hbm>> -> memref<10240x128xf32, #tpu.memory_space<hbm>>
      tpu.wait_indirect_dma semaphore(%arg14 : memref<!tpu.dma_semaphore, #tpu.memory_space<semaphore_mem>>) src(%dma_wait3A_19 : memref<10240x128xf32, #tpu.memory_space<hbm>>) dst(%arg12 : memref<128x128xf32, #tpu.memory_space<vmem>>)
      %dma_start3A_20 = arith.constant 0 : i32
      %dma_start3A_21 = tpu.memref_slice %arg10[%scan3A_9, %dma_start3A_20] : memref<79x128xi32, #tpu.memory_space<vmem>> -> memref<1x128xi32, #tpu.memory_space<vmem>>
      %dma_start3A_22 = tpu.memref_squeeze %dma_start3A_21 : memref<1x128xi32, #tpu.memory_space<vmem>> -> memref<128xi32, #tpu.memory_space<vmem>>
      %dma_start3A_23 = arith.constant 0 : i32
      %dma_start3A_24 = tpu.memref_slice %arg3[%dma_start3A_23] : memref<10240xf32, #tpu.memory_space<hbm>> -> memref<10240xf32, #tpu.memory_space<hbm>>
      tpu.enqueue_indirect_dma source(%dma_start3A_24 : memref<10240xf32, #tpu.memory_space<hbm>>) target(%arg15 : memref<128xf32, #tpu.memory_space<vmem>>) offsets(%dma_start3A_22 : memref<128xi32, #tpu.memory_space<vmem>>) semaphore(%arg17 : memref<!tpu.dma_semaphore, #tpu.memory_space<semaphore_mem>>)
      %dma_wait3A_25 = arith.constant 0 : i32
      %dma_wait3A_26 = tpu.memref_slice %arg10[%scan3A_9, %dma_wait3A_25] : memref<79x128xi32, #tpu.memory_space<vmem>> -> memref<1x128xi32, #tpu.memory_space<vmem>>
      %dma_wait3A_27 = tpu.memref_squeeze %dma_wait3A_26 : memref<1x128xi32, #tpu.memory_space<vmem>> -> memref<128xi32, #tpu.memory_space<vmem>>
      %dma_wait3A_28 = arith.constant 0 : i32
      %dma_wait3A_29 = tpu.memref_slice %arg3[%dma_wait3A_28] : memref<10240xf32, #tpu.memory_space<hbm>> -> memref<10240xf32, #tpu.memory_space<hbm>>
      tpu.wait_indirect_dma semaphore(%arg17 : memref<!tpu.dma_semaphore, #tpu.memory_space<semaphore_mem>>) src(%dma_wait3A_29 : memref<10240xf32, #tpu.memory_space<hbm>>) dst(%arg15 : memref<128xf32, #tpu.memory_space<vmem>>)
      "tpu.region"() ({
        %run_scoped3A = tpu.sem_alloc : memref<!tpu.dma_semaphore, #tpu.memory_space<semaphore_mem>>
        %dma_start3A_30 = arith.constant 0 : i32
        %dma_start3A_31 = tpu.memref_slice %arg11[%scan3A_9, %dma_start3A_30] : memref<79x128xi32, #tpu.memory_space<vmem>> -> memref<1x128xi32, #tpu.memory_space<vmem>>
        %dma_start3A_32 = tpu.memref_squeeze %dma_start3A_31 : memref<1x128xi32, #tpu.memory_space<vmem>> -> memref<128xi32, #tpu.memory_space<vmem>>
        %dma_start3A_33 = arith.constant 0 : i32
        %dma_start3A_34 = arith.constant 0 : i32
        %dma_start3A_35 = tpu.memref_slice %arg13[%dma_start3A_33, %dma_start3A_34] : memref<10240x128xf32, #tpu.memory_space<vmem_shared>> -> memref<10240x128xf32, #tpu.memory_space<vmem_shared>>
        tpu.enqueue_indirect_dma source(%arg12 : memref<128x128xf32, #tpu.memory_space<vmem>>) target(%dma_start3A_35 : memref<10240x128xf32, #tpu.memory_space<vmem_shared>>) offsets(%dma_start3A_32 : memref<128xi32, #tpu.memory_space<vmem>>) semaphore(%run_scoped3A : memref<!tpu.dma_semaphore, #tpu.memory_space<semaphore_mem>>) {add = true}
        %dma_wait3A_36 = arith.constant 0 : i32
        %dma_wait3A_37 = tpu.memref_slice %arg11[%scan3A_9, %dma_wait3A_36] : memref<79x128xi32, #tpu.memory_space<vmem>> -> memref<1x128xi32, #tpu.memory_space<vmem>>
        %dma_wait3A_38 = tpu.memref_squeeze %dma_wait3A_37 : memref<1x128xi32, #tpu.memory_space<vmem>> -> memref<128xi32, #tpu.memory_space<vmem>>
        %dma_wait3A_39 = arith.constant 0 : i32
        %dma_wait3A_40 = arith.constant 0 : i32
        %dma_wait3A_41 = tpu.memref_slice %arg13[%dma_wait3A_39, %dma_wait3A_40] : memref<10240x128xf32, #tpu.memory_space<vmem_shared>> -> memref<10240x128xf32, #tpu.memory_space<vmem_shared>>
        tpu.wait_indirect_dma semaphore(%run_scoped3A : memref<!tpu.dma_semaphore, #tpu.memory_space<semaphore_mem>>) src(%arg12 : memref<128x128xf32, #tpu.memory_space<vmem>>) dst(%dma_wait3A_41 : memref<10240x128xf32, #tpu.memory_space<vmem_shared>>)
        tpu.yield
      }) : () -> ()
      "tpu.region"() ({
        %run_scoped3A = tpu.sem_alloc : memref<!tpu.dma_semaphore, #tpu.memory_space<semaphore_mem>>
        %dma_start3A_30 = arith.constant 0 : i32
        %dma_start3A_31 = tpu.memref_slice %arg11[%scan3A_9, %dma_start3A_30] : memref<79x128xi32, #tpu.memory_space<vmem>> -> memref<1x128xi32, #tpu.memory_space<vmem>>
        %dma_start3A_32 = tpu.memref_squeeze %dma_start3A_31 : memref<1x128xi32, #tpu.memory_space<vmem>> -> memref<128xi32, #tpu.memory_space<vmem>>
        %dma_start3A_33 = arith.constant 0 : i32
        %dma_start3A_34 = tpu.memref_slice %arg16[%dma_start3A_33] : memref<10240xf32, #tpu.memory_space<vmem_shared>> -> memref<10240xf32, #tpu.memory_space<vmem_shared>>
        tpu.enqueue_indirect_dma source(%arg15 : memref<128xf32, #tpu.memory_space<vmem>>) target(%dma_start3A_34 : memref<10240xf32, #tpu.memory_space<vmem_shared>>) offsets(%dma_start3A_32 : memref<128xi32, #tpu.memory_space<vmem>>) semaphore(%run_scoped3A : memref<!tpu.dma_semaphore, #tpu.memory_space<semaphore_mem>>) {add = true}
        %dma_wait3A_35 = arith.constant 0 : i32
        %dma_wait3A_36 = tpu.memref_slice %arg11[%scan3A_9, %dma_wait3A_35] : memref<79x128xi32, #tpu.memory_space<vmem>> -> memref<1x128xi32, #tpu.memory_space<vmem>>
        %dma_wait3A_37 = tpu.memref_squeeze %dma_wait3A_36 : memref<1x128xi32, #tpu.memory_space<vmem>> -> memref<128xi32, #tpu.memory_space<vmem>>
        %dma_wait3A_38 = arith.constant 0 : i32
        %dma_wait3A_39 = tpu.memref_slice %arg16[%dma_wait3A_38] : memref<10240xf32, #tpu.memory_space<vmem_shared>> -> memref<10240xf32, #tpu.memory_space<vmem_shared>>
        tpu.wait_indirect_dma semaphore(%run_scoped3A : memref<!tpu.dma_semaphore, #tpu.memory_space<semaphore_mem>>) src(%arg15 : memref<128xf32, #tpu.memory_space<vmem>>) dst(%dma_wait3A_39 : memref<10240xf32, #tpu.memory_space<vmem_shared>>)
        tpu.yield
      }) : () -> ()
    }
    %scan3A_7 = arith.constant 79 : i32
    %barrier3A_8 = arith.constant 0 : index
    tpu.barrier barrier_id(%barrier3A_8)
    "tpu.region"() ({
      %run_scoped3A = tpu.sem_alloc : memref<!tpu.dma_semaphore, #tpu.memory_space<semaphore_mem>>
      %dma_start3A = arith.constant 0 : i32
      %dma_start3A_9 = tpu.memref_slice %arg8[%arg0, %mul3A_2, %dma_start3A] : memref<2x10240x128xf32, #tpu.memory_space<hbm>> -> memref<1x640x128xf32, #tpu.memory_space<hbm>>
      %dma_start3A_10 = tpu.memref_squeeze %dma_start3A_9 : memref<1x640x128xf32, #tpu.memory_space<hbm>> -> memref<640x128xf32, #tpu.memory_space<hbm>>
      %dma_start3A_11 = arith.constant 0 : i32
      %dma_start3A_12 = tpu.memref_slice %arg13[%mul3A_2, %dma_start3A_11] : memref<10240x128xf32, #tpu.memory_space<vmem_shared>> -> memref<640x128xf32, #tpu.memory_space<vmem_shared>>
      tpu.enqueue_dma source(%dma_start3A_12 : memref<640x128xf32, #tpu.memory_space<vmem_shared>>) target(%dma_start3A_10 : memref<640x128xf32, #tpu.memory_space<hbm>>) target_semaphore(%run_scoped3A : memref<!tpu.dma_semaphore, #tpu.memory_space<semaphore_mem>>)
      %dma_wait3A = arith.constant 0 : i32
      %dma_wait3A_13 = tpu.memref_slice %arg8[%arg0, %mul3A_2, %dma_wait3A] : memref<2x10240x128xf32, #tpu.memory_space<hbm>> -> memref<1x640x128xf32, #tpu.memory_space<hbm>>
      %dma_wait3A_14 = tpu.memref_squeeze %dma_wait3A_13 : memref<1x640x128xf32, #tpu.memory_space<hbm>> -> memref<640x128xf32, #tpu.memory_space<hbm>>
      %dma_wait3A_15 = arith.constant 0 : i32
      %dma_wait3A_16 = tpu.memref_slice %arg13[%mul3A_2, %dma_wait3A_15] : memref<10240x128xf32, #tpu.memory_space<vmem_shared>> -> memref<640x128xf32, #tpu.memory_space<vmem_shared>>
      tpu.wait_dma2 semaphore(%run_scoped3A : memref<!tpu.dma_semaphore, #tpu.memory_space<semaphore_mem>>) src(%dma_wait3A_16 : memref<640x128xf32, #tpu.memory_space<vmem_shared>>) dst(%dma_wait3A_14 : memref<640x128xf32, #tpu.memory_space<hbm>>)
      tpu.yield
    }) : () -> ()
    "tpu.region"() ({
      %run_scoped3A = tpu.sem_alloc : memref<!tpu.dma_semaphore, #tpu.memory_space<semaphore_mem>>
      %dma_start3A = tpu.memref_slice %arg9[%arg0, %mul3A_2] : memref<2x10240xf32, #tpu.memory_space<hbm>> -> memref<1x640xf32, #tpu.memory_space<hbm>>
      %dma_start3A_9 = tpu.memref_squeeze %dma_start3A : memref<1x640xf32, #tpu.memory_space<hbm>> -> memref<640xf32, #tpu.memory_space<hbm>>
      %dma_start3A_10 = tpu.memref_slice %arg16[%mul3A_2] : memref<10240xf32, #tpu.memory_space<vmem_shared>> -> memref<640xf32, #tpu.memory_space<vmem_shared>>
      tpu.enqueue_dma source(%dma_start3A_10 : memref<640xf32, #tpu.memory_space<vmem_shared>>) target(%dma_start3A_9 : memref<640xf32, #tpu.memory_space<hbm>>) target_semaphore(%run_scoped3A : memref<!tpu.dma_semaphore, #tpu.memory_space<semaphore_mem>>)
      %dma_wait3A = tpu.memref_slice %arg9[%arg0, %mul3A_2] : memref<2x10240xf32, #tpu.memory_space<hbm>> -> memref<1x640xf32, #tpu.memory_space<hbm>>
      %dma_wait3A_11 = tpu.memref_squeeze %dma_wait3A : memref<1x640xf32, #tpu.memory_space<hbm>> -> memref<640xf32, #tpu.memory_space<hbm>>
      %dma_wait3A_12 = tpu.memref_slice %arg16[%mul3A_2] : memref<10240xf32, #tpu.memory_space<vmem_shared>> -> memref<640xf32, #tpu.memory_space<vmem_shared>>
      tpu.wait_dma2 semaphore(%run_scoped3A : memref<!tpu.dma_semaphore, #tpu.memory_space<semaphore_mem>>) src(%dma_wait3A_12 : memref<640xf32, #tpu.memory_space<vmem_shared>>) dst(%dma_wait3A_11 : memref<640xf32, #tpu.memory_space<hbm>>)
      tpu.yield
    }) : () -> ()
    return
  }
}

module attributes {stable_mosaic.version = 14 : i64} {
  func.func @_mm_body(%arg0: i32, %arg1: memref<512x128xf32, #tpu.memory_space<vmem>>, %arg2: memref<128x128xf32, #tpu.memory_space<vmem>>, %arg3: memref<512x128xf32, #tpu.memory_space<vmem>>) attributes {dimension_semantics = [#tpu.dimension_semantics<arbitrary>], iteration_bounds = array<i64: 20>, scalar_prefetch = 0 : i64, scratch_operands = 0 : i64, tpu.core_type = #tpu.core_type<tc>, window_params = [{transform_indices = @transform_0, window_bounds = array<i64: 512, 128>}, {pipeline_mode = #tpu.pipeline_mode<synchronous>, transform_indices = @transform_1, window_bounds = array<i64: 128, 128>}, {transform_indices = @transform_2, window_bounds = array<i64: 512, 128>}]} {
    %get3A = arith.constant 0 : index
    %get3A_0 = arith.constant 0 : index
    %get3A_1 = vector.load %arg1[%get3A, %get3A_0] : memref<512x128xf32, #tpu.memory_space<vmem>>, vector<512x128xf32>
    %get3A_2 = arith.constant 0 : index
    %get3A_3 = arith.constant 0 : index
    %get3A_4 = vector.load %arg2[%get3A_2, %get3A_3] : memref<128x128xf32, #tpu.memory_space<vmem>>, vector<128x128xf32>
    %dot_general3A = arith.constant dense<0.000000e+00> : vector<512x128xf32>
    %dot_general3A_5 = tpu.matmul %get3A_1, %get3A_4, %dot_general3A {dimension_numbers = #tpu.dot_dimension_numbers<[1], [0], [0], [1], [0, 0, 1, 1], [], []>, transpose_lhs_hint = false} : vector<512x128xf32>, vector<128x128xf32>, vector<512x128xf32> -> vector<512x128xf32>
    %swap3A = arith.constant 0 : index
    %swap3A_6 = arith.constant 0 : index
    %swap3A_7 = vector.load %arg3[%swap3A, %swap3A_6] : memref<512x128xf32, #tpu.memory_space<vmem>>, vector<512x128xf32>
    tpu.vector_store %arg3[%swap3A, %swap3A_6], %dot_general3A_5 {strides = array<i32>} : memref<512x128xf32, #tpu.memory_space<vmem>>, vector<512x128xf32>,
    return
  }
  func.func @transform_0(%arg0: i32) -> (i32, i32) {
    %c0_i32 = arith.constant 0 : i32
    %c0_i32_0 = arith.constant 0 : i32
    return %arg0, %c0_i32 : i32, i32
  }
  func.func @transform_1(%arg0: i32) -> (i32, i32) {
    %c0_i32 = arith.constant 0 : i32
    %c0_i32_0 = arith.constant 0 : i32
    %c0_i32_1 = arith.constant 0 : i32
    return %c0_i32, %c0_i32_0 : i32, i32
  }
  func.func @transform_2(%arg0: i32) -> (i32, i32) {
    %c0_i32 = arith.constant 0 : i32
    %c0_i32_0 = arith.constant 0 : i32
    return %arg0, %c0_i32 : i32, i32
  }
}

module attributes {stable_mosaic.version = 14 : i64} {
  func.func @_conv_finish_body(%arg0: i32, %arg1: memref<512x128xf32, #tpu.memory_space<vmem>>, %arg2: memref<2x512x128xf32, #tpu.memory_space<vmem>>, %arg3: memref<2x512x1xf32, #tpu.memory_space<vmem>>, %arg4: memref<128xf32, #tpu.memory_space<vmem>>, %arg5: memref<128xf32, #tpu.memory_space<vmem>>, %arg6: memref<512x128xf32, #tpu.memory_space<vmem>>, %arg7: memref<512xf32, #tpu.memory_space<vmem>>) attributes {dimension_semantics = [#tpu.dimension_semantics<arbitrary>], iteration_bounds = array<i64: 20>, scalar_prefetch = 0 : i64, scratch_operands = 0 : i64, tpu.core_type = #tpu.core_type<tc>, window_params = [{transform_indices = @transform_0, window_bounds = array<i64: 512, 128>}, {transform_indices = @transform_1, window_bounds = array<i64: 2, 512, 128>}, {transform_indices = @transform_2, window_bounds = array<i64: 2, 512, 1>}, {pipeline_mode = #tpu.pipeline_mode<synchronous>, transform_indices = @transform_3, window_bounds = array<i64: 128>}, {pipeline_mode = #tpu.pipeline_mode<synchronous>, transform_indices = @transform_4, window_bounds = array<i64: 128>}, {transform_indices = @transform_5, window_bounds = array<i64: 512, 128>}, {transform_indices = @transform_6, window_bounds = array<i64: 512>}]} {
    %get3A = arith.constant 0 : index
    %get3A_0 = arith.constant 0 : index
    %get3A_1 = arith.constant 0 : index
    %get3A_2 = vector.load %arg2[%get3A, %get3A_0, %get3A_1] : memref<2x512x128xf32, #tpu.memory_space<vmem>>, vector<1x512x128xf32>
    %get3A_3 = vector.shape_cast %get3A_2 : vector<1x512x128xf32> to vector<512x128xf32>
    %get3A_4 = arith.constant 1 : index
    %get3A_5 = arith.constant 0 : index
    %get3A_6 = arith.constant 0 : index
    %get3A_7 = vector.load %arg2[%get3A_4, %get3A_5, %get3A_6] : memref<2x512x128xf32, #tpu.memory_space<vmem>>, vector<1x512x128xf32>
    %get3A_8 = vector.shape_cast %get3A_7 : vector<1x512x128xf32> to vector<512x128xf32>
    %add3A = arith.addf %get3A_3, %get3A_8 : vector<512x128xf32>
    %get3A_9 = arith.constant 0 : index
    %get3A_10 = arith.constant 0 : index
    %get3A_11 = arith.constant 0 : index
    %get3A_12 = vector.load %arg3[%get3A_9, %get3A_10, %get3A_11] : memref<2x512x1xf32, #tpu.memory_space<vmem>>, vector<1x512x1xf32>
    %get3A_13 = vector.shape_cast %get3A_12 : vector<1x512x1xf32> to vector<512xf32>
    %get3A_14 = arith.constant 1 : index
    %get3A_15 = arith.constant 0 : index
    %get3A_16 = arith.constant 0 : index
    %get3A_17 = vector.load %arg3[%get3A_14, %get3A_15, %get3A_16] : memref<2x512x1xf32, #tpu.memory_space<vmem>>, vector<1x512x1xf32>
    %get3A_18 = vector.shape_cast %get3A_17 : vector<1x512x1xf32> to vector<512xf32>
    %add3A_19 = arith.addf %get3A_13, %get3A_18 : vector<512xf32>
    %get3A_20 = arith.constant 0 : index
    %get3A_21 = arith.constant 0 : index
    %get3A_22 = vector.load %arg1[%get3A_20, %get3A_21] : memref<512x128xf32, #tpu.memory_space<vmem>>, vector<512x128xf32>
    %max3A = arith.constant 1.000000e+00 : f32
    %max3A_23 = vector.broadcast %max3A : f32 to vector<512xf32>
    %max3A_24 = arith.maximumf %add3A_19, %max3A_23 : vector<512xf32>
    %broadcast_in_dim3A = vector.shape_cast %max3A_24 : vector<512xf32> to vector<512x1xf32>
    %div3A = vector.broadcast %broadcast_in_dim3A : vector<512x1xf32> to vector<512x128xf32>
    %div3A_25 = arith.divf %add3A, %div3A : vector<512x128xf32>
    %add3A_26 = arith.addf %get3A_22, %div3A_25 : vector<512x128xf32>
    %get3A_27 = arith.constant 0 : index
    %get3A_28 = vector.load %arg4[%get3A_27] : memref<128xf32, #tpu.memory_space<vmem>>, vector<128xf32>
    %broadcast_in_dim3A_29 = vector.shape_cast %get3A_28 : vector<128xf32> to vector<1x128xf32>
    %add3A_30 = vector.broadcast %broadcast_in_dim3A_29 : vector<1x128xf32> to vector<512x128xf32>
    %add3A_31 = arith.addf %add3A_26, %add3A_30 : vector<512x128xf32>
    %max3A_32 = arith.constant 0.000000e+00 : f32
    %max3A_33 = vector.broadcast %max3A_32 : f32 to vector<512x128xf32>
    %max3A_34 = arith.maximumf %add3A_31, %max3A_33 : vector<512x128xf32>
    %swap3A = arith.constant 0 : index
    %swap3A_35 = arith.constant 0 : index
    %swap3A_36 = vector.load %arg6[%swap3A, %swap3A_35] : memref<512x128xf32, #tpu.memory_space<vmem>>, vector<512x128xf32>
    tpu.vector_store %arg6[%swap3A, %swap3A_35], %max3A_34 {strides = array<i32>} : memref<512x128xf32, #tpu.memory_space<vmem>>, vector<512x128xf32>,
    %get3A_37 = arith.constant 0 : index
    %get3A_38 = vector.load %arg5[%get3A_37] : memref<128xf32, #tpu.memory_space<vmem>>, vector<128xf32>
    %broadcast_in_dim3A_39 = vector.shape_cast %get3A_38 : vector<128xf32> to vector<1x128xf32>
    %mul3A = vector.broadcast %broadcast_in_dim3A_39 : vector<1x128xf32> to vector<512x128xf32>
    %mul3A_40 = arith.mulf %max3A_34, %mul3A : vector<512x128xf32>
    %reduce_sum3A = arith.constant dense<0.000000e+00> : vector<512xf32>
    %reduce_sum3A_41 = vector.multi_reduction <add>, %mul3A_40, %reduce_sum3A [1] : vector<512x128xf32> to vector<512xf32>
    %mul3A_42 = arith.mulf %get3A_38, %get3A_38 : vector<128xf32>
    %reduce_sum3A_43 = vector.shape_cast %mul3A_42 : vector<128xf32> to vector<1x128xf32>
    %reduce_sum3A_44 = arith.constant dense<0.000000e+00> : vector<1xf32>
    %reduce_sum3A_45 = vector.multi_reduction <add>, %reduce_sum3A_43, %reduce_sum3A_44 [1] : vector<1x128xf32> to vector<1xf32>
    %reduce_sum3A_46 = vector.shape_cast %reduce_sum3A_45 : vector<1xf32> to vector<1x1xf32>
    %reduce_sum3A_47 = vector.extract %reduce_sum3A_46[0, 0] : f32 from vector<1x1xf32>
    %sqrt3A = math.sqrt %reduce_sum3A_47 : f32
    %div3A_48 = vector.broadcast %sqrt3A : f32 to vector<512xf32>
    %div3A_49 = arith.divf %reduce_sum3A_41, %div3A_48 : vector<512xf32>
    %swap3A_50 = arith.constant 0 : index
    %swap3A_51 = vector.load %arg7[%swap3A_50] : memref<512xf32, #tpu.memory_space<vmem>>, vector<512xf32>
    tpu.vector_store %arg7[%swap3A_50], %div3A_49 {strides = array<i32>} : memref<512xf32, #tpu.memory_space<vmem>>, vector<512xf32>,
    return
  }
  func.func @transform_0(%arg0: i32) -> (i32, i32) {
    %c0_i32 = arith.constant 0 : i32
    %c0_i32_0 = arith.constant 0 : i32
    return %arg0, %c0_i32 : i32, i32
  }
  func.func @transform_1(%arg0: i32) -> (i32, i32, i32) {
    %c0_i32 = arith.constant 0 : i32
    %c0_i32_0 = arith.constant 0 : i32
    %c0_i32_1 = arith.constant 0 : i32
    return %c0_i32, %arg0, %c0_i32_0 : i32, i32, i32
  }
  func.func @transform_2(%arg0: i32) -> (i32, i32, i32) {
    %c0_i32 = arith.constant 0 : i32
    %c0_i32_0 = arith.constant 0 : i32
    %c0_i32_1 = arith.constant 0 : i32
    return %c0_i32, %arg0, %c0_i32_0 : i32, i32, i32
  }
  func.func @transform_3(%arg0: i32) -> i32 {
    %c0_i32 = arith.constant 0 : i32
    %c0_i32_0 = arith.constant 0 : i32
    return %c0_i32 : i32
  }
  func.func @transform_4(%arg0: i32) -> i32 {
    %c0_i32 = arith.constant 0 : i32
    %c0_i32_0 = arith.constant 0 : i32
    return %c0_i32 : i32
  }
  func.func @transform_5(%arg0: i32) -> (i32, i32) {
    %c0_i32 = arith.constant 0 : i32
    %c0_i32_0 = arith.constant 0 : i32
    return %arg0, %c0_i32 : i32, i32
  }
  func.func @transform_6(%arg0: i32) -> i32 {
    %c0_i32 = arith.constant 0 : i32
    return %arg0 : i32
  }
}

module attributes {stable_mosaic.version = 14 : i64} {
  func.func @_topk_body(%arg0: i32, %arg1: memref<320x32xf32, #tpu.memory_space<vmem>>, %arg2: memref<320x32xf32, #tpu.memory_space<vmem>>, %arg3: memref<320x32xf32, #tpu.memory_space<vmem>>, %arg4: memref<320xi32, #tpu.memory_space<vmem>>) attributes {dimension_semantics = [#tpu.dimension_semantics<arbitrary>], iteration_bounds = array<i64: 1>, scalar_prefetch = 0 : i64, scratch_operands = 0 : i64, tpu.core_type = #tpu.core_type<tc>, window_params = [{pipeline_mode = #tpu.pipeline_mode<synchronous>, transform_indices = @transform_0, window_bounds = array<i64: 320, 32>}, {pipeline_mode = #tpu.pipeline_mode<synchronous>, transform_indices = @transform_1, window_bounds = array<i64: 320, 32>}, {pipeline_mode = #tpu.pipeline_mode<synchronous>, transform_indices = @transform_2, window_bounds = array<i64: 320, 32>}, {pipeline_mode = #tpu.pipeline_mode<synchronous>, transform_indices = @transform_3, window_bounds = array<i64: 320>}]} {
    %get3A = arith.constant 0 : index
    %get3A_0 = arith.constant 0 : index
    %get3A_1 = vector.load %arg1[%get3A, %get3A_0] : memref<320x32xf32, #tpu.memory_space<vmem>>, vector<320x32xf32>
    %bitcast_convert_type3A = tpu.bitcast %get3A_1 : vector<320x32xf32> -> vector<320x32xi32>
    %shift_right_logical3A = arith.constant 31 : i32
    %shift_right_logical3A_2 = vector.broadcast %shift_right_logical3A : i32 to vector<320x32xi32>
    %shift_right_logical3A_3 = arith.shrui %bitcast_convert_type3A, %shift_right_logical3A_2 : vector<320x32xi32>
    %eq3A = arith.constant 1 : i32
    %eq3A_4 = vector.broadcast %eq3A : i32 to vector<320x32xi32>
    %eq3A_5 = arith.cmpi eq, %shift_right_logical3A_3, %eq3A_4 : vector<320x32xi32>
    %not3A = arith.constant dense<-1> : vector<320x32xi32>
    %not3A_6 = arith.xori %bitcast_convert_type3A, %not3A : vector<320x32xi32>
    %or3A = arith.constant -2147483648 : i32
    %or3A_7 = vector.broadcast %or3A : i32 to vector<320x32xi32>
    %or3A_8 = arith.ori %bitcast_convert_type3A, %or3A_7 : vector<320x32xi32>
    %select_n3A = arith.select %eq3A_5, %not3A_6, %or3A_8 : vector<320x32xi1>, vector<320x32xi32>
    %get3A_9 = arith.constant 0 : index
    %get3A_10 = arith.constant 0 : index
    %get3A_11 = vector.load %arg2[%get3A_9, %get3A_10] : memref<320x32xf32, #tpu.memory_space<vmem>>, vector<320x32xf32>
    %gt3A = arith.constant 0.000000e+00 : f32
    %gt3A_12 = vector.broadcast %gt3A : f32 to vector<320x32xf32>
    %gt3A_13 = arith.cmpf ogt, %get3A_11, %gt3A_12 : vector<320x32xf32>
    %jit3A = arith.constant 0 : i32
    %broadcast_in_dim3A = vector.broadcast %jit3A : i32 to vector<320x32xi32>
    %select_n3A_14 = arith.select %gt3A_13, %select_n3A, %broadcast_in_dim3A : vector<320x32xi1>, vector<320x32xi32>
    %scan3A = arith.constant 0 : i32
    %scan3A_15 = arith.constant 0 : i32
    %scan3A_16 = arith.constant 32 : i32
    %scan3A_17 = arith.addi %scan3A_15, %scan3A_16 : i32
    %scan3A_18 = arith.constant 1 : i32
    %scan3A_19 = scf.for %scan3A_62 = %scan3A_15 to %scan3A_17 step %scan3A_18 iter_args(%scan3A_63 = %scan3A) -> (i32)  : i32 {
      %sub3A_64 = arith.constant 31 : i32
      %sub3A_65 = arith.subi %sub3A_64, %scan3A_62 : i32
      %shift_left3A_66 = arith.constant 1 : i32
      %shift_left3A_67 = arith.shli %shift_left3A_66, %sub3A_65 : i32
      %or3A_68 = arith.ori %scan3A_63, %shift_left3A_67 : i32
      %ge3A = vector.broadcast %or3A_68 : i32 to vector<320x32xi32>
      %ge3A_69 = arith.cmpi uge, %select_n3A_14, %ge3A : vector<320x32xi32>
      %jit3A_70 = arith.constant 1 : i32
      %jit3A_71 = arith.constant 0 : i32
      %broadcast_in_dim3A_72 = vector.broadcast %jit3A_70 : i32 to vector<320x32xi32>
      %broadcast_in_dim3A_73 = vector.broadcast %jit3A_71 : i32 to vector<320x32xi32>
      %select_n3A_74 = arith.select %ge3A_69, %broadcast_in_dim3A_72, %broadcast_in_dim3A_73 : vector<320x32xi1>, vector<320x32xi32>
      %reduce_sum3A_75 = vector.shape_cast %select_n3A_74 : vector<320x32xi32> to vector<1x320x32xi32>
      %reduce_sum3A_76 = arith.constant dense<0> : vector<1xi32>
      %reduce_sum3A_77 = vector.multi_reduction <add>, %reduce_sum3A_75, %reduce_sum3A_76 [1, 2] : vector<1x320x32xi32> to vector<1xi32>
      %reduce_sum3A_78 = vector.shape_cast %reduce_sum3A_77 : vector<1xi32> to vector<1x1x1xi32>
      %reduce_sum3A_79 = vector.extract %reduce_sum3A_78[0, 0, 0] : i32 from vector<1x1x1xi32>
      %ge3A_80 = arith.constant 5000 : i32
      %ge3A_81 = arith.cmpi sge, %reduce_sum3A_79, %ge3A_80 : i32
      %select_n3A_82 = arith.select %ge3A_81, %or3A_68, %scan3A_63 : i32
      scf.yield %select_n3A_82 : i32
    }
    %scan3A_20 = arith.constant 32 : i32
    %gt3A_21 = vector.broadcast %scan3A_19 : i32 to vector<320x32xi32>
    %gt3A_22 = arith.cmpi ugt, %select_n3A_14, %gt3A_21 : vector<320x32xi32>
    %jit3A_23 = arith.constant 1 : i32
    %jit3A_24 = arith.constant 0 : i32
    %broadcast_in_dim3A_25 = vector.broadcast %jit3A_23 : i32 to vector<320x32xi32>
    %broadcast_in_dim3A_26 = vector.broadcast %jit3A_24 : i32 to vector<320x32xi32>
    %select_n3A_27 = arith.select %gt3A_22, %broadcast_in_dim3A_25, %broadcast_in_dim3A_26 : vector<320x32xi1>, vector<320x32xi32>
    %reduce_sum3A = vector.shape_cast %select_n3A_27 : vector<320x32xi32> to vector<1x320x32xi32>
    %reduce_sum3A_28 = arith.constant dense<0> : vector<1xi32>
    %reduce_sum3A_29 = vector.multi_reduction <add>, %reduce_sum3A, %reduce_sum3A_28 [1, 2] : vector<1x320x32xi32> to vector<1xi32>
    %reduce_sum3A_30 = vector.shape_cast %reduce_sum3A_29 : vector<1xi32> to vector<1x1x1xi32>
    %reduce_sum3A_31 = vector.extract %reduce_sum3A_30[0, 0, 0] : i32 from vector<1x1x1xi32>
    %sub3A = arith.constant 5000 : i32
    %sub3A_32 = arith.subi %sub3A, %reduce_sum3A_31 : i32
    %eq3A_33 = vector.broadcast %scan3A_19 : i32 to vector<320x32xi32>
    %eq3A_34 = arith.cmpi eq, %select_n3A_14, %eq3A_33 : vector<320x32xi32>
    %iota3A = tpu.iota {dimensions = array<i32: 0>} : vector<320x32xi32>
    %mul3A = arith.constant 32 : i32
    %mul3A_35 = vector.broadcast %mul3A : i32 to vector<320x32xi32>
    %mul3A_36 = arith.muli %iota3A, %mul3A_35 : vector<320x32xi32>
    %iota3A_37 = tpu.iota {dimensions = array<i32: 1>} : vector<320x32xi32>
    %add3A = arith.addi %mul3A_36, %iota3A_37 : vector<320x32xi32>
    %scan3A_38 = arith.constant 0 : i32
    %scan3A_39 = arith.constant 0 : i32
    %scan3A_40 = arith.constant 14 : i32
    %scan3A_41 = arith.addi %scan3A_39, %scan3A_40 : i32
    %scan3A_42 = arith.constant 1 : i32
    %scan3A_43 = scf.for %scan3A_62 = %scan3A_39 to %scan3A_41 step %scan3A_42 iter_args(%scan3A_63 = %scan3A_38) -> (i32)  : i32 {
      %sub3A_64 = arith.constant 13 : i32
      %sub3A_65 = arith.subi %sub3A_64, %scan3A_62 : i32
      %shift_left3A_66 = arith.constant 1 : i32
      %shift_left3A_67 = arith.shli %shift_left3A_66, %sub3A_65 : i32
      %or3A_68 = arith.ori %scan3A_63, %shift_left3A_67 : i32
      %lt3A_69 = vector.broadcast %or3A_68 : i32 to vector<320x32xi32>
      %lt3A_70 = arith.cmpi slt, %add3A, %lt3A_69 : vector<320x32xi32>
      %and3A_71 = arith.andi %eq3A_34, %lt3A_70 : vector<320x32xi1>
      %jit3A_72 = arith.constant 1 : i32
      %jit3A_73 = arith.constant 0 : i32
      %broadcast_in_dim3A_74 = vector.broadcast %jit3A_72 : i32 to vector<320x32xi32>
      %broadcast_in_dim3A_75 = vector.broadcast %jit3A_73 : i32 to vector<320x32xi32>
      %select_n3A_76 = arith.select %and3A_71, %broadcast_in_dim3A_74, %broadcast_in_dim3A_75 : vector<320x32xi1>, vector<320x32xi32>
      %reduce_sum3A_77 = vector.shape_cast %select_n3A_76 : vector<320x32xi32> to vector<1x320x32xi32>
      %reduce_sum3A_78 = arith.constant dense<0> : vector<1xi32>
      %reduce_sum3A_79 = vector.multi_reduction <add>, %reduce_sum3A_77, %reduce_sum3A_78 [1, 2] : vector<1x320x32xi32> to vector<1xi32>
      %reduce_sum3A_80 = vector.shape_cast %reduce_sum3A_79 : vector<1xi32> to vector<1x1x1xi32>
      %reduce_sum3A_81 = vector.extract %reduce_sum3A_80[0, 0, 0] : i32 from vector<1x1x1xi32>
      %lt3A_82 = arith.cmpi slt, %reduce_sum3A_81, %sub3A_32 : i32
      %select_n3A_83 = arith.select %lt3A_82, %or3A_68, %scan3A_63 : i32
      scf.yield %select_n3A_83 : i32
    }
    %scan3A_44 = arith.constant 14 : i32
    %gt3A_45 = arith.constant 0 : i32
    %gt3A_46 = arith.cmpi sgt, %sub3A_32, %gt3A_45 : i32
    %add3A_47 = arith.constant 1 : i32
    %add3A_48 = arith.addi %scan3A_43, %add3A_47 : i32
    %jit3A_49 = arith.constant 0 : i32
    %select_n3A_50 = arith.select %gt3A_46, %add3A_48, %jit3A_49 : i32
    %lt3A = vector.broadcast %select_n3A_50 : i32 to vector<320x32xi32>
    %lt3A_51 = arith.cmpi slt, %add3A, %lt3A : vector<320x32xi32>
    %and3A = arith.andi %eq3A_34, %lt3A_51 : vector<320x32xi1>
    %or3A_52 = arith.ori %gt3A_22, %and3A : vector<320x32xi1>
    %convert_element_type3A = arith.extui %or3A_52 : vector<320x32xi1> to vector<320x32xi32>
    %convert_element_type3A_53 = arith.sitofp %convert_element_type3A : vector<320x32xi32> to vector<320x32xf32>
    %swap3A = arith.constant 0 : index
    %swap3A_54 = arith.constant 0 : index
    %swap3A_55 = vector.load %arg3[%swap3A, %swap3A_54] : memref<320x32xf32, #tpu.memory_space<vmem>>, vector<320x32xf32>
    tpu.vector_store %arg3[%swap3A, %swap3A_54], %convert_element_type3A_53 {strides = array<i32>} : memref<320x32xf32, #tpu.memory_space<vmem>>, vector<320x32xf32>,
    %iota3A_56 = tpu.iota {dimensions = array<i32: 1>} : vector<320x32xi32>
    %convert_element_type3A_57 = arith.extui %or3A_52 : vector<320x32xi1> to vector<320x32xi32>
    %shift_left3A = arith.shli %convert_element_type3A_57, %iota3A_56 : vector<320x32xi32>
    %reduce_sum3A_58 = arith.constant dense<0> : vector<320xi32>
    %reduce_sum3A_59 = vector.multi_reduction <add>, %shift_left3A, %reduce_sum3A_58 [1] : vector<320x32xi32> to vector<320xi32>
    %swap3A_60 = arith.constant 0 : index
    %swap3A_61 = vector.load %arg4[%swap3A_60] : memref<320xi32, #tpu.memory_space<vmem>>, vector<320xi32>
    tpu.vector_store %arg4[%swap3A_60], %reduce_sum3A_59 {strides = array<i32>} : memref<320xi32, #tpu.memory_space<vmem>>, vector<320xi32>,
    return
  }
  func.func @transform_0(%arg0: i32) -> (i32, i32) {
    %c0_i32 = arith.constant 0 : i32
    %c0_i32_0 = arith.constant 0 : i32
    %c0_i32_1 = arith.constant 0 : i32
    return %c0_i32, %c0_i32_0 : i32, i32
  }
  func.func @transform_1(%arg0: i32) -> (i32, i32) {
    %c0_i32 = arith.constant 0 : i32
    %c0_i32_0 = arith.constant 0 : i32
    %c0_i32_1 = arith.constant 0 : i32
    return %c0_i32, %c0_i32_0 : i32, i32
  }
  func.func @transform_2(%arg0: i32) -> (i32, i32) {
    %c0_i32 = arith.constant 0 : i32
    %c0_i32_0 = arith.constant 0 : i32
    %c0_i32_1 = arith.constant 0 : i32
    return %c0_i32, %c0_i32_0 : i32, i32
  }
  func.func @transform_3(%arg0: i32) -> i32 {
    %c0_i32 = arith.constant 0 : i32
    %c0_i32_0 = arith.constant 0 : i32
    return %c0_i32 : i32
  }
}

module attributes {stable_mosaic.version = 14 : i64} {
  func.func @_pool_table_body(%arg0: i32, %arg1: memref<512x128xf32, #tpu.memory_space<vmem>>, %arg2: memref<512xf32, #tpu.memory_space<vmem>>, %arg3: memref<512xf32, #tpu.memory_space<vmem>>, %arg4: memref<128x128xf32, #tpu.memory_space<vmem>>, %arg5: memref<512x128xf32, #tpu.memory_space<vmem>>) attributes {dimension_semantics = [#tpu.dimension_semantics<arbitrary>], iteration_bounds = array<i64: 20>, scalar_prefetch = 0 : i64, scratch_operands = 0 : i64, tpu.core_type = #tpu.core_type<tc>, window_params = [{transform_indices = @transform_0, window_bounds = array<i64: 512, 128>}, {transform_indices = @transform_1, window_bounds = array<i64: 512>}, {transform_indices = @transform_2, window_bounds = array<i64: 512>}, {pipeline_mode = #tpu.pipeline_mode<synchronous>, transform_indices = @transform_3, window_bounds = array<i64: 128, 128>}, {transform_indices = @transform_4, window_bounds = array<i64: 512, 128>}]} {
    %get3A = arith.constant 0 : index
    %get3A_0 = vector.load %arg2[%get3A] : memref<512xf32, #tpu.memory_space<vmem>>, vector<512xf32>
    %tanh3A = math.tanh %get3A_0 : vector<512xf32>
    %get3A_1 = arith.constant 0 : index
    %get3A_2 = arith.constant 0 : index
    %get3A_3 = vector.load %arg1[%get3A_1, %get3A_2] : memref<512x128xf32, #tpu.memory_space<vmem>>, vector<512x128xf32>
    %broadcast_in_dim3A = vector.shape_cast %tanh3A : vector<512xf32> to vector<512x1xf32>
    %mul3A = vector.broadcast %broadcast_in_dim3A : vector<512x1xf32> to vector<512x128xf32>
    %mul3A_4 = arith.mulf %get3A_3, %mul3A : vector<512x128xf32>
    %get3A_5 = arith.constant 0 : index
    %get3A_6 = arith.constant 0 : index
    %get3A_7 = vector.load %arg4[%get3A_5, %get3A_6] : memref<128x128xf32, #tpu.memory_space<vmem>>, vector<128x128xf32>
    %dot_general3A = arith.constant dense<0.000000e+00> : vector<512x128xf32>
    %dot_general3A_8 = tpu.matmul %mul3A_4, %get3A_7, %dot_general3A {dimension_numbers = #tpu.dot_dimension_numbers<[1], [0], [0], [1], [0, 0, 1, 1], [], []>, transpose_lhs_hint = false} : vector<512x128xf32>, vector<128x128xf32>, vector<512x128xf32> -> vector<512x128xf32>
    %get3A_9 = arith.constant 0 : index
    %get3A_10 = vector.load %arg3[%get3A_9] : memref<512xf32, #tpu.memory_space<vmem>>, vector<512xf32>
    %broadcast_in_dim3A_11 = vector.shape_cast %get3A_10 : vector<512xf32> to vector<512x1xf32>
    %mul3A_12 = vector.broadcast %broadcast_in_dim3A_11 : vector<512x1xf32> to vector<512x128xf32>
    %mul3A_13 = arith.mulf %dot_general3A_8, %mul3A_12 : vector<512x128xf32>
    %swap3A = arith.constant 0 : index
    %swap3A_14 = arith.constant 0 : index
    %swap3A_15 = vector.load %arg5[%swap3A, %swap3A_14] : memref<512x128xf32, #tpu.memory_space<vmem>>, vector<512x128xf32>
    tpu.vector_store %arg5[%swap3A, %swap3A_14], %mul3A_13 {strides = array<i32>} : memref<512x128xf32, #tpu.memory_space<vmem>>, vector<512x128xf32>,
    return
  }
  func.func @transform_0(%arg0: i32) -> (i32, i32) {
    %c0_i32 = arith.constant 0 : i32
    %c0_i32_0 = arith.constant 0 : i32
    return %arg0, %c0_i32 : i32, i32
  }
  func.func @transform_1(%arg0: i32) -> i32 {
    %c0_i32 = arith.constant 0 : i32
    return %arg0 : i32
  }
  func.func @transform_2(%arg0: i32) -> i32 {
    %c0_i32 = arith.constant 0 : i32
    return %arg0 : i32
  }
  func.func @transform_3(%arg0: i32) -> (i32, i32) {
    %c0_i32 = arith.constant 0 : i32
    %c0_i32_0 = arith.constant 0 : i32
    %c0_i32_1 = arith.constant 0 : i32
    return %c0_i32, %c0_i32_0 : i32, i32
  }
  func.func @transform_4(%arg0: i32) -> (i32, i32) {
    %c0_i32 = arith.constant 0 : i32
    %c0_i32_0 = arith.constant 0 : i32
    return %arg0, %c0_i32 : i32, i32
  }
}

module attributes {stable_mosaic.version = 14 : i64} {
  func.func @_topk_body(%arg0: i32, %arg1: memref<320x32xf32, #tpu.memory_space<vmem>>, %arg2: memref<320x32xf32, #tpu.memory_space<vmem>>, %arg3: memref<320x32xf32, #tpu.memory_space<vmem>>, %arg4: memref<320xi32, #tpu.memory_space<vmem>>) attributes {dimension_semantics = [#tpu.dimension_semantics<arbitrary>], iteration_bounds = array<i64: 1>, scalar_prefetch = 0 : i64, scratch_operands = 0 : i64, tpu.core_type = #tpu.core_type<tc>, window_params = [{pipeline_mode = #tpu.pipeline_mode<synchronous>, transform_indices = @transform_0, window_bounds = array<i64: 320, 32>}, {pipeline_mode = #tpu.pipeline_mode<synchronous>, transform_indices = @transform_1, window_bounds = array<i64: 320, 32>}, {pipeline_mode = #tpu.pipeline_mode<synchronous>, transform_indices = @transform_2, window_bounds = array<i64: 320, 32>}, {pipeline_mode = #tpu.pipeline_mode<synchronous>, transform_indices = @transform_3, window_bounds = array<i64: 320>}]} {
    %get3A = arith.constant 0 : index
    %get3A_0 = arith.constant 0 : index
    %get3A_1 = vector.load %arg1[%get3A, %get3A_0] : memref<320x32xf32, #tpu.memory_space<vmem>>, vector<320x32xf32>
    %bitcast_convert_type3A = tpu.bitcast %get3A_1 : vector<320x32xf32> -> vector<320x32xi32>
    %shift_right_logical3A = arith.constant 31 : i32
    %shift_right_logical3A_2 = vector.broadcast %shift_right_logical3A : i32 to vector<320x32xi32>
    %shift_right_logical3A_3 = arith.shrui %bitcast_convert_type3A, %shift_right_logical3A_2 : vector<320x32xi32>
    %eq3A = arith.constant 1 : i32
    %eq3A_4 = vector.broadcast %eq3A : i32 to vector<320x32xi32>
    %eq3A_5 = arith.cmpi eq, %shift_right_logical3A_3, %eq3A_4 : vector<320x32xi32>
    %not3A = arith.constant dense<-1> : vector<320x32xi32>
    %not3A_6 = arith.xori %bitcast_convert_type3A, %not3A : vector<320x32xi32>
    %or3A = arith.constant -2147483648 : i32
    %or3A_7 = vector.broadcast %or3A : i32 to vector<320x32xi32>
    %or3A_8 = arith.ori %bitcast_convert_type3A, %or3A_7 : vector<320x32xi32>
    %select_n3A = arith.select %eq3A_5, %not3A_6, %or3A_8 : vector<320x32xi1>, vector<320x32xi32>
    %get3A_9 = arith.constant 0 : index
    %get3A_10 = arith.constant 0 : index
    %get3A_11 = vector.load %arg2[%get3A_9, %get3A_10] : memref<320x32xf32, #tpu.memory_space<vmem>>, vector<320x32xf32>
    %gt3A = arith.constant 0.000000e+00 : f32
    %gt3A_12 = vector.broadcast %gt3A : f32 to vector<320x32xf32>
    %gt3A_13 = arith.cmpf ogt, %get3A_11, %gt3A_12 : vector<320x32xf32>
    %jit3A = arith.constant 0 : i32
    %broadcast_in_dim3A = vector.broadcast %jit3A : i32 to vector<320x32xi32>
    %select_n3A_14 = arith.select %gt3A_13, %select_n3A, %broadcast_in_dim3A : vector<320x32xi1>, vector<320x32xi32>
    %scan3A = arith.constant 0 : i32
    %scan3A_15 = arith.constant 0 : i32
    %scan3A_16 = arith.constant 32 : i32
    %scan3A_17 = arith.addi %scan3A_15, %scan3A_16 : i32
    %scan3A_18 = arith.constant 1 : i32
    %scan3A_19 = scf.for %scan3A_62 = %scan3A_15 to %scan3A_17 step %scan3A_18 iter_args(%scan3A_63 = %scan3A) -> (i32)  : i32 {
      %sub3A_64 = arith.constant 31 : i32
      %sub3A_65 = arith.subi %sub3A_64, %scan3A_62 : i32
      %shift_left3A_66 = arith.constant 1 : i32
      %shift_left3A_67 = arith.shli %shift_left3A_66, %sub3A_65 : i32
      %or3A_68 = arith.ori %scan3A_63, %shift_left3A_67 : i32
      %ge3A = vector.broadcast %or3A_68 : i32 to vector<320x32xi32>
      %ge3A_69 = arith.cmpi uge, %select_n3A_14, %ge3A : vector<320x32xi32>
      %jit3A_70 = arith.constant 1 : i32
      %jit3A_71 = arith.constant 0 : i32
      %broadcast_in_dim3A_72 = vector.broadcast %jit3A_70 : i32 to vector<320x32xi32>
      %broadcast_in_dim3A_73 = vector.broadcast %jit3A_71 : i32 to vector<320x32xi32>
      %select_n3A_74 = arith.select %ge3A_69, %broadcast_in_dim3A_72, %broadcast_in_dim3A_73 : vector<320x32xi1>, vector<320x32xi32>
      %reduce_sum3A_75 = vector.shape_cast %select_n3A_74 : vector<320x32xi32> to vector<1x320x32xi32>
      %reduce_sum3A_76 = arith.constant dense<0> : vector<1xi32>
      %reduce_sum3A_77 = vector.multi_reduction <add>, %reduce_sum3A_75, %reduce_sum3A_76 [1, 2] : vector<1x320x32xi32> to vector<1xi32>
      %reduce_sum3A_78 = vector.shape_cast %reduce_sum3A_77 : vector<1xi32> to vector<1x1x1xi32>
      %reduce_sum3A_79 = vector.extract %reduce_sum3A_78[0, 0, 0] : i32 from vector<1x1x1xi32>
      %ge3A_80 = arith.constant 2500 : i32
      %ge3A_81 = arith.cmpi sge, %reduce_sum3A_79, %ge3A_80 : i32
      %select_n3A_82 = arith.select %ge3A_81, %or3A_68, %scan3A_63 : i32
      scf.yield %select_n3A_82 : i32
    }
    %scan3A_20 = arith.constant 32 : i32
    %gt3A_21 = vector.broadcast %scan3A_19 : i32 to vector<320x32xi32>
    %gt3A_22 = arith.cmpi ugt, %select_n3A_14, %gt3A_21 : vector<320x32xi32>
    %jit3A_23 = arith.constant 1 : i32
    %jit3A_24 = arith.constant 0 : i32
    %broadcast_in_dim3A_25 = vector.broadcast %jit3A_23 : i32 to vector<320x32xi32>
    %broadcast_in_dim3A_26 = vector.broadcast %jit3A_24 : i32 to vector<320x32xi32>
    %select_n3A_27 = arith.select %gt3A_22, %broadcast_in_dim3A_25, %broadcast_in_dim3A_26 : vector<320x32xi1>, vector<320x32xi32>
    %reduce_sum3A = vector.shape_cast %select_n3A_27 : vector<320x32xi32> to vector<1x320x32xi32>
    %reduce_sum3A_28 = arith.constant dense<0> : vector<1xi32>
    %reduce_sum3A_29 = vector.multi_reduction <add>, %reduce_sum3A, %reduce_sum3A_28 [1, 2] : vector<1x320x32xi32> to vector<1xi32>
    %reduce_sum3A_30 = vector.shape_cast %reduce_sum3A_29 : vector<1xi32> to vector<1x1x1xi32>
    %reduce_sum3A_31 = vector.extract %reduce_sum3A_30[0, 0, 0] : i32 from vector<1x1x1xi32>
    %sub3A = arith.constant 2500 : i32
    %sub3A_32 = arith.subi %sub3A, %reduce_sum3A_31 : i32
    %eq3A_33 = vector.broadcast %scan3A_19 : i32 to vector<320x32xi32>
    %eq3A_34 = arith.cmpi eq, %select_n3A_14, %eq3A_33 : vector<320x32xi32>
    %iota3A = tpu.iota {dimensions = array<i32: 0>} : vector<320x32xi32>
    %mul3A = arith.constant 32 : i32
    %mul3A_35 = vector.broadcast %mul3A : i32 to vector<320x32xi32>
    %mul3A_36 = arith.muli %iota3A, %mul3A_35 : vector<320x32xi32>
    %iota3A_37 = tpu.iota {dimensions = array<i32: 1>} : vector<320x32xi32>
    %add3A = arith.addi %mul3A_36, %iota3A_37 : vector<320x32xi32>
    %scan3A_38 = arith.constant 0 : i32
    %scan3A_39 = arith.constant 0 : i32
    %scan3A_40 = arith.constant 14 : i32
    %scan3A_41 = arith.addi %scan3A_39, %scan3A_40 : i32
    %scan3A_42 = arith.constant 1 : i32
    %scan3A_43 = scf.for %scan3A_62 = %scan3A_39 to %scan3A_41 step %scan3A_42 iter_args(%scan3A_63 = %scan3A_38) -> (i32)  : i32 {
      %sub3A_64 = arith.constant 13 : i32
      %sub3A_65 = arith.subi %sub3A_64, %scan3A_62 : i32
      %shift_left3A_66 = arith.constant 1 : i32
      %shift_left3A_67 = arith.shli %shift_left3A_66, %sub3A_65 : i32
      %or3A_68 = arith.ori %scan3A_63, %shift_left3A_67 : i32
      %lt3A_69 = vector.broadcast %or3A_68 : i32 to vector<320x32xi32>
      %lt3A_70 = arith.cmpi slt, %add3A, %lt3A_69 : vector<320x32xi32>
      %and3A_71 = arith.andi %eq3A_34, %lt3A_70 : vector<320x32xi1>
      %jit3A_72 = arith.constant 1 : i32
      %jit3A_73 = arith.constant 0 : i32
      %broadcast_in_dim3A_74 = vector.broadcast %jit3A_72 : i32 to vector<320x32xi32>
      %broadcast_in_dim3A_75 = vector.broadcast %jit3A_73 : i32 to vector<320x32xi32>
      %select_n3A_76 = arith.select %and3A_71, %broadcast_in_dim3A_74, %broadcast_in_dim3A_75 : vector<320x32xi1>, vector<320x32xi32>
      %reduce_sum3A_77 = vector.shape_cast %select_n3A_76 : vector<320x32xi32> to vector<1x320x32xi32>
      %reduce_sum3A_78 = arith.constant dense<0> : vector<1xi32>
      %reduce_sum3A_79 = vector.multi_reduction <add>, %reduce_sum3A_77, %reduce_sum3A_78 [1, 2] : vector<1x320x32xi32> to vector<1xi32>
      %reduce_sum3A_80 = vector.shape_cast %reduce_sum3A_79 : vector<1xi32> to vector<1x1x1xi32>
      %reduce_sum3A_81 = vector.extract %reduce_sum3A_80[0, 0, 0] : i32 from vector<1x1x1xi32>
      %lt3A_82 = arith.cmpi slt, %reduce_sum3A_81, %sub3A_32 : i32
      %select_n3A_83 = arith.select %lt3A_82, %or3A_68, %scan3A_63 : i32
      scf.yield %select_n3A_83 : i32
    }
    %scan3A_44 = arith.constant 14 : i32
    %gt3A_45 = arith.constant 0 : i32
    %gt3A_46 = arith.cmpi sgt, %sub3A_32, %gt3A_45 : i32
    %add3A_47 = arith.constant 1 : i32
    %add3A_48 = arith.addi %scan3A_43, %add3A_47 : i32
    %jit3A_49 = arith.constant 0 : i32
    %select_n3A_50 = arith.select %gt3A_46, %add3A_48, %jit3A_49 : i32
    %lt3A = vector.broadcast %select_n3A_50 : i32 to vector<320x32xi32>
    %lt3A_51 = arith.cmpi slt, %add3A, %lt3A : vector<320x32xi32>
    %and3A = arith.andi %eq3A_34, %lt3A_51 : vector<320x32xi1>
    %or3A_52 = arith.ori %gt3A_22, %and3A : vector<320x32xi1>
    %convert_element_type3A = arith.extui %or3A_52 : vector<320x32xi1> to vector<320x32xi32>
    %convert_element_type3A_53 = arith.sitofp %convert_element_type3A : vector<320x32xi32> to vector<320x32xf32>
    %swap3A = arith.constant 0 : index
    %swap3A_54 = arith.constant 0 : index
    %swap3A_55 = vector.load %arg3[%swap3A, %swap3A_54] : memref<320x32xf32, #tpu.memory_space<vmem>>, vector<320x32xf32>
    tpu.vector_store %arg3[%swap3A, %swap3A_54], %convert_element_type3A_53 {strides = array<i32>} : memref<320x32xf32, #tpu.memory_space<vmem>>, vector<320x32xf32>,
    %iota3A_56 = tpu.iota {dimensions = array<i32: 1>} : vector<320x32xi32>
    %convert_element_type3A_57 = arith.extui %or3A_52 : vector<320x32xi1> to vector<320x32xi32>
    %shift_left3A = arith.shli %convert_element_type3A_57, %iota3A_56 : vector<320x32xi32>
    %reduce_sum3A_58 = arith.constant dense<0> : vector<320xi32>
    %reduce_sum3A_59 = vector.multi_reduction <add>, %shift_left3A, %reduce_sum3A_58 [1] : vector<320x32xi32> to vector<320xi32>
    %swap3A_60 = arith.constant 0 : index
    %swap3A_61 = vector.load %arg4[%swap3A_60] : memref<320xi32, #tpu.memory_space<vmem>>, vector<320xi32>
    tpu.vector_store %arg4[%swap3A_60], %reduce_sum3A_59 {strides = array<i32>} : memref<320xi32, #tpu.memory_space<vmem>>, vector<320xi32>,
    return
  }
  func.func @transform_0(%arg0: i32) -> (i32, i32) {
    %c0_i32 = arith.constant 0 : i32
    %c0_i32_0 = arith.constant 0 : i32
    %c0_i32_1 = arith.constant 0 : i32
    return %c0_i32, %c0_i32_0 : i32, i32
  }
  func.func @transform_1(%arg0: i32) -> (i32, i32) {
    %c0_i32 = arith.constant 0 : i32
    %c0_i32_0 = arith.constant 0 : i32
    %c0_i32_1 = arith.constant 0 : i32
    return %c0_i32, %c0_i32_0 : i32, i32
  }
  func.func @transform_2(%arg0: i32) -> (i32, i32) {
    %c0_i32 = arith.constant 0 : i32
    %c0_i32_0 = arith.constant 0 : i32
    %c0_i32_1 = arith.constant 0 : i32
    return %c0_i32, %c0_i32_0 : i32, i32
  }
  func.func @transform_3(%arg0: i32) -> i32 {
    %c0_i32 = arith.constant 0 : i32
    %c0_i32_0 = arith.constant 0 : i32
    return %c0_i32 : i32
  }
}

module attributes {stable_mosaic.version = 14 : i64} {
  func.func @_bottleneck_body(%arg0: i32, %arg1: memref<512x128xf32, #tpu.memory_space<vmem>>, %arg2: memref<512xf32, #tpu.memory_space<vmem>>, %arg3: memref<512xf32, #tpu.memory_space<vmem>>, %arg4: memref<512xf32, #tpu.memory_space<vmem>>, %arg5: memref<176x88xf32, #tpu.memory_space<vmem>>, %arg6: memref<88xf32, #tpu.memory_space<vmem>>, %arg7: memref<88x128xf32, #tpu.memory_space<vmem>>, %arg8: memref<128xf32, #tpu.memory_space<vmem>>, %arg9: memref<256x128xf32, #tpu.memory_space<vmem>>, %arg10: memref<1xf32, #tpu.memory_space<smem>>, %arg11: memref<1xf32, #tpu.memory_space<smem>>, %arg12: memref<1xf32, #tpu.memory_space<smem>>, %arg13: memref<512x128xf32, #tpu.memory_space<vmem>>) attributes {dimension_semantics = [#tpu.dimension_semantics<arbitrary>], iteration_bounds = array<i64: 20>, scalar_prefetch = 0 : i64, scratch_operands = 0 : i64, tpu.core_type = #tpu.core_type<tc>, window_params = [{transform_indices = @transform_0, window_bounds = array<i64: 512, 128>}, {transform_indices = @transform_1, window_bounds = array<i64: 512>}, {transform_indices = @transform_2, window_bounds = array<i64: 512>}, {transform_indices = @transform_3, window_bounds = array<i64: 512>}, {pipeline_mode = #tpu.pipeline_mode<synchronous>, transform_indices = @transform_4, window_bounds = array<i64: 176, 88>}, {pipeline_mode = #tpu.pipeline_mode<synchronous>, transform_indices = @transform_5, window_bounds = array<i64: 88>}, {pipeline_mode = #tpu.pipeline_mode<synchronous>, transform_indices = @transform_6, window_bounds = array<i64: 88, 128>}, {pipeline_mode = #tpu.pipeline_mode<synchronous>, transform_indices = @transform_7, window_bounds = array<i64: 128>}, {pipeline_mode = #tpu.pipeline_mode<synchronous>, transform_indices = @transform_8, window_bounds = array<i64: 256, 128>}, {transform_indices = @transform_9, window_bounds = array<i64: 1>}, {transform_indices = @transform_10, window_bounds = array<i64: 1>}, {transform_indices = @transform_11, window_bounds = array<i64: 1>}, {transform_indices = @transform_12, window_bounds = array<i64: 512, 128>}]} {
    %get3A = arith.constant 0 : index
    %get3A_0 = arith.constant 0 : index
    %get3A_1 = vector.load %arg1[%get3A, %get3A_0] : memref<512x128xf32, #tpu.memory_space<vmem>>, vector<512x128xf32>
    %get3A_2 = arith.constant 0 : index
    %get3A_3 = vector.load %arg2[%get3A_2] : memref<512xf32, #tpu.memory_space<vmem>>, vector<512xf32>
    %tanh3A = math.tanh %get3A_3 : vector<512xf32>
    %broadcast_in_dim3A = vector.shape_cast %tanh3A : vector<512xf32> to vector<512x1xf32>
    %mul3A = vector.broadcast %broadcast_in_dim3A : vector<512x1xf32> to vector<512x128xf32>
    %mul3A_4 = arith.mulf %get3A_1, %mul3A : vector<512x128xf32>
    %get3A_5 = arith.constant 0 : index
    %get3A_6 = arith.constant 0 : index
    %get3A_7 = vector.load %arg5[%get3A_5, %get3A_6] : memref<176x88xf32, #tpu.memory_space<vmem>>, vector<176x88xf32>
    %get3A_8 = arith.constant 0 : index
    %get3A_9 = memref.load %arg10[%get3A_8] : memref<1xf32, #tpu.memory_space<smem>>
    %slice3A = vector.extract_strided_slice %get3A_7 {offsets = [128, 0], sizes = [16, 88], strides = [1, 1]} : vector<176x88xf32> to vector<16x88xf32>
    %reduce_sum3A = arith.constant dense<0.000000e+00> : vector<88xf32>
    %reduce_sum3A_10 = vector.multi_reduction <add>, %slice3A, %reduce_sum3A [0] : vector<16x88xf32> to vector<88xf32>
    %mul3A_11 = vector.broadcast %get3A_9 : f32 to vector<88xf32>
    %mul3A_12 = arith.mulf %mul3A_11, %reduce_sum3A_10 : vector<88xf32>
    %get3A_13 = arith.constant 0 : index
    %get3A_14 = memref.load %arg11[%get3A_13] : memref<1xf32, #tpu.memory_space<smem>>
    %slice3A_15 = vector.extract_strided_slice %get3A_7 {offsets = [144, 0], sizes = [16, 88], strides = [1, 1]} : vector<176x88xf32> to vector<16x88xf32>
    %reduce_sum3A_16 = arith.constant dense<0.000000e+00> : vector<88xf32>
    %reduce_sum3A_17 = vector.multi_reduction <add>, %slice3A_15, %reduce_sum3A_16 [0] : vector<16x88xf32> to vector<88xf32>
    %mul3A_18 = vector.broadcast %get3A_14 : f32 to vector<88xf32>
    %mul3A_19 = arith.mulf %mul3A_18, %reduce_sum3A_17 : vector<88xf32>
    %add3A = arith.addf %mul3A_12, %mul3A_19 : vector<88xf32>
    %get3A_20 = arith.constant 0 : index
    %get3A_21 = memref.load %arg12[%get3A_20] : memref<1xf32, #tpu.memory_space<smem>>
    %slice3A_22 = vector.extract_strided_slice %get3A_7 {offsets = [160, 0], sizes = [16, 88], strides = [1, 1]} : vector<176x88xf32> to vector<16x88xf32>
    %reduce_sum3A_23 = arith.constant dense<0.000000e+00> : vector<88xf32>
    %reduce_sum3A_24 = vector.multi_reduction <add>, %slice3A_22, %reduce_sum3A_23 [0] : vector<16x88xf32> to vector<88xf32>
    %mul3A_25 = vector.broadcast %get3A_21 : f32 to vector<88xf32>
    %mul3A_26 = arith.mulf %mul3A_25, %reduce_sum3A_24 : vector<88xf32>
    %add3A_27 = arith.addf %add3A, %mul3A_26 : vector<88xf32>
    %get3A_28 = arith.constant 0 : index
    %get3A_29 = vector.load %arg6[%get3A_28] : memref<88xf32, #tpu.memory_space<vmem>>, vector<88xf32>
    %add3A_30 = arith.addf %add3A_27, %get3A_29 : vector<88xf32>
    %slice3A_31 = vector.extract_strided_slice %get3A_7 {offsets = [0, 0], sizes = [128, 88], strides = [1, 1]} : vector<176x88xf32> to vector<128x88xf32>
    %dot_general3A = arith.constant dense<0.000000e+00> : vector<512x88xf32>
    %dot_general3A_32 = tpu.matmul %mul3A_4, %slice3A_31, %dot_general3A {dimension_numbers = #tpu.dot_dimension_numbers<[1], [0], [0], [1], [0, 0, 1, 1], [], []>, transpose_lhs_hint = false} : vector<512x128xf32>, vector<128x88xf32>, vector<512x88xf32> -> vector<512x88xf32>
    %broadcast_in_dim3A_33 = vector.shape_cast %add3A_30 : vector<88xf32> to vector<1x88xf32>
    %add3A_34 = vector.broadcast %broadcast_in_dim3A_33 : vector<1x88xf32> to vector<512x88xf32>
    %add3A_35 = arith.addf %dot_general3A_32, %add3A_34 : vector<512x88xf32>
    %max3A = arith.constant 0.000000e+00 : f32
    %max3A_36 = vector.broadcast %max3A : f32 to vector<512x88xf32>
    %max3A_37 = arith.maximumf %add3A_35, %max3A_36 : vector<512x88xf32>
    %get3A_38 = arith.constant 0 : index
    %get3A_39 = arith.constant 0 : index
    %get3A_40 = vector.load %arg7[%get3A_38, %get3A_39] : memref<88x128xf32, #tpu.memory_space<vmem>>, vector<88x128xf32>
    %dot_general3A_41 = arith.constant dense<0.000000e+00> : vector<512x128xf32>
    %dot_general3A_42 = tpu.matmul %max3A_37, %get3A_40, %dot_general3A_41 {dimension_numbers = #tpu.dot_dimension_numbers<[1], [0], [0], [1], [0, 0, 1, 1], [], []>, transpose_lhs_hint = false} : vector<512x88xf32>, vector<88x128xf32>, vector<512x128xf32> -> vector<512x128xf32>
    %get3A_43 = arith.constant 0 : index
    %get3A_44 = vector.load %arg8[%get3A_43] : memref<128xf32, #tpu.memory_space<vmem>>, vector<128xf32>
    %broadcast_in_dim3A_45 = vector.shape_cast %get3A_44 : vector<128xf32> to vector<1x128xf32>
    %add3A_46 = vector.broadcast %broadcast_in_dim3A_45 : vector<1x128xf32> to vector<512x128xf32>
    %add3A_47 = arith.addf %dot_general3A_42, %add3A_46 : vector<512x128xf32>
    %max3A_48 = arith.constant 0.000000e+00 : f32
    %max3A_49 = vector.broadcast %max3A_48 : f32 to vector<512x128xf32>
    %max3A_50 = arith.maximumf %add3A_47, %max3A_49 : vector<512x128xf32>
    %get3A_51 = arith.constant 0 : index
    %get3A_52 = arith.constant 0 : index
    %get3A_53 = vector.load %arg9[%get3A_51, %get3A_52] : memref<256x128xf32, #tpu.memory_space<vmem>>, vector<256x128xf32>
    %get3A_54 = arith.constant 0 : index
    %get3A_55 = vector.load %arg3[%get3A_54] : memref<512xf32, #tpu.memory_space<vmem>>, vector<512xf32>
    %broadcast_in_dim3A_56 = vector.shape_cast %get3A_55 : vector<512xf32> to vector<512x1xf32>
    %mul3A_57 = vector.broadcast %broadcast_in_dim3A_56 : vector<512x1xf32> to vector<512x128xf32>
    %mul3A_58 = arith.mulf %mul3A_57, %max3A_50 : vector<512x128xf32>
    %slice3A_59 = vector.extract_strided_slice %get3A_53 {offsets = [0, 0], sizes = [128, 128], strides = [1, 1]} : vector<256x128xf32> to vector<128x128xf32>
    %dot_general3A_60 = arith.constant dense<0.000000e+00> : vector<512x128xf32>
    %dot_general3A_61 = tpu.matmul %mul3A_58, %slice3A_59, %dot_general3A_60 {dimension_numbers = #tpu.dot_dimension_numbers<[1], [0], [0], [1], [0, 0, 1, 1], [], []>, transpose_lhs_hint = false} : vector<512x128xf32>, vector<128x128xf32>, vector<512x128xf32> -> vector<512x128xf32>
    %slice3A_62 = vector.extract_strided_slice %get3A_53 {offsets = [128, 0], sizes = [128, 128], strides = [1, 1]} : vector<256x128xf32> to vector<128x128xf32>
    %dot_general3A_63 = arith.constant dense<0.000000e+00> : vector<512x128xf32>
    %dot_general3A_64 = tpu.matmul %get3A_1, %slice3A_62, %dot_general3A_63 {dimension_numbers = #tpu.dot_dimension_numbers<[1], [0], [0], [1], [0, 0, 1, 1], [], []>, transpose_lhs_hint = false} : vector<512x128xf32>, vector<128x128xf32>, vector<512x128xf32> -> vector<512x128xf32>
    %add3A_65 = arith.addf %dot_general3A_61, %dot_general3A_64 : vector<512x128xf32>
    %get3A_66 = arith.constant 0 : index
    %get3A_67 = vector.load %arg4[%get3A_66] : memref<512xf32, #tpu.memory_space<vmem>>, vector<512xf32>
    %broadcast_in_dim3A_68 = vector.shape_cast %get3A_67 : vector<512xf32> to vector<512x1xf32>
    %mul3A_69 = vector.broadcast %broadcast_in_dim3A_68 : vector<512x1xf32> to vector<512x128xf32>
    %mul3A_70 = arith.mulf %add3A_65, %mul3A_69 : vector<512x128xf32>
    %swap3A = arith.constant 0 : index
    %swap3A_71 = arith.constant 0 : index
    %swap3A_72 = vector.load %arg13[%swap3A, %swap3A_71] : memref<512x128xf32, #tpu.memory_space<vmem>>, vector<512x128xf32>
    tpu.vector_store %arg13[%swap3A, %swap3A_71], %mul3A_70 {strides = array<i32>} : memref<512x128xf32, #tpu.memory_space<vmem>>, vector<512x128xf32>,
    return
  }
  func.func @transform_0(%arg0: i32) -> (i32, i32) {
    %c0_i32 = arith.constant 0 : i32
    %c0_i32_0 = arith.constant 0 : i32
    return %arg0, %c0_i32 : i32, i32
  }
  func.func @transform_1(%arg0: i32) -> i32 {
    %c0_i32 = arith.constant 0 : i32
    return %arg0 : i32
  }
  func.func @transform_2(%arg0: i32) -> i32 {
    %c0_i32 = arith.constant 0 : i32
    return %arg0 : i32
  }
  func.func @transform_3(%arg0: i32) -> i32 {
    %c0_i32 = arith.constant 0 : i32
    return %arg0 : i32
  }
  func.func @transform_4(%arg0: i32) -> (i32, i32) {
    %c0_i32 = arith.constant 0 : i32
    %c0_i32_0 = arith.constant 0 : i32
    %c0_i32_1 = arith.constant 0 : i32
    return %c0_i32, %c0_i32_0 : i32, i32
  }
  func.func @transform_5(%arg0: i32) -> i32 {
    %c0_i32 = arith.constant 0 : i32
    %c0_i32_0 = arith.constant 0 : i32
    return %c0_i32 : i32
  }
  func.func @transform_6(%arg0: i32) -> (i32, i32) {
    %c0_i32 = arith.constant 0 : i32
    %c0_i32_0 = arith.constant 0 : i32
    %c0_i32_1 = arith.constant 0 : i32
    return %c0_i32, %c0_i32_0 : i32, i32
  }
  func.func @transform_7(%arg0: i32) -> i32 {
    %c0_i32 = arith.constant 0 : i32
    %c0_i32_0 = arith.constant 0 : i32
    return %c0_i32 : i32
  }
  func.func @transform_8(%arg0: i32) -> (i32, i32) {
    %c0_i32 = arith.constant 0 : i32
    %c0_i32_0 = arith.constant 0 : i32
    %c0_i32_1 = arith.constant 0 : i32
    return %c0_i32, %c0_i32_0 : i32, i32
  }
  func.func @transform_9(%arg0: i32) -> i32 {
    %c0_i32 = arith.constant 0 : i32
    %c0_i32_0 = arith.constant 0 : i32
    return %c0_i32 : i32
  }
  func.func @transform_10(%arg0: i32) -> i32 {
    %c0_i32 = arith.constant 0 : i32
    %c0_i32_0 = arith.constant 0 : i32
    return %c0_i32 : i32
  }
  func.func @transform_11(%arg0: i32) -> i32 {
    %c0_i32 = arith.constant 0 : i32
    %c0_i32_0 = arith.constant 0 : i32
    return %c0_i32 : i32
  }
  func.func @transform_12(%arg0: i32) -> (i32, i32) {
    %c0_i32 = arith.constant 0 : i32
    %c0_i32_0 = arith.constant 0 : i32
    return %arg0, %c0_i32 : i32, i32
  }
}

module attributes {stable_mosaic.version = 14 : i64} {
  func.func @_up0_finish_body(%arg0: i32, %arg1: memref<512x128xf32, #tpu.memory_space<vmem>>, %arg2: memref<2x512x128xf32, #tpu.memory_space<vmem>>, %arg3: memref<2x512x1xf32, #tpu.memory_space<vmem>>, %arg4: memref<128xf32, #tpu.memory_space<vmem>>, %arg5: memref<512xf32, #tpu.memory_space<vmem>>, %arg6: memref<512x128xf32, #tpu.memory_space<vmem>>, %arg7: memref<256x8xf32, #tpu.memory_space<vmem>>, %arg8: memref<512x8xf32, #tpu.memory_space<vmem>>) attributes {dimension_semantics = [#tpu.dimension_semantics<arbitrary>], iteration_bounds = array<i64: 20>, scalar_prefetch = 0 : i64, scratch_operands = 0 : i64, tpu.core_type = #tpu.core_type<tc>, window_params = [{transform_indices = @transform_0, window_bounds = array<i64: 512, 128>}, {transform_indices = @transform_1, window_bounds = array<i64: 2, 512, 128>}, {transform_indices = @transform_2, window_bounds = array<i64: 2, 512, 1>}, {pipeline_mode = #tpu.pipeline_mode<synchronous>, transform_indices = @transform_3, window_bounds = array<i64: 128>}, {transform_indices = @transform_4, window_bounds = array<i64: 512>}, {transform_indices = @transform_5, window_bounds = array<i64: 512, 128>}, {pipeline_mode = #tpu.pipeline_mode<synchronous>, transform_indices = @transform_6, window_bounds = array<i64: 256, 8>}, {transform_indices = @transform_7, window_bounds = array<i64: 512, 8>}]} {
    %get3A = arith.constant 0 : index
    %get3A_0 = arith.constant 0 : index
    %get3A_1 = arith.constant 0 : index
    %get3A_2 = vector.load %arg2[%get3A, %get3A_0, %get3A_1] : memref<2x512x128xf32, #tpu.memory_space<vmem>>, vector<1x512x128xf32>
    %get3A_3 = vector.shape_cast %get3A_2 : vector<1x512x128xf32> to vector<512x128xf32>
    %get3A_4 = arith.constant 1 : index
    %get3A_5 = arith.constant 0 : index
    %get3A_6 = arith.constant 0 : index
    %get3A_7 = vector.load %arg2[%get3A_4, %get3A_5, %get3A_6] : memref<2x512x128xf32, #tpu.memory_space<vmem>>, vector<1x512x128xf32>
    %get3A_8 = vector.shape_cast %get3A_7 : vector<1x512x128xf32> to vector<512x128xf32>
    %add3A = arith.addf %get3A_3, %get3A_8 : vector<512x128xf32>
    %get3A_9 = arith.constant 0 : index
    %get3A_10 = arith.constant 0 : index
    %get3A_11 = arith.constant 0 : index
    %get3A_12 = vector.load %arg3[%get3A_9, %get3A_10, %get3A_11] : memref<2x512x1xf32, #tpu.memory_space<vmem>>, vector<1x512x1xf32>
    %get3A_13 = vector.shape_cast %get3A_12 : vector<1x512x1xf32> to vector<512xf32>
    %get3A_14 = arith.constant 1 : index
    %get3A_15 = arith.constant 0 : index
    %get3A_16 = arith.constant 0 : index
    %get3A_17 = vector.load %arg3[%get3A_14, %get3A_15, %get3A_16] : memref<2x512x1xf32, #tpu.memory_space<vmem>>, vector<1x512x1xf32>
    %get3A_18 = vector.shape_cast %get3A_17 : vector<1x512x1xf32> to vector<512xf32>
    %add3A_19 = arith.addf %get3A_13, %get3A_18 : vector<512xf32>
    %get3A_20 = arith.constant 0 : index
    %get3A_21 = arith.constant 0 : index
    %get3A_22 = vector.load %arg1[%get3A_20, %get3A_21] : memref<512x128xf32, #tpu.memory_space<vmem>>, vector<512x128xf32>
    %max3A = arith.constant 1.000000e+00 : f32
    %max3A_23 = vector.broadcast %max3A : f32 to vector<512xf32>
    %max3A_24 = arith.maximumf %add3A_19, %max3A_23 : vector<512xf32>
    %broadcast_in_dim3A = vector.shape_cast %max3A_24 : vector<512xf32> to vector<512x1xf32>
    %div3A = vector.broadcast %broadcast_in_dim3A : vector<512x1xf32> to vector<512x128xf32>
    %div3A_25 = arith.divf %add3A, %div3A : vector<512x128xf32>
    %add3A_26 = arith.addf %get3A_22, %div3A_25 : vector<512x128xf32>
    %get3A_27 = arith.constant 0 : index
    %get3A_28 = vector.load %arg4[%get3A_27] : memref<128xf32, #tpu.memory_space<vmem>>, vector<128xf32>
    %broadcast_in_dim3A_29 = vector.shape_cast %get3A_28 : vector<128xf32> to vector<1x128xf32>
    %add3A_30 = vector.broadcast %broadcast_in_dim3A_29 : vector<1x128xf32> to vector<512x128xf32>
    %add3A_31 = arith.addf %add3A_26, %add3A_30 : vector<512x128xf32>
    %max3A_32 = arith.constant 0.000000e+00 : f32
    %max3A_33 = vector.broadcast %max3A_32 : f32 to vector<512x128xf32>
    %max3A_34 = arith.maximumf %add3A_31, %max3A_33 : vector<512x128xf32>
    %get3A_35 = arith.constant 0 : index
    %get3A_36 = arith.constant 0 : index
    %get3A_37 = vector.load %arg7[%get3A_35, %get3A_36] : memref<256x8xf32, #tpu.memory_space<vmem>>, vector<256x8xf32>
    %get3A_38 = arith.constant 0 : index
    %get3A_39 = vector.load %arg5[%get3A_38] : memref<512xf32, #tpu.memory_space<vmem>>, vector<512xf32>
    %broadcast_in_dim3A_40 = vector.shape_cast %get3A_39 : vector<512xf32> to vector<512x1xf32>
    %mul3A = vector.broadcast %broadcast_in_dim3A_40 : vector<512x1xf32> to vector<512x128xf32>
    %mul3A_41 = arith.mulf %mul3A, %max3A_34 : vector<512x128xf32>
    %slice3A = vector.extract_strided_slice %get3A_37 {offsets = [0, 0], sizes = [128, 8], strides = [1, 1]} : vector<256x8xf32> to vector<128x8xf32>
    %dot_general3A = arith.constant dense<0.000000e+00> : vector<512x8xf32>
    %dot_general3A_42 = tpu.matmul %mul3A_41, %slice3A, %dot_general3A {dimension_numbers = #tpu.dot_dimension_numbers<[1], [0], [0], [1], [0, 0, 1, 1], [], []>, transpose_lhs_hint = false} : vector<512x128xf32>, vector<128x8xf32>, vector<512x8xf32> -> vector<512x8xf32>
    %get3A_43 = arith.constant 0 : index
    %get3A_44 = arith.constant 0 : index
    %get3A_45 = vector.load %arg6[%get3A_43, %get3A_44] : memref<512x128xf32, #tpu.memory_space<vmem>>, vector<512x128xf32>
    %slice3A_46 = vector.extract_strided_slice %get3A_37 {offsets = [128, 0], sizes = [128, 8], strides = [1, 1]} : vector<256x8xf32> to vector<128x8xf32>
    %dot_general3A_47 = arith.constant dense<0.000000e+00> : vector<512x8xf32>
    %dot_general3A_48 = tpu.matmul %get3A_45, %slice3A_46, %dot_general3A_47 {dimension_numbers = #tpu.dot_dimension_numbers<[1], [0], [0], [1], [0, 0, 1, 1], [], []>, transpose_lhs_hint = false} : vector<512x128xf32>, vector<128x8xf32>, vector<512x8xf32> -> vector<512x8xf32>
    %add3A_49 = arith.addf %dot_general3A_42, %dot_general3A_48 : vector<512x8xf32>
    %swap3A = arith.constant 0 : index
    %swap3A_50 = arith.constant 0 : index
    %swap3A_51 = vector.load %arg8[%swap3A, %swap3A_50] : memref<512x8xf32, #tpu.memory_space<vmem>>, vector<512x8xf32>
    tpu.vector_store %arg8[%swap3A, %swap3A_50], %add3A_49 {strides = array<i32>} : memref<512x8xf32, #tpu.memory_space<vmem>>, vector<512x8xf32>,
    return
  }
  func.func @transform_0(%arg0: i32) -> (i32, i32) {
    %c0_i32 = arith.constant 0 : i32
    %c0_i32_0 = arith.constant 0 : i32
    return %arg0, %c0_i32 : i32, i32
  }
  func.func @transform_1(%arg0: i32) -> (i32, i32, i32) {
    %c0_i32 = arith.constant 0 : i32
    %c0_i32_0 = arith.constant 0 : i32
    %c0_i32_1 = arith.constant 0 : i32
    return %c0_i32, %arg0, %c0_i32_0 : i32, i32, i32
  }
  func.func @transform_2(%arg0: i32) -> (i32, i32, i32) {
    %c0_i32 = arith.constant 0 : i32
    %c0_i32_0 = arith.constant 0 : i32
    %c0_i32_1 = arith.constant 0 : i32
    return %c0_i32, %arg0, %c0_i32_0 : i32, i32, i32
  }
  func.func @transform_3(%arg0: i32) -> i32 {
    %c0_i32 = arith.constant 0 : i32
    %c0_i32_0 = arith.constant 0 : i32
    return %c0_i32 : i32
  }
  func.func @transform_4(%arg0: i32) -> i32 {
    %c0_i32 = arith.constant 0 : i32
    return %arg0 : i32
  }
  func.func @transform_5(%arg0: i32) -> (i32, i32) {
    %c0_i32 = arith.constant 0 : i32
    %c0_i32_0 = arith.constant 0 : i32
    return %arg0, %c0_i32 : i32, i32
  }
  func.func @transform_6(%arg0: i32) -> (i32, i32) {
    %c0_i32 = arith.constant 0 : i32
    %c0_i32_0 = arith.constant 0 : i32
    %c0_i32_1 = arith.constant 0 : i32
    return %c0_i32, %c0_i32_0 : i32, i32
  }
  func.func @transform_7(%arg0: i32) -> (i32, i32) {
    %c0_i32 = arith.constant 0 : i32
    %c0_i32_0 = arith.constant 0 : i32
    return %arg0, %c0_i32 : i32, i32
  }
}

module attributes {stable_mosaic.version = 14 : i64} {
  func.func @_final_body(%arg0: i32, %arg1: memref<512x8xf32, #tpu.memory_space<vmem>>, %arg2: memref<2x512x8xf32, #tpu.memory_space<vmem>>, %arg3: memref<2x512x1xf32, #tpu.memory_space<vmem>>, %arg4: memref<8xf32, #tpu.memory_space<vmem>>, %arg5: memref<512x8xf32, #tpu.memory_space<vmem>>) attributes {dimension_semantics = [#tpu.dimension_semantics<arbitrary>], iteration_bounds = array<i64: 20>, scalar_prefetch = 0 : i64, scratch_operands = 0 : i64, tpu.core_type = #tpu.core_type<tc>, window_params = [{transform_indices = @transform_0, window_bounds = array<i64: 512, 8>}, {transform_indices = @transform_1, window_bounds = array<i64: 2, 512, 8>}, {transform_indices = @transform_2, window_bounds = array<i64: 2, 512, 1>}, {pipeline_mode = #tpu.pipeline_mode<synchronous>, transform_indices = @transform_3, window_bounds = array<i64: 8>}, {transform_indices = @transform_4, window_bounds = array<i64: 512, 8>}]} {
    %get3A = arith.constant 0 : index
    %get3A_0 = arith.constant 0 : index
    %get3A_1 = arith.constant 0 : index
    %get3A_2 = vector.load %arg2[%get3A, %get3A_0, %get3A_1] : memref<2x512x8xf32, #tpu.memory_space<vmem>>, vector<1x512x8xf32>
    %get3A_3 = vector.shape_cast %get3A_2 : vector<1x512x8xf32> to vector<512x8xf32>
    %get3A_4 = arith.constant 1 : index
    %get3A_5 = arith.constant 0 : index
    %get3A_6 = arith.constant 0 : index
    %get3A_7 = vector.load %arg2[%get3A_4, %get3A_5, %get3A_6] : memref<2x512x8xf32, #tpu.memory_space<vmem>>, vector<1x512x8xf32>
    %get3A_8 = vector.shape_cast %get3A_7 : vector<1x512x8xf32> to vector<512x8xf32>
    %add3A = arith.addf %get3A_3, %get3A_8 : vector<512x8xf32>
    %get3A_9 = arith.constant 0 : index
    %get3A_10 = arith.constant 0 : index
    %get3A_11 = arith.constant 0 : index
    %get3A_12 = vector.load %arg3[%get3A_9, %get3A_10, %get3A_11] : memref<2x512x1xf32, #tpu.memory_space<vmem>>, vector<1x512x1xf32>
    %get3A_13 = vector.shape_cast %get3A_12 : vector<1x512x1xf32> to vector<512xf32>
    %get3A_14 = arith.constant 1 : index
    %get3A_15 = arith.constant 0 : index
    %get3A_16 = arith.constant 0 : index
    %get3A_17 = vector.load %arg3[%get3A_14, %get3A_15, %get3A_16] : memref<2x512x1xf32, #tpu.memory_space<vmem>>, vector<1x512x1xf32>
    %get3A_18 = vector.shape_cast %get3A_17 : vector<1x512x1xf32> to vector<512xf32>
    %add3A_19 = arith.addf %get3A_13, %get3A_18 : vector<512xf32>
    %get3A_20 = arith.constant 0 : index
    %get3A_21 = arith.constant 0 : index
    %get3A_22 = vector.load %arg1[%get3A_20, %get3A_21] : memref<512x8xf32, #tpu.memory_space<vmem>>, vector<512x8xf32>
    %max3A = arith.constant 1.000000e+00 : f32
    %max3A_23 = vector.broadcast %max3A : f32 to vector<512xf32>
    %max3A_24 = arith.maximumf %add3A_19, %max3A_23 : vector<512xf32>
    %broadcast_in_dim3A = vector.shape_cast %max3A_24 : vector<512xf32> to vector<512x1xf32>
    %div3A = vector.broadcast %broadcast_in_dim3A : vector<512x1xf32> to vector<512x8xf32>
    %div3A_25 = arith.divf %add3A, %div3A : vector<512x8xf32>
    %add3A_26 = arith.addf %get3A_22, %div3A_25 : vector<512x8xf32>
    %get3A_27 = arith.constant 0 : index
    %get3A_28 = vector.load %arg4[%get3A_27] : memref<8xf32, #tpu.memory_space<vmem>>, vector<8xf32>
    %broadcast_in_dim3A_29 = vector.shape_cast %get3A_28 : vector<8xf32> to vector<1x8xf32>
    %add3A_30 = vector.broadcast %broadcast_in_dim3A_29 : vector<1x8xf32> to vector<512x8xf32>
    %add3A_31 = arith.addf %add3A_26, %add3A_30 : vector<512x8xf32>
    %max3A_32 = arith.constant 0.000000e+00 : f32
    %max3A_33 = vector.broadcast %max3A_32 : f32 to vector<512x8xf32>
    %max3A_34 = arith.maximumf %add3A_31, %max3A_33 : vector<512x8xf32>
    %reduce_max3A = arith.constant dense<0xFF800000> : vector<512xf32>
    %reduce_max3A_35 = vector.multi_reduction <maximumf>, %max3A_34, %reduce_max3A [1] : vector<512x8xf32> to vector<512xf32>
    %broadcast_in_dim3A_36 = vector.shape_cast %reduce_max3A_35 : vector<512xf32> to vector<512x1xf32>
    %sub3A = vector.broadcast %broadcast_in_dim3A_36 : vector<512x1xf32> to vector<512x8xf32>
    %sub3A_37 = arith.subf %max3A_34, %sub3A : vector<512x8xf32>
    %exp3A = math.exp %sub3A_37 : vector<512x8xf32>
    %reduce_sum3A = arith.constant dense<0.000000e+00> : vector<512xf32>
    %reduce_sum3A_38 = vector.multi_reduction <add>, %exp3A, %reduce_sum3A [1] : vector<512x8xf32> to vector<512xf32>
    %broadcast_in_dim3A_39 = vector.shape_cast %reduce_sum3A_38 : vector<512xf32> to vector<512x1xf32>
    %log3A = math.log %broadcast_in_dim3A_39 : vector<512x1xf32>
    %add3A_40 = arith.addf %log3A, %broadcast_in_dim3A_36 : vector<512x1xf32>
    %sub3A_41 = vector.broadcast %add3A_40 : vector<512x1xf32> to vector<512x8xf32>
    %sub3A_42 = arith.subf %max3A_34, %sub3A_41 : vector<512x8xf32>
    %swap3A = arith.constant 0 : index
    %swap3A_43 = arith.constant 0 : index
    %swap3A_44 = vector.load %arg5[%swap3A, %swap3A_43] : memref<512x8xf32, #tpu.memory_space<vmem>>, vector<512x8xf32>
    tpu.vector_store %arg5[%swap3A, %swap3A_43], %sub3A_42 {strides = array<i32>} : memref<512x8xf32, #tpu.memory_space<vmem>>, vector<512x8xf32>,
    return
  }
  func.func @transform_0(%arg0: i32) -> (i32, i32) {
    %c0_i32 = arith.constant 0 : i32
    %c0_i32_0 = arith.constant 0 : i32
    return %arg0, %c0_i32 : i32, i32
  }
  func.func @transform_1(%arg0: i32) -> (i32, i32, i32) {
    %c0_i32 = arith.constant 0 : i32
    %c0_i32_0 = arith.constant 0 : i32
    %c0_i32_1 = arith.constant 0 : i32
    return %c0_i32, %arg0, %c0_i32_0 : i32, i32, i32
  }
  func.func @transform_2(%arg0: i32) -> (i32, i32, i32) {
    %c0_i32 = arith.constant 0 : i32
    %c0_i32_0 = arith.constant 0 : i32
    %c0_i32_1 = arith.constant 0 : i32
    return %c0_i32, %arg0, %c0_i32_0 : i32, i32, i32
  }
  func.func @transform_3(%arg0: i32) -> i32 {
    %c0_i32 = arith.constant 0 : i32
    %c0_i32_0 = arith.constant 0 : i32
    return %c0_i32 : i32
  }
  func.func @transform_4(%arg0: i32) -> (i32, i32) {
    %c0_i32 = arith.constant 0 : i32
    %c0_i32_0 = arith.constant 0 : i32
    return %arg0, %c0_i32 : i32, i32
  }
}

</mosaic_0001>

<sc_bundles>
// kernel: kernel.15.cloned.1.call-start
scs
__scs_entry_jumppad:
0x0: {  	(pc) =	sbr.rel $0x88, $3  }
0x1: {  	(tag) =	ssettag $0x0;
	lr =	simm.s32 $0x1  }
0x2: {  	[smem:$0x3F8E] =	sst lr;
	_ =	strace $0xD0000000  }
0x3: {  	_ = 	snop  }
0x4: {  	_ = 	snop  }
0x5: {  	_ = 	snop  }
0x6: {  	_ = 	snop  }
0x7: {  	_ = 	snop  }
__scs_overlays_trampoline_lowered:
0x8: {  	[smem:$0x3F9D] =	sst s0  }
0x9: {  	[smem:$0x3F9E] =	sst s1  }
0xa: {  	[smem:$0x3F9F] =	sst s2  }
0xb: {  	[smem:$0x3FA0] =	sst s3  }
0xc: {  	[smem:$0x3FA1] =	sst s4  }
0xd: {  	[smem:$0x3FA2] =	sst s5  }
0xe: {  	[smem:$0x3FA3] =	sst s6  }
0xf: {  	[smem:$0x3FA4] =	sst s7  }
0x10: {  	[smem:$0x3FA5] =	sst s8  }
0x11: {  	[smem:$0x3FA6] =	sst s9;
	s0 =	simm.s32 @!p0 $0x0  }
0x12: {  	s1 =	sld [smem:$0x3F8C];
	s0 =	simm.s32 @p0 $0x1  }
0x13: {  	[smem:$0x3FA7] =	sst s0;
	s0 =	simm.s32 @!p1 $0x0  }
0x14: {  	s2 =	sld [smem:$0x3F8B];
	s0 =	simm.s32 @p1 $0x1  }
0x15: {  	[smem:$0x3FA8] =	sst s0;
	s0 =	simm.s32 @!p2 $0x0  }
0x16: {  	s3 =	sld [smem:$0x3FDB];
	s0 =	simm.s32 @p2 $0x1  }
0x17: {  	s4 =	simm.s32 $0x1BF5;
	[smem:$0x3FAA] =	sst s0  }
0x18: {  	s0 =	sld [smem:$0x3F8D];
	_ =	swait.ge [sflag:s4], $0x0  }
0x19: {  	s7 =	sld [smem:$0x3F8E]  }
0x1a: {  	s8 =	sadd.s32 $0xFFFFE003, lr  }
0x1b: {  	s9 =	sadd.s32 $0xFFFFFEF7, lr;
	s5 =	simm.s32 $0xFFFFFFFF;
	p2 =	slt.u32 s8, $0xFFFFF086  }
0x1c: {  	p1 =	slt.u32 s9, $0xF7A;
	s5 =	simm.s32 @!p2 $0x0  }
0x1d: {  	s5 =	simm.s32 @p1 $0x1;
	p0 =	seq.s32 s7, s2  }
0x1e: {  	s7 =	smul.u32 @!p0 $0xF7A, s2;
	p2 =	seq.s32 @!p0 s5, $0x0  }
0x1f: {  	s9 =	smul.u32 $0xF7A, s1;
	s8 =	simm.s32 @!p0 $0x1BF5;
	p2 =	por !p2, p0  }
0x20: {  	[sflag:s8] =	ssyncset.s32 @!p0 $0xFFFFF086;
	s6 =	sadd.s32 @!p0 s3, s7;
	s7 =	simm.s32 @!p0 $0x108  }
0x21: {  	s3 =	sadd.s32 s3, s9;
	s6 =	sadd.s32 @!p0 $0x88, s6;
	s7 =	simm.s32 @p2 $0x1082  }
0x22: {  	[simem:s7], [sflag:s8] =	dma.local @!p0 [hbm:s6], $0xF7A  }
0x23: {  	s9 =	sor.u32 $0xD0000000, s2;
	s6 =	simm.s32 $0x108;
	_ =	swait.ge @!p0 [sflag:s8], $0x0  }
0x24: {  	s3 =	sadd.s32 $0x88, s3;
	s6 =	simm.s32 @!p1 $0x1082;
	[sflag:s4] =	ssyncset.s32 $0xFFFFF086  }
0x25: {  	[simem:s6], [sflag:s4] =	dma.local [hbm:s3], $0xF7A  }
0x26: {  	[smem:$0x3F8E] =	sst s1;
	(tag) =	ssettag s2;
	_ =	strace s9  }
0x27: {  	s1 =	sld [smem:$0x3F9E]  }
0x28: {  	s2 =	sld [smem:$0x3F9F]  }
0x29: {  	s4 =	sld [smem:$0x3FA1]  }
0x2a: {  	p0 =	seq.s32 s5, $0x0;
	s5 =	sld [smem:$0x3FA2]  }
0x2b: {  	s6 =	sld [smem:$0x3FA3]  }
0x2c: {  	s7 =	sld [smem:$0x3FA4]  }
0x2d: {  	s3 =	simm.s32 $0x108;
	s8 =	sld [smem:$0x3FA5]  }
0x2e: {  	s3 =	simm.s32 @!p0 $0x1082;
	s9 =	sld [smem:$0x3FA6]  }
0x2f: {  	lr =	sadd.s32 s0, s3;
	s0 =	sld [smem:$0x3F9D]  }
0x30: {  	s3 =	sld [smem:$0x3FA0]  }
0x31: {  	[smem:$0x3FA9] =	sst s10  }
0x32: {  	s10 =	sld [smem:$0x3FA7];
	_ =	sdelay $0x3  }
0x33: {  	p0 =	seq.s32 s10, $0x1;
	s10 =	sld [smem:$0x3FA9];
	_ =	sdelay $0x3  }
0x34: {  	[smem:$0x3FA9] =	sst s10  }
0x35: {  	s10 =	sld [smem:$0x3FA8];
	_ =	sdelay $0x3  }
0x36: {  	p1 =	seq.s32 s10, $0x1;
	s10 =	sld [smem:$0x3FA9];
	_ =	sdelay $0x3  }
0x37: {  	[smem:$0x3FA9] =	sst s10  }
0x38: {  	s10 =	sld [smem:$0x3FAA]  }
0x39: {  	_ = 	snop;
	(pc) =	sbr.ind lr, $3  }
0x3a: {  	_ = 	snop  }
0x3b: {  	_ = 	snop  }
0x3c: {  	p2 =	seq.s32 s10, $0x1;
	s10 =	sld [smem:$0x3FA9]  }
0x3d: {  	_ =	shalt  }
0x3e: {  	_ =	shalt  }
0x3f: {  	_ =	shalt  }
0x40: {  	_ =	shalt  }
0x41: {  	_ =	shalt  }
0x42: {  	_ =	shalt  }
0x43: {  	_ =	shalt  }
0x44: {  	_ =	shalt  }
0x45: {  	_ =	shalt  }
0x46: {  	_ =	shalt  }
0x47: {  	_ =	shalt  }
0x48: {  	_ =	shalt  }
0x49: {  	_ =	shalt  }
0x4a: {  	_ =	shalt  }
0x4b: {  	_ =	shalt  }
0x4c: {  	_ =	shalt  }
0x4d: {  	_ =	shalt  }
0x4e: {  	_ =	shalt  }
0x4f: {  	_ =	shalt  }
0x50: {  	_ =	shalt  }
0x51: {  	_ =	shalt  }
0x52: {  	_ =	shalt  }
0x53: {  	_ =	shalt  }
0x54: {  	_ =	shalt  }
0x55: {  	_ =	shalt  }
0x56: {  	_ =	shalt  }
0x57: {  	_ =	shalt  }
0x58: {  	_ =	shalt  }
0x59: {  	_ =	shalt  }
0x5a: {  	_ =	shalt  }
0x5b: {  	_ =	shalt  }
0x5c: {  	_ =	shalt  }
0x5d: {  	_ =	shalt  }
0x5e: {  	_ =	shalt  }
0x5f: {  	_ =	shalt  }
0x60: {  	_ =	shalt  }
0x61: {  	_ =	shalt  }
0x62: {  	_ =	shalt  }
0x63: {  	_ =	shalt  }
0x64: {  	_ =	shalt  }
0x65: {  	_ =	shalt  }
0x66: {  	_ =	shalt  }
0x67: {  	_ =	shalt  }
0x68: {  	_ =	shalt  }
0x69: {  	_ =	shalt  }
0x6a: {  	_ =	shalt  }
0x6b: {  	_ =	shalt  }
0x6c: {  	_ =	shalt  }
0x6d: {  	_ =	shalt  }
0x6e: {  	_ =	shalt  }
0x6f: {  	_ =	shalt  }
0x70: {  	_ =	shalt  }
0x71: {  	_ =	shalt  }
0x72: {  	_ =	shalt  }
0x73: {  	_ =	shalt  }
0x74: {  	_ =	shalt  }
0x75: {  	_ =	shalt  }
0x76: {  	_ =	shalt  }
0x77: {  	_ =	shalt  }
0x78: {  	_ =	shalt  }
0x79: {  	_ =	shalt  }
0x7a: {  	_ =	shalt  }
0x7b: {  	_ =	shalt  }
0x7c: {  	_ =	shalt  }
0x7d: {  	_ =	shalt  }
0x7e: {  	_ =	shalt  }
0x7f: {  	_ =	shalt  }
0x80: {  	_ =	shalt  }
0x81: {  	_ =	shalt  }
0x82: {  	_ =	shalt  }
0x83: {  	_ =	shalt  }
0x84: {  	_ =	shalt  }
0x85: {  	_ =	shalt  }
0x86: {  	_ =	shalt  }
0x87: {  	_ =	shalt  }
.Lfunc_end0:
.L_simem_size_0:
called_computation_lowered:
.L_overlay_start_0:
0x88: {  	s2 =	sld [smem:$0x3FD9]  }
0x89: {  	s3 =	sld [smem:$0x3FFE];
	_ =	sdelay $0x1  }
0x8a: {  	s1 =	srdreg.scid  }
0x8b: {  	s0 =	sand.u32 $0x1, s1  }
0x8c: {  	s17 =	sshll.u32 s0, $0xA;
	s2 =	sadd.s32 s3, s2  }
0x8d: {  	s2 =	sadd.s32 s2, s17  }
0x8e: {  	[smem:$0x3FB5] =	sst s2  }
0x8f: {  	_ = 	snop  }
0x90: {  	s2 =	sld [smem:$0x3FD0];
	(tm) =	ssettm $0x1  }
0x91: {  	s18 =	sld [smem:$0x3FFB];
	_ =	sdelay $0x3  }
0x92: {  	_ =	strace s18  }
0x93: {  	s3 =	sld [smem:$0x3FFC];
	_ =	sdelay $0x3  }
0x94: {  	_ =	strace s3  }
0x95: {  	s3 =	sld [smem:$0x3FFD];
	_ =	sdelay $0x3  }
0x96: {  	_ =	strace s3  }
0x97: {  	_ =	strace $0x8FFFFFFF  }
0x98: {  	s19 =	sld [smem:$0x3FDB];
	_ =	sdelay $0x1  }
0x99: {  	s4 =	simm.s32 $_scs_section_size  }
0x9a: {  	s5 =	simm.s32 $_size__tile_overlayer_lowered;
	s6 =	simm.s32 $_tile_overlayer_lowered  }
0x9b: {  	s22 =	simm.s32 $0x1BFF;
	s21 =	sshll.u32 s6, $0x1;
	s3 =	sadd.s32 s4, s19  }
0x9c: {  	s7 =	simm.s32 $0x0;
	s20 =	sshll.u32 s5, $0x1;
	s5 =	sadd.s32 s21, s3  }
0x9d: {  	[timem:s7], [sflag:s22] =	dma.local [hbm:s5], s20  }
0x9e: {  	_ =	swait.ge [sflag:s22], s20  }
0x9f: {  	s4 =	ssub.s32 $0x0, s20;
	[sflag:s22] =	ssyncset.done $0x0  }
0xa0: {  	[sflag:s22] =	ssyncadd.s32 s4;
	_ =	sdelay $0x1  }
0xa1: {  	s23 =	simm.s32 $0x1B8B  }
0xa2: {  	_ =	swait.ge [sflag:s23], $0x1  }
0xa3: {  	[sflag:s23] =	ssyncset.done $0x0  }
0xa4: {  	s25 =	simm.s32 $0x1B8E;
	s24 =	sld [smem:$0x3FFE];
	[sflag:s23] =	ssyncadd.s32 $0xFFFFFFFF  }
0xa5: {  	s26 =	simm.s32 $execute0_lowered;
	[smem:$0x3FD2] =	sst s25  }
0xa6: {  	s5 =	sshll.u32 s26, $0x1;
	_ =	strace $0x80000046;
	[dreg:$0x1] =	wrdreg $0xFFFFFFFF  }
0xa7: {  	s28 =	simm.s32 $_size_execute0_lowered;
	s3 =	sadd.s32 s3, s5;
	[dreg:$0x0] =	wrdreg $0x0  }
0xa8: {  	s5 =	sshll.u32 s28, $0x1;
	[dreg:$0x2] =	wrdreg s3  }
0xa9: {  	[dreg:$0x3] =	wrdreg s5  }
0xaa: {  	[dreg:$0x4] =	wrdreg $0xC0  }
0xab: {  	_ =	task [dreg:s7], $0x5FFFF  }
0xac: {  	[dreg:$0x1] =	wrdreg $0xFFFFFFFF  }
0xad: {  	[dreg:$0x0] =	wrdreg $0x60  }
0xae: {  	[dreg:$0x2] =	wrdreg s24  }
0xaf: {  	[dreg:$0x3] =	wrdreg s2  }
0xb0: {  	[dreg:$0x4] =	wrdreg $0x8F000  }
0xb1: {  	[dreg:$0x5] =	wrdreg $0x1CF800  }
0xb2: {  	[dreg:$0x6] =	wrdreg $0x9  }
0xb3: {  	_ =	task.clear_ibuf [dreg:s7], $0x7FFFF;
	_ =	strace $0x90000046  }
0xb4: {  	s29 =	simm.s32 $0x9;
	_ =	strace $0x80000048  }
0xb5: {  	_ =	swait.ge [sflag:s29], $0x1  }
0xb6: {  	[sflag:s29] =	ssyncadd.s32 $0xFFFFFFFF  }
0xb7: {  	_ =	strace $0x90000048  }
0xb8: {  	_ =	sfence  }
0xb9: {  	s30 =	sld [smem:$0x0];
	_ =	sdelay $0x2  }
0xba: {  	s31 =	sshll.u32 s1, $0xD;
	s1 =	sshrl.u32 s1, $0x2  }
0xbb: {  	s3 =	sand.u32 $0x4000, s31;
	s1 =	sadd.s32 s1, s30  }
0xbc: {  	s0 =	sor.u32 s3, s0;
	s1 =	sshll.u32 s1, $0x11  }
0xbd: {  	s0 =	sor.u32 s1, s0  }
0xbe: {  	s0 =	sadd.s32 $0x8F2B, s0  }
0xbf: {  	[sflag:s0] =	ssyncadd.remote.s32 $0x1  }
0xc0: {  	_ =	sfence.sel $0xFFFF  }
0xc1: {  	[dreg:$0x0] =	wrdreg $0xFFFFFFFF;
	(pc) =	sbr.abs _section_cstart, $3  }
0xc2: {  	[dreg:$0x1] =	wrdreg $0xFFFFFFFF  }
0xc3: {  	_ =	task.clear_ibuf [dreg:s7], $0x2FFFF;
	_ =	strace $0x9FFFFFFF  }
0xc4: {  	(tm) =	ssettm $0x7FFFFFFF  }
0xc5: {  	_ =	shalt  }
tec
execute0_lowered:
.L_overlay_start_1:
0x0: {  	(tag) =	ssettag $0x1  }
0x1: {  	s7 =	rddreg [dreg:$0x0]  }
0x2: {  	s13 =	rddreg [dreg:$0x1]  }
0x3: {  	s2 =	rddreg [dreg:$0x2];
	s1 =	srdreg.scid  }
0x4: {  	s0 =	stileid.u32;
	s3 =	rddreg [dreg:$0x3]  }
0x5: {  	s4 =	simm.s32 $0x0;
	s20 =	simm.s32 $0x4F00;
	s21 =	simm.s32 $0x1  }
0x6: {  	s22 =	simm.s32 $0x1CF00;
	s23 =	simm.s32 $0x2;
	s24 =	simm.s32 $0x0  }
0x7: {  	s8 =	sand.u32 $0x1, s1;
	s1 =	rddreg [dreg:$0x4];
	s10 =	smul.u32 $0x14000, s0  }
0x8: {  	s5 =	sshll.u32 s0, $0x1;
	[smem:$0x7FF] =	sst s4;
	s14 =	smul.u32 $0x280, s0  }
0x9: {  	s6 =	sadd.s32 $0x5C00, s7;
	s30 =	sshll.u32 s0, $0x6;
	s11 =	smul.u32 $0x140000, s8  }
0xa: {  	s5 =	sor.u32 s8, s5;
	_ =	strace $0x80000047;
	s31 =	smul.u32 $0x2800, s8  }
0xb: {  	s15 =	ssub.s32 $0x2, s8;
	s8 =	sor.u32 $0x1C03, s30;
	s9 =	smul.u32 $0x4F0, s5  }
0xc: {  	s5 =	sadd.s32 $0x19E00, s7;
	s28 =	sshrl.u32 s10, $0x3;
	s16 =	sshrl.u32 s14, $0x3  }
0xd: {  	s17 =	sshrl.u32 s15, $0x1;
	s29 =	sadd.s32 s10, s2;
	s19 =	sadd.s32 s14, s3  }
0xe: {  	s11 =	sadd.s32 s10, s11;
	s16 =	sadd.s32 s16, s7;
	s15 =	ssub.s32 s15, s17  }
0xf: {  	s14 =	sadd.s32 s14, s31;
	s17 =	simm.s32 $0x2780;
	s12 =	sadd.s32 s9, s7  }
0x10: {  	s9 =	sadd.s32 s28, s7;
	s11 =	sshrl.u32 s11, $0x3;
	s14 =	sshrl.u32 s14, $0x3  }
0x11: {  	s18 =	sadd.s32 s11, s7;
	s7 =	sadd.s32 $0x42400, s9;
	s9 =	sadd.s32 $0x10000, s12  }
0x12: {  	s10 =	sadd.s32 $0x6200, s12;
	s11 =	sadd.s32 $0x41E00, s16;
	s13 =	sadd.s32 s13, s14  }
0x13: {  	s14 =	smax.u32 s15, $0x1;
	s15 =	sshrl.u32 s29, $0x3;
	s16 =	simm.s32 $0x3  }
0x14: {  	s12 =	sadd.s32 $0x6A400, s18;
	s18 =	sshrl.u32 s19, $0x3;
	s19 =	simm.s32 $0x80  }
.LBB2_1:
0x15: {  	[spmem:s15], [sflag:s8] =	dma.local [hbm:s7], $0x2800  }
0x16: {  	_ =	swait.ge [sflag:s16], $0x2800  }
0x17: {  	[sflag:s16] =	ssyncset.done $0x0  }
0x18: {  	[sflag:s16] =	ssyncadd.s32 $0xFFFFD800  }
0x19: {  	[tilespmem:s4], [sflag:$0x3] =	stream.linear.gather [hbm4b:s9+s4], $0x2780, $0x38;
	[tilespmem:$0x1D200] =	vst v63  }
0x1a: {  	_ =	swait.ge [sflag:s16], $0x2780  }
0x1b: {  	[sflag:s16] =	ssyncset.done $0x0  }
0x1c: {  	[sflag:s16] =	ssyncadd.s32 $0xFFFFD880  }
0x1d: {  	[tilespmem:s17], [sflag:$0x3] =	stream.linear.gather [hbm4b:s10+s4], $0x2780, $0x38;
	[tilespmem:$0x1D200] =	vst v63  }
0x1e: {  	_ =	swait.ge [sflag:s16], $0x2780  }
0x1f: {  	[sflag:s16] =	ssyncset.done $0x0  }
0x20: {  	[sflag:s16] =	ssyncadd.s32 $0xFFFFD880  }
0x21: {  	[spmem:s18], [sflag:s8] =	dma.local [hbm:s11], $0x50  }
0x22: {  	_ =	swait.ge [sflag:s16], $0x50  }
0x23: {  	[sflag:s16] =	ssyncset.done $0x0  }
0x24: {  	[sflag:s16] =	ssyncadd.s32 $0xFFFFFFB0  }
0x25: {  	s25 =	simm.s32 $0x0;
	[bflag:$0x0] =	sbarrier.arrive $0xFFFF  }
0x26: {  	[tilespmem:s20], [sflag:$0x1] =	stream.indirect.gather [hbm4b:s5+s19], $0x80, s25, s19, $0xb8;
	[tilespmem:$0x1D200] =	vst v63  }
0x27: {  	_ =	swait.ge [sflag:s21], $0x4000  }
0x28: {  	[sflag:s21] =	ssyncset.done $0x0  }
0x29: {  	[sflag:s21] =	ssyncadd.s32 $0xFFFFC000  }
0x2a: {  	[tilespmem:s22], [sflag:$0x2] =	stream.indirect.gather [hbm4b:s6+s19], $0x1, s25, s19, $0xb8;
	[tilespmem:$0x1D200] =	vst v63  }
0x2b: {  	_ =	swait.ge [sflag:s23], $0x80  }
0x2c: {  	[sflag:s23] =	ssyncset.done $0x0  }
0x2d: {  	s31 =	simm.s32 $0x2780;
	[sflag:s23] =	ssyncadd.s32 $0xFFFFFF80  }
0x2e: {  	[spmem:s2] =	stream.indirect.scatter.add.f32 [tilespmem:s20], [sflag:$0x3], $0x80, s31, s19, $0xb8;
	[tilespmem:$0x1D200] =	vst v63  }
0x2f: {  	_ =	swait.ge [sflag:s16], $0x4000  }
0x30: {  	[sflag:s16] =	ssyncset.done $0x0  }
0x31: {  	[sflag:s16] =	ssyncadd.s32 $0xFFFFC000  }
0x32: {  	[spmem:s3] =	stream.indirect.scatter.add.f32 [tilespmem:s22], [sflag:$0x3], $0x1, s31, s19, $0xb8;
	[tilespmem:$0x1D200] =	vst v63  }
0x33: {  	_ =	swait.ge [sflag:s16], $0x80  }
0x34: {  	s26 =	simm.s32 $0x400;
	s25 =	simm.s32 $0x200;
	[sflag:s16] =	ssyncset.done $0x0  }
.LBB2_2:
0x35: {  	s28 =	sshra.s32 s25, $0x2  }
0x36: {  	[sflag:s16] =	ssyncadd.s32 $0xFFFFFF80;
	s25 =	smov.u32 s26;
	s29 =	sadd.s32 $0x200, s26  }
0x37: {  	[tilespmem:s20], [sflag:$0x1] =	stream.indirect.gather [hbm4b:s5+s19], $0x80, s28, s19, $0xb8;
	[tilespmem:$0x1D200] =	vst v63  }
0x38: {  	p0 =	sne.s32 s26, $0x9C00;
	_ =	swait.ge [sflag:s21], $0x4000  }
0x39: {  	[sflag:s21] =	ssyncset.done $0x0  }
0x3a: {  	[sflag:s21] =	ssyncadd.s32 $0xFFFFC000  }
0x3b: {  	[tilespmem:s22], [sflag:$0x2] =	stream.indirect.gather [hbm4b:s6+s19], $0x1, s28, s19, $0xb8;
	[tilespmem:$0x1D200] =	vst v63  }
0x3c: {  	_ =	swait.ge [sflag:s23], $0x80  }
0x3d: {  	[sflag:s23] =	ssyncset.done $0x0  }
0x3e: {  	s26 =	sadd.s32 $0x2780, s28;
	[sflag:s23] =	ssyncadd.s32 $0xFFFFFF80  }
0x3f: {  	[spmem:s2] =	stream.indirect.scatter.add.f32 [tilespmem:s20], [sflag:$0x3], $0x80, s26, s19, $0xb8;
	[tilespmem:$0x1D200] =	vst v63  }
0x40: {  	_ =	swait.ge [sflag:s16], $0x4000  }
.Ltmp0:
0x41: {  	[sflag:s16] =	ssyncset.done $0x0;
	(pc) =	sbr.rel @p0 .LBB2_2-.Ltmp0, $4  }
0x42: {  	[sflag:s16] =	ssyncadd.s32 $0xFFFFC000  }
0x43: {  	[spmem:s3] =	stream.indirect.scatter.add.f32 [tilespmem:s22], [sflag:$0x3], $0x1, s26, s19, $0xb8;
	[tilespmem:$0x1D200] =	vst v63  }
0x44: {  	_ =	swait.ge [sflag:s16], $0x80  }
0x45: {  	s26 =	smov.u32 s29;
	[sflag:s16] =	ssyncset.done $0x0  }
0x46: {  	s25 =	sshra.s32 s25, $0x2;
	[sflag:s16] =	ssyncadd.s32 $0xFFFFFF80  }
0x47: {  	[tilespmem:s20], [sflag:$0x1] =	stream.indirect.gather [hbm4b:s5+s19], $0x80, s25, s19, $0xb8;
	[tilespmem:$0x1D200] =	vst v63  }
0x48: {  	_ =	swait.ge [sflag:s21], $0x4000  }
0x49: {  	[sflag:s21] =	ssyncset.done $0x0  }
0x4a: {  	[sflag:s21] =	ssyncadd.s32 $0xFFFFC000  }
0x4b: {  	[tilespmem:s22], [sflag:$0x2] =	stream.indirect.gather [hbm4b:s6+s19], $0x1, s25, s19, $0xb8;
	[tilespmem:$0x1D200] =	vst v63  }
0x4c: {  	_ =	swait.ge [sflag:s23], $0x80  }
0x4d: {  	[sflag:s23] =	ssyncset.done $0x0  }
0x4e: {  	s25 =	sadd.s32 $0x2780, s25;
	[sflag:s23] =	ssyncadd.s32 $0xFFFFFF80  }
0x4f: {  	[spmem:s2] =	stream.indirect.scatter.add.f32 [tilespmem:s20], [sflag:$0x3], $0x80, s25, s19, $0xb8;
	[tilespmem:$0x1D200] =	vst v63  }
0x50: {  	_ =	swait.ge [sflag:s16], $0x4000  }
0x51: {  	[sflag:s16] =	ssyncset.done $0x0  }
0x52: {  	[sflag:s16] =	ssyncadd.s32 $0xFFFFC000  }
0x53: {  	[spmem:s3] =	stream.indirect.scatter.add.f32 [tilespmem:s22], [sflag:$0x3], $0x1, s25, s19, $0xb8;
	[tilespmem:$0x1D200] =	vst v63  }
0x54: {  	_ =	swait.ge [sflag:s16], $0x80  }
0x55: {  	[sflag:s16] =	ssyncset.done $0x0  }
0x56: {  	[sflag:s16] =	ssyncadd.s32 $0xFFFFFF80  }
0x57: {  	[bflag:$0x0] =	sbarrier.arrive $0xFFFF  }
0x58: {  	[hbm:s12], [sflag:s8] =	dma.local [spmem:s15], $0x2800  }
0x59: {  	s24 =	sadd.s32 $0x1, s24;
	_ =	swait.ge [sflag:s16], $0x2800  }
0x5a: {  	p0 =	sne.s32 s24, s14;
	[sflag:s16] =	ssyncset.done $0x0  }
.Ltmp1:
0x5b: {  	[sflag:s16] =	ssyncadd.s32 $0xFFFFD800;
	(pc) =	sbr.rel @p0 .LBB2_1-.Ltmp1, $4  }
0x5c: {  	[hbm:s13], [sflag:s8] =	dma.local [spmem:s18], $0x50  }
0x5d: {  	_ =	swait.ge [sflag:s16], $0x50  }
0x5e: {  	[sflag:s16] =	ssyncset.done $0x0  }
0x5f: {  	[sflag:s16] =	ssyncadd.s32 $0xFFFFFFB0  }
0x60: {  	_ =	sfence.sel $0x180000  }
0x61: {  	[bflag:$0x0] =	sbarrier.arrive $0xFFFF  }
0x62: {  	p0 =	sne.s32 s0, $0x0;
	_ =	strace $0x90000047  }
0x63: {  	s0 =	sadd.s32 @!p0 $0x100000, s1;
	[bflag:$0x2] =	sbarrier.arrive $0xFFFF  }
0x64: {  	[sflag:s0] =	ssyncadd.tile.s32 @!p0 $0x1;
	_ =	shalt  }
.Lfunc_end2:
_tile_overlayer_lowered:
.L_overlay_start_2:
0x65: {  	(tag) =	ssettag $0x2  }
0x66: {  	s0 =	rddreg [dreg:$0x0];
	s2 =	stileid.u32  }
0x67: {  	s1 =	rddreg [dreg:$0x1];
	p0 =	sne.s32 s2, $0x0  }
0x68: {  	s3 =	rddreg [dreg:$0x2];
	[bflag:$0x3] =	sbarrier.arrive $0xFFFF;
	s2 =	simm.s32 @!p0 $0x1C03  }
0x69: {  	[timem:s3], [sflag:s2] =	dma.local @!p0 [hbm:s0], s1  }
0x6a: {  	s0 =	simm.s32 @!p0 $0x3  }
0x6b: {  	_ =	swait.ge @!p0 [sflag:s0], s1  }
0x6c: {  	s1 =	ssub.s32 @!p0 $0x0, s1;
	[sflag:s0] =	ssyncset.done @!p0 $0x0  }
0x6d: {  	[sflag:s0] =	ssyncadd.s32 @!p0 s1  }
0x6e: {  	[bflag:$0x3] =	sbarrier.arrive $0xFFFF  }
0x6f: {  	_ =	shalt  }

// kernel: kernel.18.cloned.1.call-start
scs
__scs_entry_jumppad:
0x0: {  	(pc) =	sbr.rel $0x88, $3  }
0x1: {  	(tag) =	ssettag $0x0;
	lr =	simm.s32 $0x1  }
0x2: {  	[smem:$0x3F8E] =	sst lr;
	_ =	strace $0xD0000000  }
0x3: {  	_ = 	snop  }
0x4: {  	_ = 	snop  }
0x5: {  	_ = 	snop  }
0x6: {  	_ = 	snop  }
0x7: {  	_ = 	snop  }
__scs_overlays_trampoline_lowered:
0x8: {  	[smem:$0x3F9D] =	sst s0  }
0x9: {  	[smem:$0x3F9E] =	sst s1  }
0xa: {  	[smem:$0x3F9F] =	sst s2  }
0xb: {  	[smem:$0x3FA0] =	sst s3  }
0xc: {  	[smem:$0x3FA1] =	sst s4  }
0xd: {  	[smem:$0x3FA2] =	sst s5  }
0xe: {  	[smem:$0x3FA3] =	sst s6  }
0xf: {  	[smem:$0x3FA4] =	sst s7  }
0x10: {  	[smem:$0x3FA5] =	sst s8  }
0x11: {  	[smem:$0x3FA6] =	sst s9;
	s0 =	simm.s32 @!p0 $0x0  }
0x12: {  	s1 =	sld [smem:$0x3F8C];
	s0 =	simm.s32 @p0 $0x1  }
0x13: {  	[smem:$0x3FA7] =	sst s0;
	s0 =	simm.s32 @!p1 $0x0  }
0x14: {  	s2 =	sld [smem:$0x3F8B];
	s0 =	simm.s32 @p1 $0x1  }
0x15: {  	[smem:$0x3FA8] =	sst s0;
	s0 =	simm.s32 @!p2 $0x0  }
0x16: {  	s3 =	sld [smem:$0x3FDB];
	s0 =	simm.s32 @p2 $0x1  }
0x17: {  	s4 =	simm.s32 $0x1BF5;
	[smem:$0x3FAA] =	sst s0  }
0x18: {  	s0 =	sld [smem:$0x3F8D];
	_ =	swait.ge [sflag:s4], $0x0  }
0x19: {  	s7 =	sld [smem:$0x3F8E]  }
0x1a: {  	s8 =	sadd.s32 $0xFFFFE003, lr  }
0x1b: {  	s9 =	sadd.s32 $0xFFFFFEF7, lr;
	s5 =	simm.s32 $0xFFFFFFFF;
	p2 =	slt.u32 s8, $0xFFFFF086  }
0x1c: {  	p1 =	slt.u32 s9, $0xF7A;
	s5 =	simm.s32 @!p2 $0x0  }
0x1d: {  	s5 =	simm.s32 @p1 $0x1;
	p0 =	seq.s32 s7, s2  }
0x1e: {  	s7 =	smul.u32 @!p0 $0xF7A, s2;
	p2 =	seq.s32 @!p0 s5, $0x0  }
0x1f: {  	s9 =	smul.u32 $0xF7A, s1;
	s8 =	simm.s32 @!p0 $0x1BF5;
	p2 =	por !p2, p0  }
0x20: {  	[sflag:s8] =	ssyncset.s32 @!p0 $0xFFFFF086;
	s6 =	sadd.s32 @!p0 s3, s7;
	s7 =	simm.s32 @!p0 $0x108  }
0x21: {  	s3 =	sadd.s32 s3, s9;
	s6 =	sadd.s32 @!p0 $0x88, s6;
	s7 =	simm.s32 @p2 $0x1082  }
0x22: {  	[simem:s7], [sflag:s8] =	dma.local @!p0 [hbm:s6], $0xF7A  }
0x23: {  	s9 =	sor.u32 $0xD0000000, s2;
	s6 =	simm.s32 $0x108;
	_ =	swait.ge @!p0 [sflag:s8], $0x0  }
0x24: {  	s3 =	sadd.s32 $0x88, s3;
	s6 =	simm.s32 @!p1 $0x1082;
	[sflag:s4] =	ssyncset.s32 $0xFFFFF086  }
0x25: {  	[simem:s6], [sflag:s4] =	dma.local [hbm:s3], $0xF7A  }
0x26: {  	[smem:$0x3F8E] =	sst s1;
	(tag) =	ssettag s2;
	_ =	strace s9  }
0x27: {  	s1 =	sld [smem:$0x3F9E]  }
0x28: {  	s2 =	sld [smem:$0x3F9F]  }
0x29: {  	s4 =	sld [smem:$0x3FA1]  }
0x2a: {  	p0 =	seq.s32 s5, $0x0;
	s5 =	sld [smem:$0x3FA2]  }
0x2b: {  	s6 =	sld [smem:$0x3FA3]  }
0x2c: {  	s7 =	sld [smem:$0x3FA4]  }
0x2d: {  	s3 =	simm.s32 $0x108;
	s8 =	sld [smem:$0x3FA5]  }
0x2e: {  	s3 =	simm.s32 @!p0 $0x1082;
	s9 =	sld [smem:$0x3FA6]  }
0x2f: {  	lr =	sadd.s32 s0, s3;
	s0 =	sld [smem:$0x3F9D]  }
0x30: {  	s3 =	sld [smem:$0x3FA0]  }
0x31: {  	[smem:$0x3FA9] =	sst s10  }
0x32: {  	s10 =	sld [smem:$0x3FA7];
	_ =	sdelay $0x3  }
0x33: {  	p0 =	seq.s32 s10, $0x1;
	s10 =	sld [smem:$0x3FA9];
	_ =	sdelay $0x3  }
0x34: {  	[smem:$0x3FA9] =	sst s10  }
0x35: {  	s10 =	sld [smem:$0x3FA8];
	_ =	sdelay $0x3  }
0x36: {  	p1 =	seq.s32 s10, $0x1;
	s10 =	sld [smem:$0x3FA9];
	_ =	sdelay $0x3  }
0x37: {  	[smem:$0x3FA9] =	sst s10  }
0x38: {  	s10 =	sld [smem:$0x3FAA]  }
0x39: {  	_ = 	snop;
	(pc) =	sbr.ind lr, $3  }
0x3a: {  	_ = 	snop  }
0x3b: {  	_ = 	snop  }
0x3c: {  	p2 =	seq.s32 s10, $0x1;
	s10 =	sld [smem:$0x3FA9]  }
0x3d: {  	_ =	shalt  }
0x3e: {  	_ =	shalt  }
0x3f: {  	_ =	shalt  }
0x40: {  	_ =	shalt  }
0x41: {  	_ =	shalt  }
0x42: {  	_ =	shalt  }
0x43: {  	_ =	shalt  }
0x44: {  	_ =	shalt  }
0x45: {  	_ =	shalt  }
0x46: {  	_ =	shalt  }
0x47: {  	_ =	shalt  }
0x48: {  	_ =	shalt  }
0x49: {  	_ =	shalt  }
0x4a: {  	_ =	shalt  }
0x4b: {  	_ =	shalt  }
0x4c: {  	_ =	shalt  }
0x4d: {  	_ =	shalt  }
0x4e: {  	_ =	shalt  }
0x4f: {  	_ =	shalt  }
0x50: {  	_ =	shalt  }
0x51: {  	_ =	shalt  }
0x52: {  	_ =	shalt  }
0x53: {  	_ =	shalt  }
0x54: {  	_ =	shalt  }
0x55: {  	_ =	shalt  }
0x56: {  	_ =	shalt  }
0x57: {  	_ =	shalt  }
0x58: {  	_ =	shalt  }
0x59: {  	_ =	shalt  }
0x5a: {  	_ =	shalt  }
0x5b: {  	_ =	shalt  }
0x5c: {  	_ =	shalt  }
0x5d: {  	_ =	shalt  }
0x5e: {  	_ =	shalt  }
0x5f: {  	_ =	shalt  }
0x60: {  	_ =	shalt  }
0x61: {  	_ =	shalt  }
0x62: {  	_ =	shalt  }
0x63: {  	_ =	shalt  }
0x64: {  	_ =	shalt  }
0x65: {  	_ =	shalt  }
0x66: {  	_ =	shalt  }
0x67: {  	_ =	shalt  }
0x68: {  	_ =	shalt  }
0x69: {  	_ =	shalt  }
0x6a: {  	_ =	shalt  }
0x6b: {  	_ =	shalt  }
0x6c: {  	_ =	shalt  }
0x6d: {  	_ =	shalt  }
0x6e: {  	_ =	shalt  }
0x6f: {  	_ =	shalt  }
0x70: {  	_ =	shalt  }
0x71: {  	_ =	shalt  }
0x72: {  	_ =	shalt  }
0x73: {  	_ =	shalt  }
0x74: {  	_ =	shalt  }
0x75: {  	_ =	shalt  }
0x76: {  	_ =	shalt  }
0x77: {  	_ =	shalt  }
0x78: {  	_ =	shalt  }
0x79: {  	_ =	shalt  }
0x7a: {  	_ =	shalt  }
0x7b: {  	_ =	shalt  }
0x7c: {  	_ =	shalt  }
0x7d: {  	_ =	shalt  }
0x7e: {  	_ =	shalt  }
0x7f: {  	_ =	shalt  }
0x80: {  	_ =	shalt  }
0x81: {  	_ =	shalt  }
0x82: {  	_ =	shalt  }
0x83: {  	_ =	shalt  }
0x84: {  	_ =	shalt  }
0x85: {  	_ =	shalt  }
0x86: {  	_ =	shalt  }
0x87: {  	_ =	shalt  }
.Lfunc_end0:
.L_simem_size_0:
called_computation.1_lowered:
.L_overlay_start_0:
0x88: {  	s2 =	sld [smem:$0x3FD9]  }
0x89: {  	s3 =	sld [smem:$0x3FFE];
	_ =	sdelay $0x1  }
0x8a: {  	s1 =	srdreg.scid  }
0x8b: {  	s0 =	sand.u32 $0x1, s1  }
0x8c: {  	s17 =	sshll.u32 s0, $0xA;
	s2 =	sadd.s32 s3, s2  }
0x8d: {  	s2 =	sadd.s32 s2, s17  }
0x8e: {  	[smem:$0x3FB5] =	sst s2  }
0x8f: {  	_ = 	snop  }
0x90: {  	s2 =	sld [smem:$0x3FD0];
	(tm) =	ssettm $0x1  }
0x91: {  	s18 =	sld [smem:$0x3FFB];
	_ =	sdelay $0x3  }
0x92: {  	_ =	strace s18  }
0x93: {  	s3 =	sld [smem:$0x3FFC];
	_ =	sdelay $0x3  }
0x94: {  	_ =	strace s3  }
0x95: {  	s3 =	sld [smem:$0x3FFD];
	_ =	sdelay $0x3  }
0x96: {  	_ =	strace s3  }
0x97: {  	_ =	strace $0x8FFFFFFF  }
0x98: {  	s19 =	sld [smem:$0x3FDB];
	_ =	sdelay $0x1  }
0x99: {  	s4 =	simm.s32 $_scs_section_size  }
0x9a: {  	s5 =	simm.s32 $_size__tile_overlayer_lowered;
	s6 =	simm.s32 $_tile_overlayer_lowered  }
0x9b: {  	s22 =	simm.s32 $0x1BFF;
	s21 =	sshll.u32 s6, $0x1;
	s3 =	sadd.s32 s4, s19  }
0x9c: {  	s7 =	simm.s32 $0x0;
	s20 =	sshll.u32 s5, $0x1;
	s5 =	sadd.s32 s21, s3  }
0x9d: {  	[timem:s7], [sflag:s22] =	dma.local [hbm:s5], s20  }
0x9e: {  	_ =	swait.ge [sflag:s22], s20  }
0x9f: {  	s4 =	ssub.s32 $0x0, s20;
	[sflag:s22] =	ssyncset.done $0x0  }
0xa0: {  	[sflag:s22] =	ssyncadd.s32 s4;
	_ =	sdelay $0x1  }
0xa1: {  	s23 =	simm.s32 $0x1B8B  }
0xa2: {  	_ =	swait.ge [sflag:s23], $0x1  }
0xa3: {  	[sflag:s23] =	ssyncset.done $0x0  }
0xa4: {  	s25 =	simm.s32 $0x1B8E;
	s24 =	sld [smem:$0x3FFE];
	[sflag:s23] =	ssyncadd.s32 $0xFFFFFFFF  }
0xa5: {  	s26 =	simm.s32 $execute0_lowered;
	[smem:$0x3FD2] =	sst s25  }
0xa6: {  	s5 =	sshll.u32 s26, $0x1;
	_ =	strace $0x80000049;
	[dreg:$0x1] =	wrdreg $0xFFFFFFFF  }
0xa7: {  	s28 =	simm.s32 $_size_execute0_lowered;
	s3 =	sadd.s32 s3, s5;
	[dreg:$0x0] =	wrdreg $0x0  }
0xa8: {  	s5 =	sshll.u32 s28, $0x1;
	[dreg:$0x2] =	wrdreg s3  }
0xa9: {  	[dreg:$0x3] =	wrdreg s5  }
0xaa: {  	[dreg:$0x4] =	wrdreg $0xC0  }
0xab: {  	_ =	task [dreg:s7], $0x5FFFF  }
0xac: {  	[dreg:$0x1] =	wrdreg $0xFFFFFFFF  }
0xad: {  	[dreg:$0x0] =	wrdreg $0x60  }
0xae: {  	[dreg:$0x2] =	wrdreg s24  }
0xaf: {  	[dreg:$0x3] =	wrdreg s2  }
0xb0: {  	[dreg:$0x4] =	wrdreg $0x8F000  }
0xb1: {  	[dreg:$0x5] =	wrdreg $0x1CF800  }
0xb2: {  	[dreg:$0x6] =	wrdreg $0x9  }
0xb3: {  	_ =	task.clear_ibuf [dreg:s7], $0x7FFFF;
	_ =	strace $0x90000049  }
0xb4: {  	s29 =	simm.s32 $0x9;
	_ =	strace $0x8000004B  }
0xb5: {  	_ =	swait.ge [sflag:s29], $0x1  }
0xb6: {  	[sflag:s29] =	ssyncadd.s32 $0xFFFFFFFF  }
0xb7: {  	_ =	strace $0x9000004B  }
0xb8: {  	_ =	sfence  }
0xb9: {  	s30 =	sld [smem:$0x0];
	_ =	sdelay $0x2  }
0xba: {  	s31 =	sshll.u32 s1, $0xD;
	s1 =	sshrl.u32 s1, $0x2  }
0xbb: {  	s3 =	sand.u32 $0x4000, s31;
	s1 =	sadd.s32 s1, s30  }
0xbc: {  	s0 =	sor.u32 s3, s0;
	s1 =	sshll.u32 s1, $0x11  }
0xbd: {  	s0 =	sor.u32 s1, s0  }
0xbe: {  	s0 =	sadd.s32 $0x8F2B, s0  }
0xbf: {  	[sflag:s0] =	ssyncadd.remote.s32 $0x1  }
0xc0: {  	_ =	sfence.sel $0xFFFF  }
0xc1: {  	[dreg:$0x0] =	wrdreg $0xFFFFFFFF;
	(pc) =	sbr.abs _section_cstart, $3  }
0xc2: {  	[dreg:$0x1] =	wrdreg $0xFFFFFFFF  }
0xc3: {  	_ =	task.clear_ibuf [dreg:s7], $0x2FFFF;
	_ =	strace $0x9FFFFFFF  }
0xc4: {  	(tm) =	ssettm $0x7FFFFFFF  }
0xc5: {  	_ =	shalt  }
tec
execute0_lowered:
.L_overlay_start_1:
0x0: {  	(tag) =	ssettag $0x1  }
0x1: {  	s7 =	rddreg [dreg:$0x0]  }
0x2: {  	s13 =	rddreg [dreg:$0x1]  }
0x3: {  	s2 =	rddreg [dreg:$0x2];
	s1 =	srdreg.scid  }
0x4: {  	s0 =	stileid.u32;
	s3 =	rddreg [dreg:$0x3]  }
0x5: {  	s4 =	simm.s32 $0x0;
	s20 =	simm.s32 $0x4F00;
	s21 =	simm.s32 $0x1  }
0x6: {  	s22 =	simm.s32 $0x1CF00;
	s23 =	simm.s32 $0x2;
	s24 =	simm.s32 $0x0  }
0x7: {  	s8 =	sand.u32 $0x1, s1;
	s1 =	rddreg [dreg:$0x4];
	s10 =	smul.u32 $0x14000, s0  }
0x8: {  	s5 =	sshll.u32 s0, $0x1;
	[smem:$0x7FF] =	sst s4;
	s14 =	smul.u32 $0x280, s0  }
0x9: {  	s6 =	sadd.s32 $0x19E00, s7;
	s30 =	sshll.u32 s0, $0x6;
	s11 =	smul.u32 $0x140000, s8  }
0xa: {  	s5 =	sor.u32 s8, s5;
	_ =	strace $0x8000004A;
	s31 =	smul.u32 $0x2800, s8  }
0xb: {  	s15 =	ssub.s32 $0x2, s8;
	s8 =	sor.u32 $0x1C03, s30;
	s9 =	smul.u32 $0x4F0, s5  }
0xc: {  	s5 =	sadd.s32 $0x6A400, s7;
	s28 =	sshrl.u32 s10, $0x3;
	s16 =	sshrl.u32 s14, $0x3  }
0xd: {  	s17 =	sshrl.u32 s15, $0x1;
	s29 =	sadd.s32 s10, s2;
	s19 =	sadd.s32 s14, s3  }
0xe: {  	s11 =	sadd.s32 s10, s11;
	s16 =	sadd.s32 s16, s7;
	s15 =	ssub.s32 s15, s17  }
0xf: {  	s14 =	sadd.s32 s14, s31;
	s17 =	simm.s32 $0x2780;
	s12 =	sadd.s32 s9, s7  }
0x10: {  	s9 =	sadd.s32 s28, s7;
	s11 =	sshrl.u32 s11, $0x3;
	s14 =	sshrl.u32 s14, $0x3  }
0x11: {  	s18 =	sadd.s32 s11, s7;
	s7 =	sadd.s32 $0x42400, s9;
	s9 =	sadd.s32 $0x10000, s12  }
0x12: {  	s10 =	sadd.s32 $0x6200, s12;
	s11 =	sadd.s32 $0x41E00, s16;
	s13 =	sadd.s32 s13, s14  }
0x13: {  	s14 =	smax.u32 s15, $0x1;
	s15 =	sshrl.u32 s29, $0x3;
	s16 =	simm.s32 $0x3  }
0x14: {  	s12 =	sadd.s32 $0x92400, s18;
	s18 =	sshrl.u32 s19, $0x3;
	s19 =	simm.s32 $0x80  }
.LBB2_1:
0x15: {  	[spmem:s15], [sflag:s8] =	dma.local [hbm:s7], $0x2800  }
0x16: {  	_ =	swait.ge [sflag:s16], $0x2800  }
0x17: {  	[sflag:s16] =	ssyncset.done $0x0  }
0x18: {  	[sflag:s16] =	ssyncadd.s32 $0xFFFFD800  }
0x19: {  	[tilespmem:s4], [sflag:$0x3] =	stream.linear.gather [hbm4b:s9+s4], $0x2780, $0x38;
	[tilespmem:$0x1D200] =	vst v63  }
0x1a: {  	_ =	swait.ge [sflag:s16], $0x2780  }
0x1b: {  	[sflag:s16] =	ssyncset.done $0x0  }
0x1c: {  	[sflag:s16] =	ssyncadd.s32 $0xFFFFD880  }
0x1d: {  	[tilespmem:s17], [sflag:$0x3] =	stream.linear.gather [hbm4b:s10+s4], $0x2780, $0x38;
	[tilespmem:$0x1D200] =	vst v63  }
0x1e: {  	_ =	swait.ge [sflag:s16], $0x2780  }
0x1f: {  	[sflag:s16] =	ssyncset.done $0x0  }
0x20: {  	[sflag:s16] =	ssyncadd.s32 $0xFFFFD880  }
0x21: {  	[spmem:s18], [sflag:s8] =	dma.local [hbm:s11], $0x50  }
0x22: {  	_ =	swait.ge [sflag:s16], $0x50  }
0x23: {  	[sflag:s16] =	ssyncset.done $0x0  }
0x24: {  	[sflag:s16] =	ssyncadd.s32 $0xFFFFFFB0  }
0x25: {  	s25 =	simm.s32 $0x0;
	[bflag:$0x0] =	sbarrier.arrive $0xFFFF  }
0x26: {  	[tilespmem:s20], [sflag:$0x1] =	stream.indirect.gather [hbm4b:s5+s19], $0x80, s25, s19, $0xb8;
	[tilespmem:$0x1D200] =	vst v63  }
0x27: {  	_ =	swait.ge [sflag:s21], $0x4000  }
0x28: {  	[sflag:s21] =	ssyncset.done $0x0  }
0x29: {  	[sflag:s21] =	ssyncadd.s32 $0xFFFFC000  }
0x2a: {  	[tilespmem:s22], [sflag:$0x2] =	stream.indirect.gather [hbm4b:s6+s19], $0x1, s25, s19, $0xb8;
	[tilespmem:$0x1D200] =	vst v63  }
0x2b: {  	_ =	swait.ge [sflag:s23], $0x80  }
0x2c: {  	[sflag:s23] =	ssyncset.done $0x0  }
0x2d: {  	s31 =	simm.s32 $0x2780;
	[sflag:s23] =	ssyncadd.s32 $0xFFFFFF80  }
0x2e: {  	[spmem:s2] =	stream.indirect.scatter.add.f32 [tilespmem:s20], [sflag:$0x3], $0x80, s31, s19, $0xb8;
	[tilespmem:$0x1D200] =	vst v63  }
0x2f: {  	_ =	swait.ge [sflag:s16], $0x4000  }
0x30: {  	[sflag:s16] =	ssyncset.done $0x0  }
0x31: {  	[sflag:s16] =	ssyncadd.s32 $0xFFFFC000  }
0x32: {  	[spmem:s3] =	stream.indirect.scatter.add.f32 [tilespmem:s22], [sflag:$0x3], $0x1, s31, s19, $0xb8;
	[tilespmem:$0x1D200] =	vst v63  }
0x33: {  	_ =	swait.ge [sflag:s16], $0x80  }
0x34: {  	s26 =	simm.s32 $0x400;
	s25 =	simm.s32 $0x200;
	[sflag:s16] =	ssyncset.done $0x0  }
.LBB2_2:
0x35: {  	s28 =	sshra.s32 s25, $0x2  }
0x36: {  	[sflag:s16] =	ssyncadd.s32 $0xFFFFFF80;
	s25 =	smov.u32 s26;
	s29 =	sadd.s32 $0x200, s26  }
0x37: {  	[tilespmem:s20], [sflag:$0x1] =	stream.indirect.gather [hbm4b:s5+s19], $0x80, s28, s19, $0xb8;
	[tilespmem:$0x1D200] =	vst v63  }
0x38: {  	p0 =	sne.s32 s26, $0x9C00;
	_ =	swait.ge [sflag:s21], $0x4000  }
0x39: {  	[sflag:s21] =	ssyncset.done $0x0  }
0x3a: {  	[sflag:s21] =	ssyncadd.s32 $0xFFFFC000  }
0x3b: {  	[tilespmem:s22], [sflag:$0x2] =	stream.indirect.gather [hbm4b:s6+s19], $0x1, s28, s19, $0xb8;
	[tilespmem:$0x1D200] =	vst v63  }
0x3c: {  	_ =	swait.ge [sflag:s23], $0x80  }
0x3d: {  	[sflag:s23] =	ssyncset.done $0x0  }
0x3e: {  	s26 =	sadd.s32 $0x2780, s28;
	[sflag:s23] =	ssyncadd.s32 $0xFFFFFF80  }
0x3f: {  	[spmem:s2] =	stream.indirect.scatter.add.f32 [tilespmem:s20], [sflag:$0x3], $0x80, s26, s19, $0xb8;
	[tilespmem:$0x1D200] =	vst v63  }
0x40: {  	_ =	swait.ge [sflag:s16], $0x4000  }
.Ltmp0:
0x41: {  	[sflag:s16] =	ssyncset.done $0x0;
	(pc) =	sbr.rel @p0 .LBB2_2-.Ltmp0, $4  }
0x42: {  	[sflag:s16] =	ssyncadd.s32 $0xFFFFC000  }
0x43: {  	[spmem:s3] =	stream.indirect.scatter.add.f32 [tilespmem:s22], [sflag:$0x3], $0x1, s26, s19, $0xb8;
	[tilespmem:$0x1D200] =	vst v63  }
0x44: {  	_ =	swait.ge [sflag:s16], $0x80  }
0x45: {  	s26 =	smov.u32 s29;
	[sflag:s16] =	ssyncset.done $0x0  }
0x46: {  	s25 =	sshra.s32 s25, $0x2;
	[sflag:s16] =	ssyncadd.s32 $0xFFFFFF80  }
0x47: {  	[tilespmem:s20], [sflag:$0x1] =	stream.indirect.gather [hbm4b:s5+s19], $0x80, s25, s19, $0xb8;
	[tilespmem:$0x1D200] =	vst v63  }
0x48: {  	_ =	swait.ge [sflag:s21], $0x4000  }
0x49: {  	[sflag:s21] =	ssyncset.done $0x0  }
0x4a: {  	[sflag:s21] =	ssyncadd.s32 $0xFFFFC000  }
0x4b: {  	[tilespmem:s22], [sflag:$0x2] =	stream.indirect.gather [hbm4b:s6+s19], $0x1, s25, s19, $0xb8;
	[tilespmem:$0x1D200] =	vst v63  }
0x4c: {  	_ =	swait.ge [sflag:s23], $0x80  }
0x4d: {  	[sflag:s23] =	ssyncset.done $0x0  }
0x4e: {  	s25 =	sadd.s32 $0x2780, s25;
	[sflag:s23] =	ssyncadd.s32 $0xFFFFFF80  }
0x4f: {  	[spmem:s2] =	stream.indirect.scatter.add.f32 [tilespmem:s20], [sflag:$0x3], $0x80, s25, s19, $0xb8;
	[tilespmem:$0x1D200] =	vst v63  }
0x50: {  	_ =	swait.ge [sflag:s16], $0x4000  }
0x51: {  	[sflag:s16] =	ssyncset.done $0x0  }
0x52: {  	[sflag:s16] =	ssyncadd.s32 $0xFFFFC000  }
0x53: {  	[spmem:s3] =	stream.indirect.scatter.add.f32 [tilespmem:s22], [sflag:$0x3], $0x1, s25, s19, $0xb8;
	[tilespmem:$0x1D200] =	vst v63  }
0x54: {  	_ =	swait.ge [sflag:s16], $0x80  }
0x55: {  	[sflag:s16] =	ssyncset.done $0x0  }
0x56: {  	[sflag:s16] =	ssyncadd.s32 $0xFFFFFF80  }
0x57: {  	[bflag:$0x0] =	sbarrier.arrive $0xFFFF  }
0x58: {  	[hbm:s12], [sflag:s8] =	dma.local [spmem:s15], $0x2800  }
0x59: {  	s24 =	sadd.s32 $0x1, s24;
	_ =	swait.ge [sflag:s16], $0x2800  }
0x5a: {  	p0 =	sne.s32 s24, s14;
	[sflag:s16] =	ssyncset.done $0x0  }
.Ltmp1:
0x5b: {  	[sflag:s16] =	ssyncadd.s32 $0xFFFFD800;
	(pc) =	sbr.rel @p0 .LBB2_1-.Ltmp1, $4  }
0x5c: {  	[hbm:s13], [sflag:s8] =	dma.local [spmem:s18], $0x50  }
0x5d: {  	_ =	swait.ge [sflag:s16], $0x50  }
0x5e: {  	[sflag:s16] =	ssyncset.done $0x0  }
0x5f: {  	[sflag:s16] =	ssyncadd.s32 $0xFFFFFFB0  }
0x60: {  	_ =	sfence.sel $0x180000  }
0x61: {  	[bflag:$0x0] =	sbarrier.arrive $0xFFFF  }
0x62: {  	p0 =	sne.s32 s0, $0x0;
	_ =	strace $0x9000004A  }
0x63: {  	s0 =	sadd.s32 @!p0 $0x100000, s1;
	[bflag:$0x2] =	sbarrier.arrive $0xFFFF  }
0x64: {  	[sflag:s0] =	ssyncadd.tile.s32 @!p0 $0x1;
	_ =	shalt  }
.Lfunc_end2:
_tile_overlayer_lowered:
.L_overlay_start_2:
0x65: {  	(tag) =	ssettag $0x2  }
0x66: {  	s0 =	rddreg [dreg:$0x0];
	s2 =	stileid.u32  }
0x67: {  	s1 =	rddreg [dreg:$0x1];
	p0 =	sne.s32 s2, $0x0  }
0x68: {  	s3 =	rddreg [dreg:$0x2];
	[bflag:$0x3] =	sbarrier.arrive $0xFFFF;
	s2 =	simm.s32 @!p0 $0x1C03  }
0x69: {  	[timem:s3], [sflag:s2] =	dma.local @!p0 [hbm:s0], s1  }
0x6a: {  	s0 =	simm.s32 @!p0 $0x3  }
0x6b: {  	_ =	swait.ge @!p0 [sflag:s0], s1  }
0x6c: {  	s1 =	ssub.s32 @!p0 $0x0, s1;
	[sflag:s0] =	ssyncset.done @!p0 $0x0  }
0x6d: {  	[sflag:s0] =	ssyncadd.s32 @!p0 s1  }
0x6e: {  	[bflag:$0x3] =	sbarrier.arrive $0xFFFF  }
0x6f: {  	_ =	shalt  }

// kernel: kernel.21.cloned.1.call-start
scs
__scs_entry_jumppad:
0x0: {  	(pc) =	sbr.rel $0x88, $3  }
0x1: {  	(tag) =	ssettag $0x0;
	lr =	simm.s32 $0x1  }
0x2: {  	[smem:$0x3F8E] =	sst lr;
	_ =	strace $0xD0000000  }
0x3: {  	_ = 	snop  }
0x4: {  	_ = 	snop  }
0x5: {  	_ = 	snop  }
0x6: {  	_ = 	snop  }
0x7: {  	_ = 	snop  }
__scs_overlays_trampoline_lowered:
0x8: {  	[smem:$0x3F9D] =	sst s0  }
0x9: {  	[smem:$0x3F9E] =	sst s1  }
0xa: {  	[smem:$0x3F9F] =	sst s2  }
0xb: {  	[smem:$0x3FA0] =	sst s3  }
0xc: {  	[smem:$0x3FA1] =	sst s4  }
0xd: {  	[smem:$0x3FA2] =	sst s5  }
0xe: {  	[smem:$0x3FA3] =	sst s6  }
0xf: {  	[smem:$0x3FA4] =	sst s7  }
0x10: {  	[smem:$0x3FA5] =	sst s8  }
0x11: {  	[smem:$0x3FA6] =	sst s9;
	s0 =	simm.s32 @!p0 $0x0  }
0x12: {  	s1 =	sld [smem:$0x3F8C];
	s0 =	simm.s32 @p0 $0x1  }
0x13: {  	[smem:$0x3FA7] =	sst s0;
	s0 =	simm.s32 @!p1 $0x0  }
0x14: {  	s2 =	sld [smem:$0x3F8B];
	s0 =	simm.s32 @p1 $0x1  }
0x15: {  	[smem:$0x3FA8] =	sst s0;
	s0 =	simm.s32 @!p2 $0x0  }
0x16: {  	s3 =	sld [smem:$0x3FDB];
	s0 =	simm.s32 @p2 $0x1  }
0x17: {  	s4 =	simm.s32 $0x1BF5;
	[smem:$0x3FAA] =	sst s0  }
0x18: {  	s0 =	sld [smem:$0x3F8D];
	_ =	swait.ge [sflag:s4], $0x0  }
0x19: {  	s7 =	sld [smem:$0x3F8E]  }
0x1a: {  	s8 =	sadd.s32 $0xFFFFE003, lr  }
0x1b: {  	s9 =	sadd.s32 $0xFFFFFEF7, lr;
	s5 =	simm.s32 $0xFFFFFFFF;
	p2 =	slt.u32 s8, $0xFFFFF086  }
0x1c: {  	p1 =	slt.u32 s9, $0xF7A;
	s5 =	simm.s32 @!p2 $0x0  }
0x1d: {  	s5 =	simm.s32 @p1 $0x1;
	p0 =	seq.s32 s7, s2  }
0x1e: {  	s7 =	smul.u32 @!p0 $0xF7A, s2;
	p2 =	seq.s32 @!p0 s5, $0x0  }
0x1f: {  	s9 =	smul.u32 $0xF7A, s1;
	s8 =	simm.s32 @!p0 $0x1BF5;
	p2 =	por !p2, p0  }
0x20: {  	[sflag:s8] =	ssyncset.s32 @!p0 $0xFFFFF086;
	s6 =	sadd.s32 @!p0 s3, s7;
	s7 =	simm.s32 @!p0 $0x108  }
0x21: {  	s3 =	sadd.s32 s3, s9;
	s6 =	sadd.s32 @!p0 $0x88, s6;
	s7 =	simm.s32 @p2 $0x1082  }
0x22: {  	[simem:s7], [sflag:s8] =	dma.local @!p0 [hbm:s6], $0xF7A  }
0x23: {  	s9 =	sor.u32 $0xD0000000, s2;
	s6 =	simm.s32 $0x108;
	_ =	swait.ge @!p0 [sflag:s8], $0x0  }
0x24: {  	s3 =	sadd.s32 $0x88, s3;
	s6 =	simm.s32 @!p1 $0x1082;
	[sflag:s4] =	ssyncset.s32 $0xFFFFF086  }
0x25: {  	[simem:s6], [sflag:s4] =	dma.local [hbm:s3], $0xF7A  }
0x26: {  	[smem:$0x3F8E] =	sst s1;
	(tag) =	ssettag s2;
	_ =	strace s9  }
0x27: {  	s1 =	sld [smem:$0x3F9E]  }
0x28: {  	s2 =	sld [smem:$0x3F9F]  }
0x29: {  	s4 =	sld [smem:$0x3FA1]  }
0x2a: {  	p0 =	seq.s32 s5, $0x0;
	s5 =	sld [smem:$0x3FA2]  }
0x2b: {  	s6 =	sld [smem:$0x3FA3]  }
0x2c: {  	s7 =	sld [smem:$0x3FA4]  }
0x2d: {  	s3 =	simm.s32 $0x108;
	s8 =	sld [smem:$0x3FA5]  }
0x2e: {  	s3 =	simm.s32 @!p0 $0x1082;
	s9 =	sld [smem:$0x3FA6]  }
0x2f: {  	lr =	sadd.s32 s0, s3;
	s0 =	sld [smem:$0x3F9D]  }
0x30: {  	s3 =	sld [smem:$0x3FA0]  }
0x31: {  	[smem:$0x3FA9] =	sst s10  }
0x32: {  	s10 =	sld [smem:$0x3FA7];
	_ =	sdelay $0x3  }
0x33: {  	p0 =	seq.s32 s10, $0x1;
	s10 =	sld [smem:$0x3FA9];
	_ =	sdelay $0x3  }
0x34: {  	[smem:$0x3FA9] =	sst s10  }
0x35: {  	s10 =	sld [smem:$0x3FA8];
	_ =	sdelay $0x3  }
0x36: {  	p1 =	seq.s32 s10, $0x1;
	s10 =	sld [smem:$0x3FA9];
	_ =	sdelay $0x3  }
0x37: {  	[smem:$0x3FA9] =	sst s10  }
0x38: {  	s10 =	sld [smem:$0x3FAA]  }
0x39: {  	_ = 	snop;
	(pc) =	sbr.ind lr, $3  }
0x3a: {  	_ = 	snop  }
0x3b: {  	_ = 	snop  }
0x3c: {  	p2 =	seq.s32 s10, $0x1;
	s10 =	sld [smem:$0x3FA9]  }
0x3d: {  	_ =	shalt  }
0x3e: {  	_ =	shalt  }
0x3f: {  	_ =	shalt  }
0x40: {  	_ =	shalt  }
0x41: {  	_ =	shalt  }
0x42: {  	_ =	shalt  }
0x43: {  	_ =	shalt  }
0x44: {  	_ =	shalt  }
0x45: {  	_ =	shalt  }
0x46: {  	_ =	shalt  }
0x47: {  	_ =	shalt  }
0x48: {  	_ =	shalt  }
0x49: {  	_ =	shalt  }
0x4a: {  	_ =	shalt  }
0x4b: {  	_ =	shalt  }
0x4c: {  	_ =	shalt  }
0x4d: {  	_ =	shalt  }
0x4e: {  	_ =	shalt  }
0x4f: {  	_ =	shalt  }
0x50: {  	_ =	shalt  }
0x51: {  	_ =	shalt  }
0x52: {  	_ =	shalt  }
0x53: {  	_ =	shalt  }
0x54: {  	_ =	shalt  }
0x55: {  	_ =	shalt  }
0x56: {  	_ =	shalt  }
0x57: {  	_ =	shalt  }
0x58: {  	_ =	shalt  }
0x59: {  	_ =	shalt  }
0x5a: {  	_ =	shalt  }
0x5b: {  	_ =	shalt  }
0x5c: {  	_ =	shalt  }
0x5d: {  	_ =	shalt  }
0x5e: {  	_ =	shalt  }
0x5f: {  	_ =	shalt  }
0x60: {  	_ =	shalt  }
0x61: {  	_ =	shalt  }
0x62: {  	_ =	shalt  }
0x63: {  	_ =	shalt  }
0x64: {  	_ =	shalt  }
0x65: {  	_ =	shalt  }
0x66: {  	_ =	shalt  }
0x67: {  	_ =	shalt  }
0x68: {  	_ =	shalt  }
0x69: {  	_ =	shalt  }
0x6a: {  	_ =	shalt  }
0x6b: {  	_ =	shalt  }
0x6c: {  	_ =	shalt  }
0x6d: {  	_ =	shalt  }
0x6e: {  	_ =	shalt  }
0x6f: {  	_ =	shalt  }
0x70: {  	_ =	shalt  }
0x71: {  	_ =	shalt  }
0x72: {  	_ =	shalt  }
0x73: {  	_ =	shalt  }
0x74: {  	_ =	shalt  }
0x75: {  	_ =	shalt  }
0x76: {  	_ =	shalt  }
0x77: {  	_ =	shalt  }
0x78: {  	_ =	shalt  }
0x79: {  	_ =	shalt  }
0x7a: {  	_ =	shalt  }
0x7b: {  	_ =	shalt  }
0x7c: {  	_ =	shalt  }
0x7d: {  	_ =	shalt  }
0x7e: {  	_ =	shalt  }
0x7f: {  	_ =	shalt  }
0x80: {  	_ =	shalt  }
0x81: {  	_ =	shalt  }
0x82: {  	_ =	shalt  }
0x83: {  	_ =	shalt  }
0x84: {  	_ =	shalt  }
0x85: {  	_ =	shalt  }
0x86: {  	_ =	shalt  }
0x87: {  	_ =	shalt  }
.Lfunc_end0:
.L_simem_size_0:
called_computation.2_lowered:
.L_overlay_start_0:
0x88: {  	s2 =	sld [smem:$0x3FD9]  }
0x89: {  	s3 =	sld [smem:$0x3FFE];
	_ =	sdelay $0x1  }
0x8a: {  	s1 =	srdreg.scid  }
0x8b: {  	s0 =	sand.u32 $0x1, s1  }
0x8c: {  	s17 =	sshll.u32 s0, $0xA;
	s2 =	sadd.s32 s3, s2  }
0x8d: {  	s2 =	sadd.s32 s2, s17  }
0x8e: {  	[smem:$0x3FB5] =	sst s2  }
0x8f: {  	_ = 	snop  }
0x90: {  	s2 =	sld [smem:$0x3FD0];
	(tm) =	ssettm $0x1  }
0x91: {  	s18 =	sld [smem:$0x3FFB];
	_ =	sdelay $0x3  }
0x92: {  	_ =	strace s18  }
0x93: {  	s3 =	sld [smem:$0x3FFC];
	_ =	sdelay $0x3  }
0x94: {  	_ =	strace s3  }
0x95: {  	s3 =	sld [smem:$0x3FFD];
	_ =	sdelay $0x3  }
0x96: {  	_ =	strace s3  }
0x97: {  	_ =	strace $0x8FFFFFFF  }
0x98: {  	s19 =	sld [smem:$0x3FDB];
	_ =	sdelay $0x1  }
0x99: {  	s4 =	simm.s32 $_scs_section_size  }
0x9a: {  	s5 =	simm.s32 $_size__tile_overlayer_lowered;
	s6 =	simm.s32 $_tile_overlayer_lowered  }
0x9b: {  	s22 =	simm.s32 $0x1BFF;
	s21 =	sshll.u32 s6, $0x1;
	s3 =	sadd.s32 s4, s19  }
0x9c: {  	s7 =	simm.s32 $0x0;
	s20 =	sshll.u32 s5, $0x1;
	s5 =	sadd.s32 s21, s3  }
0x9d: {  	[timem:s7], [sflag:s22] =	dma.local [hbm:s5], s20  }
0x9e: {  	_ =	swait.ge [sflag:s22], s20  }
0x9f: {  	s4 =	ssub.s32 $0x0, s20;
	[sflag:s22] =	ssyncset.done $0x0  }
0xa0: {  	[sflag:s22] =	ssyncadd.s32 s4;
	_ =	sdelay $0x1  }
0xa1: {  	s23 =	simm.s32 $0x1B8B  }
0xa2: {  	_ =	swait.ge [sflag:s23], $0x1  }
0xa3: {  	[sflag:s23] =	ssyncset.done $0x0  }
0xa4: {  	s25 =	simm.s32 $0x1B8E;
	s24 =	sld [smem:$0x3FFE];
	[sflag:s23] =	ssyncadd.s32 $0xFFFFFFFF  }
0xa5: {  	s26 =	simm.s32 $execute0_lowered;
	[smem:$0x3FD2] =	sst s25  }
0xa6: {  	s5 =	sshll.u32 s26, $0x1;
	_ =	strace $0x8000004C;
	[dreg:$0x1] =	wrdreg $0xFFFFFFFF  }
0xa7: {  	s28 =	simm.s32 $_size_execute0_lowered;
	s3 =	sadd.s32 s3, s5;
	[dreg:$0x0] =	wrdreg $0x0  }
0xa8: {  	s5 =	sshll.u32 s28, $0x1;
	[dreg:$0x2] =	wrdreg s3  }
0xa9: {  	[dreg:$0x3] =	wrdreg s5  }
0xaa: {  	[dreg:$0x4] =	wrdreg $0xC0  }
0xab: {  	_ =	task [dreg:s7], $0x5FFFF  }
0xac: {  	[dreg:$0x1] =	wrdreg $0xFFFFFFFF  }
0xad: {  	[dreg:$0x0] =	wrdreg $0x60  }
0xae: {  	[dreg:$0x2] =	wrdreg s24  }
0xaf: {  	[dreg:$0x3] =	wrdreg s2  }
0xb0: {  	[dreg:$0x4] =	wrdreg $0x8F000  }
0xb1: {  	[dreg:$0x5] =	wrdreg $0x1CF800  }
0xb2: {  	[dreg:$0x6] =	wrdreg $0x9  }
0xb3: {  	_ =	task.clear_ibuf [dreg:s7], $0x7FFFF;
	_ =	strace $0x9000004C  }
0xb4: {  	s29 =	simm.s32 $0x9;
	_ =	strace $0x8000004E  }
0xb5: {  	_ =	swait.ge [sflag:s29], $0x1  }
0xb6: {  	[sflag:s29] =	ssyncadd.s32 $0xFFFFFFFF  }
0xb7: {  	_ =	strace $0x9000004E  }
0xb8: {  	_ =	sfence  }
0xb9: {  	s30 =	sld [smem:$0x0];
	_ =	sdelay $0x2  }
0xba: {  	s31 =	sshll.u32 s1, $0xD;
	s1 =	sshrl.u32 s1, $0x2  }
0xbb: {  	s3 =	sand.u32 $0x4000, s31;
	s1 =	sadd.s32 s1, s30  }
0xbc: {  	s0 =	sor.u32 s3, s0;
	s1 =	sshll.u32 s1, $0x11  }
0xbd: {  	s0 =	sor.u32 s1, s0  }
0xbe: {  	s0 =	sadd.s32 $0x8F2B, s0  }
0xbf: {  	[sflag:s0] =	ssyncadd.remote.s32 $0x1  }
0xc0: {  	_ =	sfence.sel $0xFFFF  }
0xc1: {  	[dreg:$0x0] =	wrdreg $0xFFFFFFFF;
	(pc) =	sbr.abs _section_cstart, $3  }
0xc2: {  	[dreg:$0x1] =	wrdreg $0xFFFFFFFF  }
0xc3: {  	_ =	task.clear_ibuf [dreg:s7], $0x2FFFF;
	_ =	strace $0x9FFFFFFF  }
0xc4: {  	(tm) =	ssettm $0x7FFFFFFF  }
0xc5: {  	_ =	shalt  }
tec
execute0_lowered:
.L_overlay_start_1:
0x0: {  	(tag) =	ssettag $0x1  }
0x1: {  	s7 =	rddreg [dreg:$0x0]  }
0x2: {  	s13 =	rddreg [dreg:$0x1]  }
0x3: {  	s2 =	rddreg [dreg:$0x2];
	s1 =	srdreg.scid  }
0x4: {  	s0 =	stileid.u32;
	s3 =	rddreg [dreg:$0x3]  }
0x5: {  	s4 =	simm.s32 $0x0;
	s20 =	simm.s32 $0x4F00;
	s21 =	simm.s32 $0x1  }
0x6: {  	s22 =	simm.s32 $0x1CF00;
	s23 =	simm.s32 $0x2;
	s24 =	simm.s32 $0x0  }
0x7: {  	s8 =	sand.u32 $0x1, s1;
	s1 =	rddreg [dreg:$0x4];
	s10 =	smul.u32 $0x14000, s0  }
0x8: {  	s5 =	sshll.u32 s0, $0x1;
	[smem:$0x7FF] =	sst s4;
	s14 =	smul.u32 $0x280, s0  }
0x9: {  	s6 =	sadd.s32 $0x19E00, s7;
	s30 =	sshll.u32 s0, $0x6;
	s11 =	smul.u32 $0x140000, s8  }
0xa: {  	s5 =	sor.u32 s8, s5;
	_ =	strace $0x8000004D;
	s31 =	smul.u32 $0x2800, s8  }
0xb: {  	s15 =	ssub.s32 $0x2, s8;
	s8 =	sor.u32 $0x1C03, s30;
	s9 =	smul.u32 $0x4F0, s5  }
0xc: {  	s5 =	sadd.s32 $0x6A400, s7;
	s28 =	sshrl.u32 s10, $0x3;
	s16 =	sshrl.u32 s14, $0x3  }
0xd: {  	s17 =	sshrl.u32 s15, $0x1;
	s29 =	sadd.s32 s10, s2;
	s19 =	sadd.s32 s14, s3  }
0xe: {  	s11 =	sadd.s32 s10, s11;
	s16 =	sadd.s32 s16, s7;
	s15 =	ssub.s32 s15, s17  }
0xf: {  	s14 =	sadd.s32 s14, s31;
	s17 =	simm.s32 $0x2780;
	s12 =	sadd.s32 s9, s7  }
0x10: {  	s9 =	sadd.s32 s28, s7;
	s11 =	sshrl.u32 s11, $0x3;
	s14 =	sshrl.u32 s14, $0x3  }
0x11: {  	s18 =	sadd.s32 s11, s7;
	s7 =	sadd.s32 $0x42400, s9;
	s9 =	sadd.s32 $0x10000, s12  }
0x12: {  	s10 =	sadd.s32 $0x6200, s12;
	s11 =	sadd.s32 $0x41E00, s16;
	s13 =	sadd.s32 s13, s14  }
0x13: {  	s14 =	smax.u32 s15, $0x1;
	s15 =	sshrl.u32 s29, $0x3;
	s16 =	simm.s32 $0x3  }
0x14: {  	s12 =	sadd.s32 $0x92400, s18;
	s18 =	sshrl.u32 s19, $0x3;
	s19 =	simm.s32 $0x80  }
.LBB2_1:
0x15: {  	[spmem:s15], [sflag:s8] =	dma.local [hbm:s7], $0x2800  }
0x16: {  	_ =	swait.ge [sflag:s16], $0x2800  }
0x17: {  	[sflag:s16] =	ssyncset.done $0x0  }
0x18: {  	[sflag:s16] =	ssyncadd.s32 $0xFFFFD800  }
0x19: {  	[tilespmem:s4], [sflag:$0x3] =	stream.linear.gather [hbm4b:s9+s4], $0x2780, $0x38;
	[tilespmem:$0x1D200] =	vst v63  }
0x1a: {  	_ =	swait.ge [sflag:s16], $0x2780  }
0x1b: {  	[sflag:s16] =	ssyncset.done $0x0  }
0x1c: {  	[sflag:s16] =	ssyncadd.s32 $0xFFFFD880  }
0x1d: {  	[tilespmem:s17], [sflag:$0x3] =	stream.linear.gather [hbm4b:s10+s4], $0x2780, $0x38;
	[tilespmem:$0x1D200] =	vst v63  }
0x1e: {  	_ =	swait.ge [sflag:s16], $0x2780  }
0x1f: {  	[sflag:s16] =	ssyncset.done $0x0  }
0x20: {  	[sflag:s16] =	ssyncadd.s32 $0xFFFFD880  }
0x21: {  	[spmem:s18], [sflag:s8] =	dma.local [hbm:s11], $0x50  }
0x22: {  	_ =	swait.ge [sflag:s16], $0x50  }
0x23: {  	[sflag:s16] =	ssyncset.done $0x0  }
0x24: {  	[sflag:s16] =	ssyncadd.s32 $0xFFFFFFB0  }
0x25: {  	s25 =	simm.s32 $0x0;
	[bflag:$0x0] =	sbarrier.arrive $0xFFFF  }
0x26: {  	[tilespmem:s20], [sflag:$0x1] =	stream.indirect.gather [hbm4b:s5+s19], $0x80, s25, s19, $0xb8;
	[tilespmem:$0x1D200] =	vst v63  }
0x27: {  	_ =	swait.ge [sflag:s21], $0x4000  }
0x28: {  	[sflag:s21] =	ssyncset.done $0x0  }
0x29: {  	[sflag:s21] =	ssyncadd.s32 $0xFFFFC000  }
0x2a: {  	[tilespmem:s22], [sflag:$0x2] =	stream.indirect.gather [hbm4b:s6+s19], $0x1, s25, s19, $0xb8;
	[tilespmem:$0x1D200] =	vst v63  }
0x2b: {  	_ =	swait.ge [sflag:s23], $0x80  }
0x2c: {  	[sflag:s23] =	ssyncset.done $0x0  }
0x2d: {  	s31 =	simm.s32 $0x2780;
	[sflag:s23] =	ssyncadd.s32 $0xFFFFFF80  }
0x2e: {  	[spmem:s2] =	stream.indirect.scatter.add.f32 [tilespmem:s20], [sflag:$0x3], $0x80, s31, s19, $0xb8;
	[tilespmem:$0x1D200] =	vst v63  }
0x2f: {  	_ =	swait.ge [sflag:s16], $0x4000  }
0x30: {  	[sflag:s16] =	ssyncset.done $0x0  }
0x31: {  	[sflag:s16] =	ssyncadd.s32 $0xFFFFC000  }
0x32: {  	[spmem:s3] =	stream.indirect.scatter.add.f32 [tilespmem:s22], [sflag:$0x3], $0x1, s31, s19, $0xb8;
	[tilespmem:$0x1D200] =	vst v63  }
0x33: {  	_ =	swait.ge [sflag:s16], $0x80  }
0x34: {  	s26 =	simm.s32 $0x400;
	s25 =	simm.s32 $0x200;
	[sflag:s16] =	ssyncset.done $0x0  }
.LBB2_2:
0x35: {  	s28 =	sshra.s32 s25, $0x2  }
0x36: {  	[sflag:s16] =	ssyncadd.s32 $0xFFFFFF80;
	s25 =	smov.u32 s26;
	s29 =	sadd.s32 $0x200, s26  }
0x37: {  	[tilespmem:s20], [sflag:$0x1] =	stream.indirect.gather [hbm4b:s5+s19], $0x80, s28, s19, $0xb8;
	[tilespmem:$0x1D200] =	vst v63  }
0x38: {  	p0 =	sne.s32 s26, $0x9C00;
	_ =	swait.ge [sflag:s21], $0x4000  }
0x39: {  	[sflag:s21] =	ssyncset.done $0x0  }
0x3a: {  	[sflag:s21] =	ssyncadd.s32 $0xFFFFC000  }
0x3b: {  	[tilespmem:s22], [sflag:$0x2] =	stream.indirect.gather [hbm4b:s6+s19], $0x1, s28, s19, $0xb8;
	[tilespmem:$0x1D200] =	vst v63  }
0x3c: {  	_ =	swait.ge [sflag:s23], $0x80  }
0x3d: {  	[sflag:s23] =	ssyncset.done $0x0  }
0x3e: {  	s26 =	sadd.s32 $0x2780, s28;
	[sflag:s23] =	ssyncadd.s32 $0xFFFFFF80  }
0x3f: {  	[spmem:s2] =	stream.indirect.scatter.add.f32 [tilespmem:s20], [sflag:$0x3], $0x80, s26, s19, $0xb8;
	[tilespmem:$0x1D200] =	vst v63  }
0x40: {  	_ =	swait.ge [sflag:s16], $0x4000  }
.Ltmp0:
0x41: {  	[sflag:s16] =	ssyncset.done $0x0;
	(pc) =	sbr.rel @p0 .LBB2_2-.Ltmp0, $4  }
0x42: {  	[sflag:s16] =	ssyncadd.s32 $0xFFFFC000  }
0x43: {  	[spmem:s3] =	stream.indirect.scatter.add.f32 [tilespmem:s22], [sflag:$0x3], $0x1, s26, s19, $0xb8;
	[tilespmem:$0x1D200] =	vst v63  }
0x44: {  	_ =	swait.ge [sflag:s16], $0x80  }
0x45: {  	s26 =	smov.u32 s29;
	[sflag:s16] =	ssyncset.done $0x0  }
0x46: {  	s25 =	sshra.s32 s25, $0x2;
	[sflag:s16] =	ssyncadd.s32 $0xFFFFFF80  }
0x47: {  	[tilespmem:s20], [sflag:$0x1] =	stream.indirect.gather [hbm4b:s5+s19], $0x80, s25, s19, $0xb8;
	[tilespmem:$0x1D200] =	vst v63  }
0x48: {  	_ =	swait.ge [sflag:s21], $0x4000  }
0x49: {  	[sflag:s21] =	ssyncset.done $0x0  }
0x4a: {  	[sflag:s21] =	ssyncadd.s32 $0xFFFFC000  }
0x4b: {  	[tilespmem:s22], [sflag:$0x2] =	stream.indirect.gather [hbm4b:s6+s19], $0x1, s25, s19, $0xb8;
	[tilespmem:$0x1D200] =	vst v63  }
0x4c: {  	_ =	swait.ge [sflag:s23], $0x80  }
0x4d: {  	[sflag:s23] =	ssyncset.done $0x0  }
0x4e: {  	s25 =	sadd.s32 $0x2780, s25;
	[sflag:s23] =	ssyncadd.s32 $0xFFFFFF80  }
0x4f: {  	[spmem:s2] =	stream.indirect.scatter.add.f32 [tilespmem:s20], [sflag:$0x3], $0x80, s25, s19, $0xb8;
	[tilespmem:$0x1D200] =	vst v63  }
0x50: {  	_ =	swait.ge [sflag:s16], $0x4000  }
0x51: {  	[sflag:s16] =	ssyncset.done $0x0  }
0x52: {  	[sflag:s16] =	ssyncadd.s32 $0xFFFFC000  }
0x53: {  	[spmem:s3] =	stream.indirect.scatter.add.f32 [tilespmem:s22], [sflag:$0x3], $0x1, s25, s19, $0xb8;
	[tilespmem:$0x1D200] =	vst v63  }
0x54: {  	_ =	swait.ge [sflag:s16], $0x80  }
0x55: {  	[sflag:s16] =	ssyncset.done $0x0  }
0x56: {  	[sflag:s16] =	ssyncadd.s32 $0xFFFFFF80  }
0x57: {  	[bflag:$0x0] =	sbarrier.arrive $0xFFFF  }
0x58: {  	[hbm:s12], [sflag:s8] =	dma.local [spmem:s15], $0x2800  }
0x59: {  	s24 =	sadd.s32 $0x1, s24;
	_ =	swait.ge [sflag:s16], $0x2800  }
0x5a: {  	p0 =	sne.s32 s24, s14;
	[sflag:s16] =	ssyncset.done $0x0  }
.Ltmp1:
0x5b: {  	[sflag:s16] =	ssyncadd.s32 $0xFFFFD800;
	(pc) =	sbr.rel @p0 .LBB2_1-.Ltmp1, $4  }
0x5c: {  	[hbm:s13], [sflag:s8] =	dma.local [spmem:s18], $0x50  }
0x5d: {  	_ =	swait.ge [sflag:s16], $0x50  }
0x5e: {  	[sflag:s16] =	ssyncset.done $0x0  }
0x5f: {  	[sflag:s16] =	ssyncadd.s32 $0xFFFFFFB0  }
0x60: {  	_ =	sfence.sel $0x180000  }
0x61: {  	[bflag:$0x0] =	sbarrier.arrive $0xFFFF  }
0x62: {  	p0 =	sne.s32 s0, $0x0;
	_ =	strace $0x9000004D  }
0x63: {  	s0 =	sadd.s32 @!p0 $0x100000, s1;
	[bflag:$0x2] =	sbarrier.arrive $0xFFFF  }
0x64: {  	[sflag:s0] =	ssyncadd.tile.s32 @!p0 $0x1;
	_ =	shalt  }
.Lfunc_end2:
_tile_overlayer_lowered:
.L_overlay_start_2:
0x65: {  	(tag) =	ssettag $0x2  }
0x66: {  	s0 =	rddreg [dreg:$0x0];
	s2 =	stileid.u32  }
0x67: {  	s1 =	rddreg [dreg:$0x1];
	p0 =	sne.s32 s2, $0x0  }
0x68: {  	s3 =	rddreg [dreg:$0x2];
	[bflag:$0x3] =	sbarrier.arrive $0xFFFF;
	s2 =	simm.s32 @!p0 $0x1C03  }
0x69: {  	[timem:s3], [sflag:s2] =	dma.local @!p0 [hbm:s0], s1  }
0x6a: {  	s0 =	simm.s32 @!p0 $0x3  }
0x6b: {  	_ =	swait.ge @!p0 [sflag:s0], s1  }
0x6c: {  	s1 =	ssub.s32 @!p0 $0x0, s1;
	[sflag:s0] =	ssyncset.done @!p0 $0x0  }
0x6d: {  	[sflag:s0] =	ssyncadd.s32 @!p0 s1  }
0x6e: {  	[bflag:$0x3] =	sbarrier.arrive $0xFFFF  }
0x6f: {  	_ =	shalt  }

// kernel: kernel.24.cloned.1.call-start
scs
__scs_entry_jumppad:
0x0: {  	(pc) =	sbr.rel $0x88, $3  }
0x1: {  	(tag) =	ssettag $0x0;
	lr =	simm.s32 $0x1  }
0x2: {  	[smem:$0x3F8E] =	sst lr;
	_ =	strace $0xD0000000  }
0x3: {  	_ = 	snop  }
0x4: {  	_ = 	snop  }
0x5: {  	_ = 	snop  }
0x6: {  	_ = 	snop  }
0x7: {  	_ = 	snop  }
__scs_overlays_trampoline_lowered:
0x8: {  	[smem:$0x3F9D] =	sst s0  }
0x9: {  	[smem:$0x3F9E] =	sst s1  }
0xa: {  	[smem:$0x3F9F] =	sst s2  }
0xb: {  	[smem:$0x3FA0] =	sst s3  }
0xc: {  	[smem:$0x3FA1] =	sst s4  }
0xd: {  	[smem:$0x3FA2] =	sst s5  }
0xe: {  	[smem:$0x3FA3] =	sst s6  }
0xf: {  	[smem:$0x3FA4] =	sst s7  }
0x10: {  	[smem:$0x3FA5] =	sst s8  }
0x11: {  	[smem:$0x3FA6] =	sst s9;
	s0 =	simm.s32 @!p0 $0x0  }
0x12: {  	s1 =	sld [smem:$0x3F8C];
	s0 =	simm.s32 @p0 $0x1  }
0x13: {  	[smem:$0x3FA7] =	sst s0;
	s0 =	simm.s32 @!p1 $0x0  }
0x14: {  	s2 =	sld [smem:$0x3F8B];
	s0 =	simm.s32 @p1 $0x1  }
0x15: {  	[smem:$0x3FA8] =	sst s0;
	s0 =	simm.s32 @!p2 $0x0  }
0x16: {  	s3 =	sld [smem:$0x3FDB];
	s0 =	simm.s32 @p2 $0x1  }
0x17: {  	s4 =	simm.s32 $0x1BF5;
	[smem:$0x3FAA] =	sst s0  }
0x18: {  	s0 =	sld [smem:$0x3F8D];
	_ =	swait.ge [sflag:s4], $0x0  }
0x19: {  	s7 =	sld [smem:$0x3F8E]  }
0x1a: {  	s8 =	sadd.s32 $0xFFFFE003, lr  }
0x1b: {  	s9 =	sadd.s32 $0xFFFFFEF7, lr;
	s5 =	simm.s32 $0xFFFFFFFF;
	p2 =	slt.u32 s8, $0xFFFFF086  }
0x1c: {  	p1 =	slt.u32 s9, $0xF7A;
	s5 =	simm.s32 @!p2 $0x0  }
0x1d: {  	s5 =	simm.s32 @p1 $0x1;
	p0 =	seq.s32 s7, s2  }
0x1e: {  	s7 =	smul.u32 @!p0 $0xF7A, s2;
	p2 =	seq.s32 @!p0 s5, $0x0  }
0x1f: {  	s9 =	smul.u32 $0xF7A, s1;
	s8 =	simm.s32 @!p0 $0x1BF5;
	p2 =	por !p2, p0  }
0x20: {  	[sflag:s8] =	ssyncset.s32 @!p0 $0xFFFFF086;
	s6 =	sadd.s32 @!p0 s3, s7;
	s7 =	simm.s32 @!p0 $0x108  }
0x21: {  	s3 =	sadd.s32 s3, s9;
	s6 =	sadd.s32 @!p0 $0x88, s6;
	s7 =	simm.s32 @p2 $0x1082  }
0x22: {  	[simem:s7], [sflag:s8] =	dma.local @!p0 [hbm:s6], $0xF7A  }
0x23: {  	s9 =	sor.u32 $0xD0000000, s2;
	s6 =	simm.s32 $0x108;
	_ =	swait.ge @!p0 [sflag:s8], $0x0  }
0x24: {  	s3 =	sadd.s32 $0x88, s3;
	s6 =	simm.s32 @!p1 $0x1082;
	[sflag:s4] =	ssyncset.s32 $0xFFFFF086  }
0x25: {  	[simem:s6], [sflag:s4] =	dma.local [hbm:s3], $0xF7A  }
0x26: {  	[smem:$0x3F8E] =	sst s1;
	(tag) =	ssettag s2;
	_ =	strace s9  }
0x27: {  	s1 =	sld [smem:$0x3F9E]  }
0x28: {  	s2 =	sld [smem:$0x3F9F]  }
0x29: {  	s4 =	sld [smem:$0x3FA1]  }
0x2a: {  	p0 =	seq.s32 s5, $0x0;
	s5 =	sld [smem:$0x3FA2]  }
0x2b: {  	s6 =	sld [smem:$0x3FA3]  }
0x2c: {  	s7 =	sld [smem:$0x3FA4]  }
0x2d: {  	s3 =	simm.s32 $0x108;
	s8 =	sld [smem:$0x3FA5]  }
0x2e: {  	s3 =	simm.s32 @!p0 $0x1082;
	s9 =	sld [smem:$0x3FA6]  }
0x2f: {  	lr =	sadd.s32 s0, s3;
	s0 =	sld [smem:$0x3F9D]  }
0x30: {  	s3 =	sld [smem:$0x3FA0]  }
0x31: {  	[smem:$0x3FA9] =	sst s10  }
0x32: {  	s10 =	sld [smem:$0x3FA7];
	_ =	sdelay $0x3  }
0x33: {  	p0 =	seq.s32 s10, $0x1;
	s10 =	sld [smem:$0x3FA9];
	_ =	sdelay $0x3  }
0x34: {  	[smem:$0x3FA9] =	sst s10  }
0x35: {  	s10 =	sld [smem:$0x3FA8];
	_ =	sdelay $0x3  }
0x36: {  	p1 =	seq.s32 s10, $0x1;
	s10 =	sld [smem:$0x3FA9];
	_ =	sdelay $0x3  }
0x37: {  	[smem:$0x3FA9] =	sst s10  }
0x38: {  	s10 =	sld [smem:$0x3FAA]  }
0x39: {  	_ = 	snop;
	(pc) =	sbr.ind lr, $3  }
0x3a: {  	_ = 	snop  }
0x3b: {  	_ = 	snop  }
0x3c: {  	p2 =	seq.s32 s10, $0x1;
	s10 =	sld [smem:$0x3FA9]  }
0x3d: {  	_ =	shalt  }
0x3e: {  	_ =	shalt  }
0x3f: {  	_ =	shalt  }
0x40: {  	_ =	shalt  }
0x41: {  	_ =	shalt  }
0x42: {  	_ =	shalt  }
0x43: {  	_ =	shalt  }
0x44: {  	_ =	shalt  }
0x45: {  	_ =	shalt  }
0x46: {  	_ =	shalt  }
0x47: {  	_ =	shalt  }
0x48: {  	_ =	shalt  }
0x49: {  	_ =	shalt  }
0x4a: {  	_ =	shalt  }
0x4b: {  	_ =	shalt  }
0x4c: {  	_ =	shalt  }
0x4d: {  	_ =	shalt  }
0x4e: {  	_ =	shalt  }
0x4f: {  	_ =	shalt  }
0x50: {  	_ =	shalt  }
0x51: {  	_ =	shalt  }
0x52: {  	_ =	shalt  }
0x53: {  	_ =	shalt  }
0x54: {  	_ =	shalt  }
0x55: {  	_ =	shalt  }
0x56: {  	_ =	shalt  }
0x57: {  	_ =	shalt  }
0x58: {  	_ =	shalt  }
0x59: {  	_ =	shalt  }
0x5a: {  	_ =	shalt  }
0x5b: {  	_ =	shalt  }
0x5c: {  	_ =	shalt  }
0x5d: {  	_ =	shalt  }
0x5e: {  	_ =	shalt  }
0x5f: {  	_ =	shalt  }
0x60: {  	_ =	shalt  }
0x61: {  	_ =	shalt  }
0x62: {  	_ =	shalt  }
0x63: {  	_ =	shalt  }
0x64: {  	_ =	shalt  }
0x65: {  	_ =	shalt  }
0x66: {  	_ =	shalt  }
0x67: {  	_ =	shalt  }
0x68: {  	_ =	shalt  }
0x69: {  	_ =	shalt  }
0x6a: {  	_ =	shalt  }
0x6b: {  	_ =	shalt  }
0x6c: {  	_ =	shalt  }
0x6d: {  	_ =	shalt  }
0x6e: {  	_ =	shalt  }
0x6f: {  	_ =	shalt  }
0x70: {  	_ =	shalt  }
0x71: {  	_ =	shalt  }
0x72: {  	_ =	shalt  }
0x73: {  	_ =	shalt  }
0x74: {  	_ =	shalt  }
0x75: {  	_ =	shalt  }
0x76: {  	_ =	shalt  }
0x77: {  	_ =	shalt  }
0x78: {  	_ =	shalt  }
0x79: {  	_ =	shalt  }
0x7a: {  	_ =	shalt  }
0x7b: {  	_ =	shalt  }
0x7c: {  	_ =	shalt  }
0x7d: {  	_ =	shalt  }
0x7e: {  	_ =	shalt  }
0x7f: {  	_ =	shalt  }
0x80: {  	_ =	shalt  }
0x81: {  	_ =	shalt  }
0x82: {  	_ =	shalt  }
0x83: {  	_ =	shalt  }
0x84: {  	_ =	shalt  }
0x85: {  	_ =	shalt  }
0x86: {  	_ =	shalt  }
0x87: {  	_ =	shalt  }
.Lfunc_end0:
.L_simem_size_0:
called_computation.3_lowered:
.L_overlay_start_0:
0x88: {  	s2 =	sld [smem:$0x3FD9]  }
0x89: {  	s3 =	sld [smem:$0x3FFE];
	_ =	sdelay $0x1  }
0x8a: {  	s1 =	srdreg.scid  }
0x8b: {  	s0 =	sand.u32 $0x1, s1  }
0x8c: {  	s17 =	sshll.u32 s0, $0xA;
	s2 =	sadd.s32 s3, s2  }
0x8d: {  	s2 =	sadd.s32 s2, s17  }
0x8e: {  	[smem:$0x3FB5] =	sst s2  }
0x8f: {  	_ = 	snop  }
0x90: {  	s2 =	sld [smem:$0x3FD0];
	(tm) =	ssettm $0x1  }
0x91: {  	s18 =	sld [smem:$0x3FFB];
	_ =	sdelay $0x3  }
0x92: {  	_ =	strace s18  }
0x93: {  	s3 =	sld [smem:$0x3FFC];
	_ =	sdelay $0x3  }
0x94: {  	_ =	strace s3  }
0x95: {  	s3 =	sld [smem:$0x3FFD];
	_ =	sdelay $0x3  }
0x96: {  	_ =	strace s3  }
0x97: {  	_ =	strace $0x8FFFFFFF  }
0x98: {  	s19 =	sld [smem:$0x3FDB];
	_ =	sdelay $0x1  }
0x99: {  	s4 =	simm.s32 $_scs_section_size  }
0x9a: {  	s5 =	simm.s32 $_size__tile_overlayer_lowered;
	s6 =	simm.s32 $_tile_overlayer_lowered  }
0x9b: {  	s22 =	simm.s32 $0x1BFF;
	s21 =	sshll.u32 s6, $0x1;
	s3 =	sadd.s32 s4, s19  }
0x9c: {  	s7 =	simm.s32 $0x0;
	s20 =	sshll.u32 s5, $0x1;
	s5 =	sadd.s32 s21, s3  }
0x9d: {  	[timem:s7], [sflag:s22] =	dma.local [hbm:s5], s20  }
0x9e: {  	_ =	swait.ge [sflag:s22], s20  }
0x9f: {  	s4 =	ssub.s32 $0x0, s20;
	[sflag:s22] =	ssyncset.done $0x0  }
0xa0: {  	[sflag:s22] =	ssyncadd.s32 s4;
	_ =	sdelay $0x1  }
0xa1: {  	s23 =	simm.s32 $0x1B8B  }
0xa2: {  	_ =	swait.ge [sflag:s23], $0x1  }
0xa3: {  	[sflag:s23] =	ssyncset.done $0x0  }
0xa4: {  	s25 =	simm.s32 $0x1B8E;
	s24 =	sld [smem:$0x3FFE];
	[sflag:s23] =	ssyncadd.s32 $0xFFFFFFFF  }
0xa5: {  	s26 =	simm.s32 $execute0_lowered;
	[smem:$0x3FD2] =	sst s25  }
0xa6: {  	s5 =	sshll.u32 s26, $0x1;
	_ =	strace $0x8000004F;
	[dreg:$0x1] =	wrdreg $0xFFFFFFFF  }
0xa7: {  	s28 =	simm.s32 $_size_execute0_lowered;
	s3 =	sadd.s32 s3, s5;
	[dreg:$0x0] =	wrdreg $0x0  }
0xa8: {  	s5 =	sshll.u32 s28, $0x1;
	[dreg:$0x2] =	wrdreg s3  }
0xa9: {  	[dreg:$0x3] =	wrdreg s5  }
0xaa: {  	[dreg:$0x4] =	wrdreg $0xC0  }
0xab: {  	_ =	task [dreg:s7], $0x5FFFF  }
0xac: {  	[dreg:$0x1] =	wrdreg $0xFFFFFFFF  }
0xad: {  	[dreg:$0x0] =	wrdreg $0x60  }
0xae: {  	[dreg:$0x2] =	wrdreg s24  }
0xaf: {  	[dreg:$0x3] =	wrdreg s2  }
0xb0: {  	[dreg:$0x4] =	wrdreg $0x53000  }
0xb1: {  	[dreg:$0x5] =	wrdreg $0x67800  }
0xb2: {  	[dreg:$0x6] =	wrdreg $0x9  }
0xb3: {  	_ =	task.clear_ibuf [dreg:s7], $0x7FFFF;
	_ =	strace $0x9000004F  }
0xb4: {  	s29 =	simm.s32 $0x9;
	_ =	strace $0x80000051  }
0xb5: {  	_ =	swait.ge [sflag:s29], $0x1  }
0xb6: {  	[sflag:s29] =	ssyncadd.s32 $0xFFFFFFFF  }
0xb7: {  	_ =	strace $0x90000051  }
0xb8: {  	_ =	sfence  }
0xb9: {  	s30 =	sld [smem:$0x0];
	_ =	sdelay $0x2  }
0xba: {  	s31 =	sshll.u32 s1, $0xD;
	s1 =	sshrl.u32 s1, $0x2  }
0xbb: {  	s3 =	sand.u32 $0x4000, s31;
	s1 =	sadd.s32 s1, s30  }
0xbc: {  	s0 =	sor.u32 s3, s0;
	s1 =	sshll.u32 s1, $0x11  }
0xbd: {  	s0 =	sor.u32 s1, s0  }
0xbe: {  	s0 =	sadd.s32 $0x8F2B, s0  }
0xbf: {  	[sflag:s0] =	ssyncadd.remote.s32 $0x1  }
0xc0: {  	_ =	sfence.sel $0xFFFF  }
0xc1: {  	[dreg:$0x0] =	wrdreg $0xFFFFFFFF;
	(pc) =	sbr.abs _section_cstart, $3  }
0xc2: {  	[dreg:$0x1] =	wrdreg $0xFFFFFFFF  }
0xc3: {  	_ =	task.clear_ibuf [dreg:s7], $0x2FFFF;
	_ =	strace $0x9FFFFFFF  }
0xc4: {  	(tm) =	ssettm $0x7FFFFFFF  }
0xc5: {  	_ =	shalt  }
tec
execute0_lowered:
.L_overlay_start_1:
0x0: {  	(tag) =	ssettag $0x1  }
0x1: {  	s7 =	rddreg [dreg:$0x0]  }
0x2: {  	s13 =	rddreg [dreg:$0x1]  }
0x3: {  	s2 =	rddreg [dreg:$0x2];
	s1 =	srdreg.scid  }
0x4: {  	s0 =	stileid.u32;
	s3 =	rddreg [dreg:$0x3]  }
0x5: {  	s4 =	simm.s32 $0x0;
	s20 =	simm.s32 $0x4F00;
	s21 =	simm.s32 $0x1  }
0x6: {  	s22 =	simm.s32 $0x6700;
	s23 =	simm.s32 $0x2;
	s24 =	simm.s32 $0x0  }
0x7: {  	s8 =	sand.u32 $0x1, s1;
	s1 =	rddreg [dreg:$0x4];
	s10 =	smul.u32 $0x1400, s0  }
0x8: {  	s5 =	sshll.u32 s0, $0x1;
	[smem:$0x7FF] =	sst s4;
	s14 =	smul.u32 $0x280, s0  }
0x9: {  	s6 =	sadd.s32 $0x5C00, s7;
	s30 =	sshll.u32 s0, $0x6;
	s11 =	smul.u32 $0x14000, s8  }
0xa: {  	s5 =	sor.u32 s8, s5;
	_ =	strace $0x80000050;
	s31 =	smul.u32 $0x2800, s8  }
0xb: {  	s15 =	ssub.s32 $0x2, s8;
	s8 =	sor.u32 $0x1C03, s30;
	s9 =	smul.u32 $0x4F0, s5  }
0xc: {  	s5 =	sadd.s32 $0x19E00, s7;
	s28 =	sshrl.u32 s10, $0x3;
	s16 =	sshrl.u32 s14, $0x3  }
0xd: {  	s17 =	sshrl.u32 s15, $0x1;
	s29 =	sadd.s32 s10, s2;
	s19 =	sadd.s32 s14, s3  }
0xe: {  	s11 =	sadd.s32 s10, s11;
	s16 =	sadd.s32 s16, s7;
	s15 =	ssub.s32 s15, s17  }
0xf: {  	s14 =	sadd.s32 s14, s31;
	s17 =	simm.s32 $0x2780;
	s12 =	sadd.s32 s9, s7  }
0x10: {  	s9 =	sadd.s32 s28, s7;
	s11 =	sshrl.u32 s11, $0x3;
	s14 =	sshrl.u32 s14, $0x3  }
0x11: {  	s18 =	sadd.s32 s11, s7;
	s7 =	sadd.s32 $0x1C600, s9;
	s9 =	sadd.s32 $0x10000, s12  }
0x12: {  	s10 =	sadd.s32 $0x6200, s12;
	s11 =	sadd.s32 $0x41E00, s16;
	s13 =	sadd.s32 s13, s14  }
0x13: {  	s14 =	smax.u32 s15, $0x1;
	s15 =	sshrl.u32 s29, $0x3;
	s16 =	simm.s32 $0x3  }
0x14: {  	s12 =	sadd.s32 $0x1EE00, s18;
	s18 =	sshrl.u32 s19, $0x3;
	s19 =	simm.s32 $0x80  }
.LBB2_1:
0x15: {  	[spmem:s15], [sflag:s8] =	dma.local [hbm:s7], $0x280  }
0x16: {  	_ =	swait.ge [sflag:s16], $0x280  }
0x17: {  	[sflag:s16] =	ssyncset.done $0x0  }
0x18: {  	[sflag:s16] =	ssyncadd.s32 $0xFFFFFD80  }
0x19: {  	[tilespmem:s4], [sflag:$0x3] =	stream.linear.gather [hbm4b:s9+s4], $0x2780, $0x38;
	[tilespmem:$0x6A00] =	vst v63  }
0x1a: {  	_ =	swait.ge [sflag:s16], $0x2780  }
0x1b: {  	[sflag:s16] =	ssyncset.done $0x0  }
0x1c: {  	[sflag:s16] =	ssyncadd.s32 $0xFFFFD880  }
0x1d: {  	[tilespmem:s17], [sflag:$0x3] =	stream.linear.gather [hbm4b:s10+s4], $0x2780, $0x38;
	[tilespmem:$0x6A00] =	vst v63  }
0x1e: {  	_ =	swait.ge [sflag:s16], $0x2780  }
0x1f: {  	[sflag:s16] =	ssyncset.done $0x0  }
0x20: {  	[sflag:s16] =	ssyncadd.s32 $0xFFFFD880  }
0x21: {  	[spmem:s18], [sflag:s8] =	dma.local [hbm:s11], $0x50  }
0x22: {  	_ =	swait.ge [sflag:s16], $0x50  }
0x23: {  	[sflag:s16] =	ssyncset.done $0x0  }
0x24: {  	[sflag:s16] =	ssyncadd.s32 $0xFFFFFFB0  }
0x25: {  	s25 =	simm.s32 $0x0;
	[bflag:$0x0] =	sbarrier.arrive $0xFFFF  }
0x26: {  	[tilespmem:s20], [sflag:$0x1] =	stream.indirect.gather [hbm4b:s5+s19], $0x8, s25, s19, $0xb8;
	[tilespmem:$0x6A00] =	vst v63  }
0x27: {  	_ =	swait.ge [sflag:s21], $0x400  }
0x28: {  	[sflag:s21] =	ssyncset.done $0x0  }
0x29: {  	[sflag:s21] =	ssyncadd.s32 $0xFFFFFC00  }
0x2a: {  	[tilespmem:s22], [sflag:$0x2] =	stream.indirect.gather [hbm4b:s6+s19], $0x1, s25, s19, $0xb8;
	[tilespmem:$0x6A00] =	vst v63  }
0x2b: {  	_ =	swait.ge [sflag:s23], $0x80  }
0x2c: {  	[sflag:s23] =	ssyncset.done $0x0  }
0x2d: {  	s31 =	simm.s32 $0x2780;
	[sflag:s23] =	ssyncadd.s32 $0xFFFFFF80  }
0x2e: {  	[spmem:s2] =	stream.indirect.scatter.add.f32 [tilespmem:s20], [sflag:$0x3], $0x8, s31, s19, $0xb8;
	[tilespmem:$0x6A00] =	vst v63  }
0x2f: {  	_ =	swait.ge [sflag:s16], $0x400  }
0x30: {  	[sflag:s16] =	ssyncset.done $0x0  }
0x31: {  	[sflag:s16] =	ssyncadd.s32 $0xFFFFFC00  }
0x32: {  	[spmem:s3] =	stream.indirect.scatter.add.f32 [tilespmem:s22], [sflag:$0x3], $0x1, s31, s19, $0xb8;
	[tilespmem:$0x6A00] =	vst v63  }
0x33: {  	_ =	swait.ge [sflag:s16], $0x80  }
0x34: {  	s26 =	simm.s32 $0x400;
	s25 =	simm.s32 $0x200;
	[sflag:s16] =	ssyncset.done $0x0  }
.LBB2_2:
0x35: {  	s28 =	sshra.s32 s25, $0x2  }
0x36: {  	[sflag:s16] =	ssyncadd.s32 $0xFFFFFF80;
	s25 =	smov.u32 s26;
	s29 =	sadd.s32 $0x200, s26  }
0x37: {  	[tilespmem:s20], [sflag:$0x1] =	stream.indirect.gather [hbm4b:s5+s19], $0x8, s28, s19, $0xb8;
	[tilespmem:$0x6A00] =	vst v63  }
0x38: {  	p0 =	sne.s32 s26, $0x9C00;
	_ =	swait.ge [sflag:s21], $0x400  }
0x39: {  	[sflag:s21] =	ssyncset.done $0x0  }
0x3a: {  	[sflag:s21] =	ssyncadd.s32 $0xFFFFFC00  }
0x3b: {  	[tilespmem:s22], [sflag:$0x2] =	stream.indirect.gather [hbm4b:s6+s19], $0x1, s28, s19, $0xb8;
	[tilespmem:$0x6A00] =	vst v63  }
0x3c: {  	_ =	swait.ge [sflag:s23], $0x80  }
0x3d: {  	[sflag:s23] =	ssyncset.done $0x0  }
0x3e: {  	s26 =	sadd.s32 $0x2780, s28;
	[sflag:s23] =	ssyncadd.s32 $0xFFFFFF80  }
0x3f: {  	[spmem:s2] =	stream.indirect.scatter.add.f32 [tilespmem:s20], [sflag:$0x3], $0x8, s26, s19, $0xb8;
	[tilespmem:$0x6A00] =	vst v63  }
0x40: {  	_ =	swait.ge [sflag:s16], $0x400  }
.Ltmp0:
0x41: {  	[sflag:s16] =	ssyncset.done $0x0;
	(pc) =	sbr.rel @p0 .LBB2_2-.Ltmp0, $4  }
0x42: {  	[sflag:s16] =	ssyncadd.s32 $0xFFFFFC00  }
0x43: {  	[spmem:s3] =	stream.indirect.scatter.add.f32 [tilespmem:s22], [sflag:$0x3], $0x1, s26, s19, $0xb8;
	[tilespmem:$0x6A00] =	vst v63  }
0x44: {  	_ =	swait.ge [sflag:s16], $0x80  }
0x45: {  	s26 =	smov.u32 s29;
	[sflag:s16] =	ssyncset.done $0x0  }
0x46: {  	s25 =	sshra.s32 s25, $0x2;
	[sflag:s16] =	ssyncadd.s32 $0xFFFFFF80  }
0x47: {  	[tilespmem:s20], [sflag:$0x1] =	stream.indirect.gather [hbm4b:s5+s19], $0x8, s25, s19, $0xb8;
	[tilespmem:$0x6A00] =	vst v63  }
0x48: {  	_ =	swait.ge [sflag:s21], $0x400  }
0x49: {  	[sflag:s21] =	ssyncset.done $0x0  }
0x4a: {  	[sflag:s21] =	ssyncadd.s32 $0xFFFFFC00  }
0x4b: {  	[tilespmem:s22], [sflag:$0x2] =	stream.indirect.gather [hbm4b:s6+s19], $0x1, s25, s19, $0xb8;
	[tilespmem:$0x6A00] =	vst v63  }
0x4c: {  	_ =	swait.ge [sflag:s23], $0x80  }
0x4d: {  	[sflag:s23] =	ssyncset.done $0x0  }
0x4e: {  	s25 =	sadd.s32 $0x2780, s25;
	[sflag:s23] =	ssyncadd.s32 $0xFFFFFF80  }
0x4f: {  	[spmem:s2] =	stream.indirect.scatter.add.f32 [tilespmem:s20], [sflag:$0x3], $0x8, s25, s19, $0xb8;
	[tilespmem:$0x6A00] =	vst v63  }
0x50: {  	_ =	swait.ge [sflag:s16], $0x400  }
0x51: {  	[sflag:s16] =	ssyncset.done $0x0  }
0x52: {  	[sflag:s16] =	ssyncadd.s32 $0xFFFFFC00  }
0x53: {  	[spmem:s3] =	stream.indirect.scatter.add.f32 [tilespmem:s22], [sflag:$0x3], $0x1, s25, s19, $0xb8;
	[tilespmem:$0x6A00] =	vst v63  }
0x54: {  	_ =	swait.ge [sflag:s16], $0x80  }
0x55: {  	[sflag:s16] =	ssyncset.done $0x0  }
0x56: {  	[sflag:s16] =	ssyncadd.s32 $0xFFFFFF80  }
0x57: {  	[bflag:$0x0] =	sbarrier.arrive $0xFFFF  }
0x58: {  	[hbm:s12], [sflag:s8] =	dma.local [spmem:s15], $0x280  }
0x59: {  	s24 =	sadd.s32 $0x1, s24;
	_ =	swait.ge [sflag:s16], $0x280  }
0x5a: {  	p0 =	sne.s32 s24, s14;
	[sflag:s16] =	ssyncset.done $0x0  }
.Ltmp1:
0x5b: {  	[sflag:s16] =	ssyncadd.s32 $0xFFFFFD80;
	(pc) =	sbr.rel @p0 .LBB2_1-.Ltmp1, $4  }
0x5c: {  	[hbm:s13], [sflag:s8] =	dma.local [spmem:s18], $0x50  }
0x5d: {  	_ =	swait.ge [sflag:s16], $0x50  }
0x5e: {  	[sflag:s16] =	ssyncset.done $0x0  }
0x5f: {  	[sflag:s16] =	ssyncadd.s32 $0xFFFFFFB0  }
0x60: {  	_ =	sfence.sel $0x180000  }
0x61: {  	[bflag:$0x0] =	sbarrier.arrive $0xFFFF  }
0x62: {  	p0 =	sne.s32 s0, $0x0;
	_ =	strace $0x90000050  }
0x63: {  	s0 =	sadd.s32 @!p0 $0x100000, s1;
	[bflag:$0x2] =	sbarrier.arrive $0xFFFF  }
0x64: {  	[sflag:s0] =	ssyncadd.tile.s32 @!p0 $0x1;
	_ =	shalt  }
.Lfunc_end2:
_tile_overlayer_lowered:
.L_overlay_start_2:
0x65: {  	(tag) =	ssettag $0x2  }
0x66: {  	s0 =	rddreg [dreg:$0x0];
	s2 =	stileid.u32  }
0x67: {  	s1 =	rddreg [dreg:$0x1];
	p0 =	sne.s32 s2, $0x0  }
0x68: {  	s3 =	rddreg [dreg:$0x2];
	[bflag:$0x3] =	sbarrier.arrive $0xFFFF;
	s2 =	simm.s32 @!p0 $0x1C03  }
0x69: {  	[timem:s3], [sflag:s2] =	dma.local @!p0 [hbm:s0], s1  }
0x6a: {  	s0 =	simm.s32 @!p0 $0x3  }
0x6b: {  	_ =	swait.ge @!p0 [sflag:s0], s1  }
0x6c: {  	s1 =	ssub.s32 @!p0 $0x0, s1;
	[sflag:s0] =	ssyncset.done @!p0 $0x0  }
0x6d: {  	[sflag:s0] =	ssyncadd.s32 @!p0 s1  }
0x6e: {  	[bflag:$0x3] =	sbarrier.arrive $0xFFFF  }
0x6f: {  	_ =	shalt  }

</sc_bundles>
